<compile_context>
chip_gen: v7x
topology: tpu7x:2x2x1
jax: 0.10.2.dev20260603
libtpu: 0.0.44.dev20260713+nightly
codegen_flags: <defaults>
</compile_context>

<pallas_src>
import functools

import jax
import jax.numpy as jnp
from jax import lax
from jax.experimental import pallas as pl
from jax.experimental.pallas import tpu as pltpu
from jax.experimental.pallas import tpu_sc as plsc

F32 = jnp.float32

BN1 = 512
BN3 = 512
C = 32


def _k1_body(tv_ref, win_ref, bin_ref, w0_ref, b0_ref, w1_ref, b1_ref,
             w2_ref, b2_ref, w1h_ref, pre_ref):
    V = tv_ref.shape[0]
    tv = tv_ref[...]
    w0 = w0_ref[...]
    w1 = w1_ref[...]
    w2 = w2_ref[...]
    b0 = b0_ref[...]
    b1 = b1_ref[...]
    b2 = b2_ref[...]
    bf = jnp.bfloat16
    w0b, w1b, w2b = w0.astype(bf), w1.astype(bf), w2.astype(bf)
    hi = [jnp.dot(tv[x].astype(bf), win_ref[x].astype(bf),
                  preferred_element_type=F32) + bin_ref[x]
          for x in range(V)]
    s = hi[0]
    for x in range(1, V):
        s = s + hi[x]
    inv = 1.0 / (V - 1)
    for x in range(V):
        hb = jnp.dot(hi[x].astype(bf), w0b, preferred_element_type=F32) + b0
        w1h_ref[x] = jnp.dot(hb.astype(bf), w1b, preferred_element_type=F32) + b1
        pre_ref[x] = hb + jnp.dot((s - hi[x]).astype(bf), w2b,
                                  preferred_element_type=F32) * inv + b2


def _k3_body(pre_ref, nbr_ref, scale_ref, out_ref):
    V = pre_ref.shape[0]
    acc = jnp.maximum(pre_ref[0] + nbr_ref[0].astype(F32), 0.0)
    for x in range(1, V):
        acc = acc + jnp.maximum(pre_ref[x] + nbr_ref[x].astype(F32), 0.0)
    out_ref[...] = acc * scale_ref[...]


def _make_sc_gather(n_rows, n_pad_per_view, stride, hid, n_view):
    info = plsc.get_sparse_core_info()
    nc, ns, nl = info.num_cores, info.num_subcores, info.num_lanes
    nw = nc * ns
    nt = n_view * n_pad_per_view
    per_w = nt // nw
    n_chunk = per_w // C
    assert per_w % C == 0 and nt % nw == 0
    lane_groups = hid // nl

    assert n_chunk % 2 == 0
    mesh = plsc.VectorSubcoreMesh(core_axis_name="c", subcore_axis_name="s")

    @functools.partial(
        pl.kernel,
        mesh=mesh,
        out_type=jax.ShapeDtypeStruct((nt, hid), F32),
        scratch_types=[
            pltpu.VMEM((stride * C,), jnp.int32),
            pltpu.VMEM((stride * C,), jnp.int32),
            pltpu.VMEM((stride * C, hid), F32),
            pltpu.VMEM((stride * C, hid), F32),
            pltpu.VMEM((C, hid), F32),
            pltpu.VMEM((C, hid), F32),
            pltpu.VMEM((stride * nl,), F32),
            pltpu.SemaphoreType.DMA,
            pltpu.SemaphoreType.DMA,
            pltpu.SemaphoreType.DMA,
            pltpu.SemaphoreType.DMA,
            pltpu.SemaphoreType.DMA,
            pltpu.SemaphoreType.DMA,
        ],
    )
    def sc_gather(table_hbm, idx_hbm, w_hbm, nbr_hbm,
                  idx_v0, idx_v1, g_v0, g_v1, out_v0, out_v1, w_v,
                  sem_i0, sem_i1, sem_g0, sem_g1, sem_o0, sem_o1):
        idx_b = (idx_v0, idx_v1)
        g_b = (g_v0, g_v1)
        out_b = (out_v0, out_v1)
        sem_i = (sem_i0, sem_i1)
        sem_g = (sem_g0, sem_g1)
        sem_o = (sem_o0, sem_o1)
        wid = lax.axis_index("s") * nc + lax.axis_index("c")
        base0 = wid * per_w
        pltpu.sync_copy(w_hbm, w_v)
        wvecs = [w_v[pl.ds(j * nl, nl)] for j in range(stride)]

        def idx_copy(ci, b):
            return pltpu.make_async_copy(
                idx_hbm.at[pl.ds((base0 + ci * C) * stride, stride * C)],
                idx_b[b], sem_i[b])

        n_gath = 2
        rows_per_gath = stride * C // n_gath
        assert stride * C % n_gath == 0 and rows_per_gath <= 128

        def gather_copy(b, j):
            return pltpu.make_async_copy(
                table_hbm.at[idx_b[b].at[pl.ds(j * rows_per_gath,
                                               rows_per_gath)]],
                g_b[b].at[pl.ds(j * rows_per_gath, rows_per_gath)],
                sem_g[b])

        def out_copy(ci, b):
            return pltpu.make_async_copy(
                out_b[b], nbr_hbm.at[pl.ds(base0 + ci * C, C)], sem_o[b])

        def fire_gathers(ci, b):
            off = ((base0 + ci * C) // n_pad_per_view) * n_rows
            for t in range(stride * C // nl):
                sl = pl.ds(t * nl, nl)
                idx_b[b][sl] = idx_b[b][sl] + off
            for j in range(n_gath):
                gather_copy(b, j).start()

        idx_copy(0, 0).start()
        idx_copy(0, 0).wait()
        fire_gathers(0, 0)
        idx_copy(1, 1).start()

        def chunk_step(ci, b):
            for j in range(n_gath):
                gather_copy(b, j).wait()

            @pl.when(ci + 1 < n_chunk)
            def _fire_next():
                idx_copy(ci + 1, 1 - b).wait()
                fire_gathers(ci + 1, 1 - b)

            @pl.when(ci + 2 < n_chunk)
            def _prefetch_idx():
                idx_copy(ci + 2, b).start()

            @pl.when(ci >= 2)
            def _drain_out():
                out_copy(ci - 2, b).wait()

            def row_body(r, carry2):
                for li in range(lane_groups):
                    sl = pl.ds(li * nl, nl)
                    acc = g_b[b][r, sl] * wvecs[0]
                    for j in range(1, stride):
                        acc = acc + g_b[b][j * C + r, sl] * wvecs[j]
                    out_b[b][r, sl] = acc
                return carry2

            lax.fori_loop(0, C, row_body, 0)
            out_copy(ci, b).start()

        def group_body(gi, carry):
            for b in range(2):
                chunk_step(gi * 2 + b, b)
            return carry

        lax.fori_loop(0, n_chunk // 2, group_body, 0)
        out_copy(n_chunk - 2, 0).wait()
        out_copy(n_chunk - 1, 1).wait()

    return sc_gather


def kernel(train_view, k, edge_inx_list, update_epoch, alpha_list, Win, b_in,
           W0, b0, W1, b1, W2, b2):
    V, N, D = train_view.shape
    HID = W0.shape[0]
    STRIDE = edge_inx_list.shape[2] // N

    grid1 = pl.cdiv(N, BN1)
    w1h, pre = pl.pallas_call(
        _k1_body,
        grid=(grid1,),
        in_specs=[
            pl.BlockSpec((V, BN1, D), lambda i: (0, i, 0)),
            pl.BlockSpec((V, D, HID), lambda i: (0, 0, 0)),
            pl.BlockSpec((V, 1, HID), lambda i: (0, 0, 0)),
            pl.BlockSpec((HID, HID), lambda i: (0, 0)),
            pl.BlockSpec((1, HID), lambda i: (0, 0)),
            pl.BlockSpec((HID, HID), lambda i: (0, 0)),
            pl.BlockSpec((1, HID), lambda i: (0, 0)),
            pl.BlockSpec((HID, HID), lambda i: (0, 0)),
            pl.BlockSpec((1, HID), lambda i: (0, 0)),
        ],
        out_specs=[
            pl.BlockSpec((V, BN1, HID), lambda i: (0, i, 0)),
            pl.BlockSpec((V, BN1, HID), lambda i: (0, i, 0)),
        ],
        out_shape=[
            jax.ShapeDtypeStruct((V, N, HID), F32),
            jax.ShapeDtypeStruct((V, N, HID), F32),
        ],
    )(train_view, Win, b_in.reshape(V, 1, HID), W0, b0.reshape(1, HID),
      W1, b1.reshape(1, HID), W2, b2.reshape(1, HID))

    table = w1h.reshape(V * N, HID)

    info = plsc.get_sparse_core_info()
    nw = info.num_cores * info.num_subcores
    unit = nw * C
    NPAD = pl.cdiv(N, unit) * unit
    nb = edge_inx_list[:, 1, :].reshape(V, N, STRIDE).astype(jnp.int32)
    nbT = jnp.transpose(nb, (2, 0, 1))
    idx_flat = jnp.pad(nbT, ((0, 0), (0, 0), (0, NPAD - N))).reshape(
        STRIDE, V * NPAD)
    n_chunk = (V * NPAD) // (nw * C)
    idx_chunks = idx_flat.reshape(STRIDE, nw, n_chunk, C).transpose(
        1, 2, 0, 3).reshape(-1)

    kf = jnp.asarray(k, F32)
    wslot = jnp.where(jnp.arange(STRIDE) < k,
                      1.0 / jnp.maximum(kf, 1.0), 0.0).astype(F32)
    wmat = jnp.broadcast_to(wslot[:, None], (STRIDE, 16)).reshape(-1)

    sc = _make_sc_gather(N, NPAD, STRIDE, HID, V)
    nbr = sc(table, idx_chunks, wmat).reshape(V, NPAD, HID)

    gate = (jnp.asarray(update_epoch) > 0).astype(F32) / V
    scale_row = jnp.broadcast_to(gate, (1, HID)).astype(F32)
    grid3 = pl.cdiv(N, BN3)
    out = pl.pallas_call(
        _k3_body,
        grid=(grid3,),
        in_specs=[
            pl.BlockSpec((V, BN3, HID), lambda i: (0, i, 0)),
            pl.BlockSpec((V, BN3, HID), lambda i: (0, i, 0)),
            pl.BlockSpec((1, HID), lambda i: (0, 0)),
        ],
        out_specs=pl.BlockSpec((BN3, HID), lambda i: (i, 0)),
        out_shape=jax.ShapeDtypeStruct((N, HID), F32),
    )(pre, nbr, scale_row)
    return out

# --- scband reference (transcript-rebuilt; emitter-appended) ---
"""Pipeline reference for scband-update-h-net-7395933684257 (READ-ONLY COPY).

The authoritative reference and input builder live on the scoring server;
editing this copy changes nothing except your own understanding.
"""

import jax, jax.numpy as jnp
import numpy as np

V = 3
N = 100000
D = 128
HID = 256
STRIDE = 5

def setup_inputs(seed: int = 0):
    key = jax.random.key(seed)
    ks = jax.random.split(key, 10)
    inp = {}
    inp["train_view"] = jax.random.normal(ks[0], (V, N, D), dtype=jnp.float32)
    inp["k"] = 5
    inp["edge_inx_list"] = jax.random.randint(ks[1], (V, 2, N * STRIDE), 0, N)
    inp["update_epoch"] = 2
    inp["alpha_list"] = jax.random.normal(ks[2], (V,), dtype=jnp.float32)
    inp["Win"] = jax.random.normal(ks[3], (V, D, HID), dtype=jnp.float32) * (1.0 / np.sqrt(D))
    inp["b_in"] = jnp.zeros((V, HID), dtype=jnp.float32)
    inp["W0"] = jax.random.normal(ks[4], (HID, HID), dtype=jnp.float32) * (1.0 / np.sqrt(HID))
    inp["b0"] = jnp.zeros((HID,), dtype=jnp.float32)
    inp["W1"] = jax.random.normal(ks[5], (HID, HID), dtype=jnp.float32) * (1.0 / np.sqrt(HID))
    inp["b1"] = jnp.zeros((HID,), dtype=jnp.float32)
    inp["W2"] = jax.random.normal(ks[6], (HID, HID), dtype=jnp.float32) * (1.0 / np.sqrt(HID))
    inp["b2"] = jnp.zeros((HID,), dtype=jnp.float32)
    return inp

def _forward(train_view, k, edge_inx_list, update_epoch, alpha_list, Win, b_in, W0, b0, W1, b1, W2, b2):
    Vn = train_view.shape[0]
    # per-view input projections (self.H_ins)
    h_init_list = [train_view[x] @ Win[x] + b_in[x] for x in range(Vn)]
    slot_mask = (jnp.arange(STRIDE) < k).astype(jnp.float32)  # [STRIDE]
    h_final_list = []
    for x in range(Vn):
        # forward indexes edge_inx[1][i*5+j]: 5 neighbor slots per node, first k used
        nb = edge_inx_list[x][1].reshape(-1, STRIDE)  # [N, STRIDE]
        # cross-view self aggregation over the other views
        h_self = jnp.zeros_like(h_init_list[x])
        for j in range(Vn):
            if j != x:
                h_self = h_self + (h_init_list[j] @ W2 + b2)
        h_init_x = h_init_list[x]

        def epoch_body(_, carry):
            h = h_init_x @ W0 + b0
            # w1(h[idx]) == (h @ W1 + b1)[idx]; compute once then gather (SparseCore-friendly)
            w1h = h @ W1 + b1
            h_neighbor = (jnp.take(w1h, nb, axis=0) * slot_mask[None, :, None]).sum(axis=1) / k
            h = h + h_neighbor
            h = h + h_self / (Vn - 1)
            return jax.nn.relu(h)

        train_ins = jax.lax.fori_loop(
            0, update_epoch, epoch_body, jnp.zeros_like(h_init_x)
        )
        h_final_list.append(train_ins)
    # final average over views (uninitialized torch.Tensor accumulator treated as zeros)
    h_out = jnp.zeros_like(h_final_list[0])
    for t in h_final_list:
        h_out = h_out + t
    return h_out / float(len(h_final_list))

def reference(train_view, k, edge_inx_list, update_epoch, alpha_list, Win, b_in, W0, b0, W1, b1, W2, b2):
    return _forward(train_view, k, edge_inx_list, update_epoch, alpha_list, Win, b_in, W0, b0, W1, b1, W2, b2)

if __name__ == "__main__":
    import jax
    _d = setup_inputs()
    print(jax.jit(kernel)(*tuple(_d.values())))

</pallas_src>

<mosaic_0001>
#map = affine_map<(d0, d1) -> (0, 0)>
#map1 = affine_map<(d0, d1) -> (0)>
module attributes {stable_mosaic.version = 14 : i64} {
  func.func @sc_gather(%arg0: i32, %arg1: i32, %arg2: memref<300000x256xf32, #tpu.memory_space<hbm>>, %arg3: memref<1505280xi32, #tpu.memory_space<hbm>>, %arg4: memref<80xf32, #tpu.memory_space<hbm>>, %arg5: memref<301056x256xf32, #tpu.memory_space<hbm>>, %arg6: memref<160xi32, #tpu.memory_space<vmem>>, %arg7: memref<160xi32, #tpu.memory_space<vmem>>, %arg8: memref<160x256xf32, #tpu.memory_space<vmem>>, %arg9: memref<160x256xf32, #tpu.memory_space<vmem>>, %arg10: memref<32x256xf32, #tpu.memory_space<vmem>>, %arg11: memref<32x256xf32, #tpu.memory_space<vmem>>, %arg12: memref<80xf32, #tpu.memory_space<vmem>>, %arg13: memref<!tpu.dma_semaphore, #tpu.memory_space<semaphore_mem>>, %arg14: memref<!tpu.dma_semaphore, #tpu.memory_space<semaphore_mem>>, %arg15: memref<!tpu.dma_semaphore, #tpu.memory_space<semaphore_mem>>, %arg16: memref<!tpu.dma_semaphore, #tpu.memory_space<semaphore_mem>>, %arg17: memref<!tpu.dma_semaphore, #tpu.memory_space<semaphore_mem>>, %arg18: memref<!tpu.dma_semaphore, #tpu.memory_space<semaphore_mem>>) attributes {dimension_semantics = [#tpu.dimension_semantics<core_parallel>, #tpu.dimension_semantics<subcore_parallel>], iteration_bounds = array<i64: 2, 16>, scalar_prefetch = 0 : i64, scratch_operands = 13 : i64, tpu.core_type = #tpu.core_type<sc_vector_subcore>, window_params = [{transform_indices = #map}, {transform_indices = #map1}, {transform_indices = #map1}, {transform_indices = #map}]} {
    %mul3A = arith.constant 2 : i32
    %mul3A_0 = arith.muli %arg1, %mul3A : i32
    %add3A = arith.addi %mul3A_0, %arg0 : i32
    %mul3A_1 = arith.constant 9408 : i32
    %mul3A_2 = arith.muli %add3A, %mul3A_1 : i32
    "tpu.region"() ({
      %run_scoped3A = tpu.sem_alloc : memref<!tpu.dma_semaphore, #tpu.memory_space<semaphore_mem>>
      tpu.enqueue_dma source(%arg4 : memref<80xf32, #tpu.memory_space<hbm>>) target(%arg12 : memref<80xf32, #tpu.memory_space<vmem>>) target_semaphore(%run_scoped3A : memref<!tpu.dma_semaphore, #tpu.memory_space<semaphore_mem>>)
      tpu.wait_dma2 semaphore(%run_scoped3A : memref<!tpu.dma_semaphore, #tpu.memory_space<semaphore_mem>>) src(%arg4 : memref<80xf32, #tpu.memory_space<hbm>>) dst(%arg12 : memref<80xf32, #tpu.memory_space<vmem>>)
      tpu.yield
    }) : () -> ()
    %get3A = arith.constant 0 : index
    %get3A_3 = tpu.vector_load %arg12[%get3A] {strides = array<i32>} : memref<80xf32, #tpu.memory_space<vmem>>, vector<16xf32>,
    %get3A_4 = vector.shape_cast %get3A_3 : vector<16xf32> to vector<16xf32>
    %get3A_5 = arith.constant 16 : index
    %get3A_6 = tpu.vector_load %arg12[%get3A_5] {strides = array<i32>} : memref<80xf32, #tpu.memory_space<vmem>>, vector<16xf32>,
    %get3A_7 = vector.shape_cast %get3A_6 : vector<16xf32> to vector<16xf32>
    %get3A_8 = arith.constant 32 : index
    %get3A_9 = tpu.vector_load %arg12[%get3A_8] {strides = array<i32>} : memref<80xf32, #tpu.memory_space<vmem>>, vector<16xf32>,
    %get3A_10 = vector.shape_cast %get3A_9 : vector<16xf32> to vector<16xf32>
    %get3A_11 = arith.constant 48 : index
    %get3A_12 = tpu.vector_load %arg12[%get3A_11] {strides = array<i32>} : memref<80xf32, #tpu.memory_space<vmem>>, vector<16xf32>,
    %get3A_13 = vector.shape_cast %get3A_12 : vector<16xf32> to vector<16xf32>
    %get3A_14 = arith.constant 64 : index
    %get3A_15 = tpu.vector_load %arg12[%get3A_14] {strides = array<i32>} : memref<80xf32, #tpu.memory_space<vmem>>, vector<16xf32>,
    %get3A_16 = vector.shape_cast %get3A_15 : vector<16xf32> to vector<16xf32>
    %add3A_17 = arith.constant 0 : i32
    %add3A_18 = arith.addi %mul3A_2, %add3A_17 : i32
    %mul3A_19 = arith.constant 5 : i32
    %mul3A_20 = arith.muli %add3A_18, %mul3A_19 : i32
    %dma_start3A = tpu.memref_slice %arg3[%mul3A_20] : memref<1505280xi32, #tpu.memory_space<hbm>> -> memref<160xi32, #tpu.memory_space<hbm>>
    %dma_start3A_21 = tpu.memref_slice %arg3[%mul3A_20] : memref<1505280xi32, #tpu.memory_space<hbm>> -> memref<160xi32, #tpu.memory_space<hbm>>
    tpu.enqueue_dma source(%dma_start3A_21 : memref<160xi32, #tpu.memory_space<hbm>>) target(%arg6 : memref<160xi32, #tpu.memory_space<vmem>>) target_semaphore(%arg13 : memref<!tpu.dma_semaphore, #tpu.memory_space<semaphore_mem>>)
    %add3A_22 = arith.constant 0 : i32
    %add3A_23 = arith.addi %mul3A_2, %add3A_22 : i32
    %mul3A_24 = arith.constant 5 : i32
    %mul3A_25 = arith.muli %add3A_23, %mul3A_24 : i32
    %dma_wait3A = tpu.memref_slice %arg3[%mul3A_25] : memref<1505280xi32, #tpu.memory_space<hbm>> -> memref<160xi32, #tpu.memory_space<hbm>>
    %dma_wait3A_26 = tpu.memref_slice %arg3[%mul3A_25] : memref<1505280xi32, #tpu.memory_space<hbm>> -> memref<160xi32, #tpu.memory_space<hbm>>
    tpu.wait_dma2 semaphore(%arg13 : memref<!tpu.dma_semaphore, #tpu.memory_space<semaphore_mem>>) src(%dma_wait3A_26 : memref<160xi32, #tpu.memory_space<hbm>>) dst(%arg6 : memref<160xi32, #tpu.memory_space<vmem>>)
    %add3A_27 = arith.constant 0 : i32
    %add3A_28 = arith.addi %mul3A_2, %add3A_27 : i32
    %jit3A = arith.constant 100352 : i32
    %div3A = arith.divsi %add3A_28, %jit3A : i32
    %sign3A = arith.constant 0 : i32
    %sign3A_29 = arith.cmpi sgt, %add3A_28, %sign3A : i32
    %sign3A_30 = arith.extui %sign3A_29 : i1 to i32
    %sign3A_31 = arith.constant 0 : i32
    %sign3A_32 = arith.cmpi slt, %add3A_28, %sign3A_31 : i32
    %sign3A_33 = arith.extui %sign3A_32 : i1 to i32
    %sign3A_34 = arith.subi %sign3A_30, %sign3A_33 : i32
    %sign3A_35 = arith.constant 0 : i32
    %sign3A_36 = arith.cmpi sgt, %jit3A, %sign3A_35 : i32
    %sign3A_37 = arith.extui %sign3A_36 : i1 to i32
    %sign3A_38 = arith.constant 0 : i32
    %sign3A_39 = arith.cmpi slt, %jit3A, %sign3A_38 : i32
    %sign3A_40 = arith.extui %sign3A_39 : i1 to i32
    %sign3A_41 = arith.subi %sign3A_37, %sign3A_40 : i32
    %ne3A = arith.cmpi ne, %sign3A_34, %sign3A_41 : i32
    %rem3A = arith.remsi %add3A_28, %jit3A : i32
    %ne3A_42 = arith.constant 0 : i32
    %ne3A_43 = arith.cmpi ne, %rem3A, %ne3A_42 : i32
    %and3A = arith.andi %ne3A, %ne3A_43 : i1
    %sub3A = arith.constant 1 : i32
    %sub3A_44 = arith.subi %div3A, %sub3A : i32
    %select_n3A = arith.select %and3A, %sub3A_44, %div3A : i32
    %mul3A_45 = arith.constant 100000 : i32
    %mul3A_46 = arith.muli %select_n3A, %mul3A_45 : i32
    %get3A_47 = arith.constant 0 : index
    %get3A_48 = tpu.vector_load %arg6[%get3A_47] {strides = array<i32>} : memref<160xi32, #tpu.memory_space<vmem>>, vector<16xi32>,
    %get3A_49 = vector.shape_cast %get3A_48 : vector<16xi32> to vector<16xi32>
    %add3A_50 = vector.broadcast %mul3A_46 : i32 to vector<16xi32>
    %add3A_51 = arith.addi %get3A_49, %add3A_50 : vector<16xi32>
    %swap3A = arith.constant 0 : index
    %swap3A_52 = tpu.vector_load %arg6[%swap3A] {strides = array<i32>} : memref<160xi32, #tpu.memory_space<vmem>>, vector<16xi32>,
    %swap3A_53 = vector.shape_cast %swap3A_52 : vector<16xi32> to vector<16xi32>
    %swap3A_54 = vector.shape_cast %add3A_51 : vector<16xi32> to vector<16xi32>
    tpu.vector_store %arg6[%swap3A], %swap3A_54 {strides = array<i32>} : memref<160xi32, #tpu.memory_space<vmem>>, vector<16xi32>,
    %get3A_55 = arith.constant 16 : index
    %get3A_56 = tpu.vector_load %arg6[%get3A_55] {strides = array<i32>} : memref<160xi32, #tpu.memory_space<vmem>>, vector<16xi32>,
    %get3A_57 = vector.shape_cast %get3A_56 : vector<16xi32> to vector<16xi32>
    %add3A_58 = vector.broadcast %mul3A_46 : i32 to vector<16xi32>
    %add3A_59 = arith.addi %get3A_57, %add3A_58 : vector<16xi32>
    %swap3A_60 = arith.constant 16 : index
    %swap3A_61 = tpu.vector_load %arg6[%swap3A_60] {strides = array<i32>} : memref<160xi32, #tpu.memory_space<vmem>>, vector<16xi32>,
    %swap3A_62 = vector.shape_cast %swap3A_61 : vector<16xi32> to vector<16xi32>
    %swap3A_63 = vector.shape_cast %add3A_59 : vector<16xi32> to vector<16xi32>
    tpu.vector_store %arg6[%swap3A_60], %swap3A_63 {strides = array<i32>} : memref<160xi32, #tpu.memory_space<vmem>>, vector<16xi32>,
    %get3A_64 = arith.constant 32 : index
    %get3A_65 = tpu.vector_load %arg6[%get3A_64] {strides = array<i32>} : memref<160xi32, #tpu.memory_space<vmem>>, vector<16xi32>,
    %get3A_66 = vector.shape_cast %get3A_65 : vector<16xi32> to vector<16xi32>
    %add3A_67 = vector.broadcast %mul3A_46 : i32 to vector<16xi32>
    %add3A_68 = arith.addi %get3A_66, %add3A_67 : vector<16xi32>
    %swap3A_69 = arith.constant 32 : index
    %swap3A_70 = tpu.vector_load %arg6[%swap3A_69] {strides = array<i32>} : memref<160xi32, #tpu.memory_space<vmem>>, vector<16xi32>,
    %swap3A_71 = vector.shape_cast %swap3A_70 : vector<16xi32> to vector<16xi32>
    %swap3A_72 = vector.shape_cast %add3A_68 : vector<16xi32> to vector<16xi32>
    tpu.vector_store %arg6[%swap3A_69], %swap3A_72 {strides = array<i32>} : memref<160xi32, #tpu.memory_space<vmem>>, vector<16xi32>,
    %get3A_73 = arith.constant 48 : index
    %get3A_74 = tpu.vector_load %arg6[%get3A_73] {strides = array<i32>} : memref<160xi32, #tpu.memory_space<vmem>>, vector<16xi32>,
    %get3A_75 = vector.shape_cast %get3A_74 : vector<16xi32> to vector<16xi32>
    %add3A_76 = vector.broadcast %mul3A_46 : i32 to vector<16xi32>
    %add3A_77 = arith.addi %get3A_75, %add3A_76 : vector<16xi32>
    %swap3A_78 = arith.constant 48 : index
    %swap3A_79 = tpu.vector_load %arg6[%swap3A_78] {strides = array<i32>} : memref<160xi32, #tpu.memory_space<vmem>>, vector<16xi32>,
    %swap3A_80 = vector.shape_cast %swap3A_79 : vector<16xi32> to vector<16xi32>
    %swap3A_81 = vector.shape_cast %add3A_77 : vector<16xi32> to vector<16xi32>
    tpu.vector_store %arg6[%swap3A_78], %swap3A_81 {strides = array<i32>} : memref<160xi32, #tpu.memory_space<vmem>>, vector<16xi32>,
    %get3A_82 = arith.constant 64 : index
    %get3A_83 = tpu.vector_load %arg6[%get3A_82] {strides = array<i32>} : memref<160xi32, #tpu.memory_space<vmem>>, vector<16xi32>,
    %get3A_84 = vector.shape_cast %get3A_83 : vector<16xi32> to vector<16xi32>
    %add3A_85 = vector.broadcast %mul3A_46 : i32 to vector<16xi32>
    %add3A_86 = arith.addi %get3A_84, %add3A_85 : vector<16xi32>
    %swap3A_87 = arith.constant 64 : index
    %swap3A_88 = tpu.vector_load %arg6[%swap3A_87] {strides = array<i32>} : memref<160xi32, #tpu.memory_space<vmem>>, vector<16xi32>,
    %swap3A_89 = vector.shape_cast %swap3A_88 : vector<16xi32> to vector<16xi32>
    %swap3A_90 = vector.shape_cast %add3A_86 : vector<16xi32> to vector<16xi32>
    tpu.vector_store %arg6[%swap3A_87], %swap3A_90 {strides = array<i32>} : memref<160xi32, #tpu.memory_space<vmem>>, vector<16xi32>,
    %get3A_91 = arith.constant 80 : index
    %get3A_92 = tpu.vector_load %arg6[%get3A_91] {strides = array<i32>} : memref<160xi32, #tpu.memory_space<vmem>>, vector<16xi32>,
    %get3A_93 = vector.shape_cast %get3A_92 : vector<16xi32> to vector<16xi32>
    %add3A_94 = vector.broadcast %mul3A_46 : i32 to vector<16xi32>
    %add3A_95 = arith.addi %get3A_93, %add3A_94 : vector<16xi32>
    %swap3A_96 = arith.constant 80 : index
    %swap3A_97 = tpu.vector_load %arg6[%swap3A_96] {strides = array<i32>} : memref<160xi32, #tpu.memory_space<vmem>>, vector<16xi32>,
    %swap3A_98 = vector.shape_cast %swap3A_97 : vector<16xi32> to vector<16xi32>
    %swap3A_99 = vector.shape_cast %add3A_95 : vector<16xi32> to vector<16xi32>
    tpu.vector_store %arg6[%swap3A_96], %swap3A_99 {strides = array<i32>} : memref<160xi32, #tpu.memory_space<vmem>>, vector<16xi32>,
    %get3A_100 = arith.constant 96 : index
    %get3A_101 = tpu.vector_load %arg6[%get3A_100] {strides = array<i32>} : memref<160xi32, #tpu.memory_space<vmem>>, vector<16xi32>,
    %get3A_102 = vector.shape_cast %get3A_101 : vector<16xi32> to vector<16xi32>
    %add3A_103 = vector.broadcast %mul3A_46 : i32 to vector<16xi32>
    %add3A_104 = arith.addi %get3A_102, %add3A_103 : vector<16xi32>
    %swap3A_105 = arith.constant 96 : index
    %swap3A_106 = tpu.vector_load %arg6[%swap3A_105] {strides = array<i32>} : memref<160xi32, #tpu.memory_space<vmem>>, vector<16xi32>,
    %swap3A_107 = vector.shape_cast %swap3A_106 : vector<16xi32> to vector<16xi32>
    %swap3A_108 = vector.shape_cast %add3A_104 : vector<16xi32> to vector<16xi32>
    tpu.vector_store %arg6[%swap3A_105], %swap3A_108 {strides = array<i32>} : memref<160xi32, #tpu.memory_space<vmem>>, vector<16xi32>,
    %get3A_109 = arith.constant 112 : index
    %get3A_110 = tpu.vector_load %arg6[%get3A_109] {strides = array<i32>} : memref<160xi32, #tpu.memory_space<vmem>>, vector<16xi32>,
    %get3A_111 = vector.shape_cast %get3A_110 : vector<16xi32> to vector<16xi32>
    %add3A_112 = vector.broadcast %mul3A_46 : i32 to vector<16xi32>
    %add3A_113 = arith.addi %get3A_111, %add3A_112 : vector<16xi32>
    %swap3A_114 = arith.constant 112 : index
    %swap3A_115 = tpu.vector_load %arg6[%swap3A_114] {strides = array<i32>} : memref<160xi32, #tpu.memory_space<vmem>>, vector<16xi32>,
    %swap3A_116 = vector.shape_cast %swap3A_115 : vector<16xi32> to vector<16xi32>
    %swap3A_117 = vector.shape_cast %add3A_113 : vector<16xi32> to vector<16xi32>
    tpu.vector_store %arg6[%swap3A_114], %swap3A_117 {strides = array<i32>} : memref<160xi32, #tpu.memory_space<vmem>>, vector<16xi32>,
    %get3A_118 = arith.constant 128 : index
    %get3A_119 = tpu.vector_load %arg6[%get3A_118] {strides = array<i32>} : memref<160xi32, #tpu.memory_space<vmem>>, vector<16xi32>,
    %get3A_120 = vector.shape_cast %get3A_119 : vector<16xi32> to vector<16xi32>
    %add3A_121 = vector.broadcast %mul3A_46 : i32 to vector<16xi32>
    %add3A_122 = arith.addi %get3A_120, %add3A_121 : vector<16xi32>
    %swap3A_123 = arith.constant 128 : index
    %swap3A_124 = tpu.vector_load %arg6[%swap3A_123] {strides = array<i32>} : memref<160xi32, #tpu.memory_space<vmem>>, vector<16xi32>,
    %swap3A_125 = vector.shape_cast %swap3A_124 : vector<16xi32> to vector<16xi32>
    %swap3A_126 = vector.shape_cast %add3A_122 : vector<16xi32> to vector<16xi32>
    tpu.vector_store %arg6[%swap3A_123], %swap3A_126 {strides = array<i32>} : memref<160xi32, #tpu.memory_space<vmem>>, vector<16xi32>,
    %get3A_127 = arith.constant 144 : index
    %get3A_128 = tpu.vector_load %arg6[%get3A_127] {strides = array<i32>} : memref<160xi32, #tpu.memory_space<vmem>>, vector<16xi32>,
    %get3A_129 = vector.shape_cast %get3A_128 : vector<16xi32> to vector<16xi32>
    %add3A_130 = vector.broadcast %mul3A_46 : i32 to vector<16xi32>
    %add3A_131 = arith.addi %get3A_129, %add3A_130 : vector<16xi32>
    %swap3A_132 = arith.constant 144 : index
    %swap3A_133 = tpu.vector_load %arg6[%swap3A_132] {strides = array<i32>} : memref<160xi32, #tpu.memory_space<vmem>>, vector<16xi32>,
    %swap3A_134 = vector.shape_cast %swap3A_133 : vector<16xi32> to vector<16xi32>
    %swap3A_135 = vector.shape_cast %add3A_131 : vector<16xi32> to vector<16xi32>
    tpu.vector_store %arg6[%swap3A_132], %swap3A_135 {strides = array<i32>} : memref<160xi32, #tpu.memory_space<vmem>>, vector<16xi32>,
    %dma_start3A_136 = arith.constant 0 : i32
    %dma_start3A_137 = arith.constant 0 : i32
    %dma_start3A_138 = tpu.memref_slice %arg8[%dma_start3A_136, %dma_start3A_137] : memref<160x256xf32, #tpu.memory_space<vmem>> -> memref<80x256xf32, #tpu.memory_space<vmem>>
    %dma_start3A_139 = arith.constant 0 : i32
    %dma_start3A_140 = tpu.memref_slice %arg6[%dma_start3A_139] : memref<160xi32, #tpu.memory_space<vmem>> -> memref<80xi32, #tpu.memory_space<vmem>>
    %dma_start3A_141 = arith.constant 0 : i32
    %dma_start3A_142 = arith.constant 0 : i32
    %dma_start3A_143 = tpu.memref_slice %arg2[%dma_start3A_141, %dma_start3A_142] : memref<300000x256xf32, #tpu.memory_space<hbm>> -> memref<300000x256xf32, #tpu.memory_space<hbm>>
    tpu.enqueue_indirect_dma source(%dma_start3A_143 : memref<300000x256xf32, #tpu.memory_space<hbm>>) target(%dma_start3A_138 : memref<80x256xf32, #tpu.memory_space<vmem>>) offsets(%dma_start3A_140 : memref<80xi32, #tpu.memory_space<vmem>>) semaphore(%arg15 : memref<!tpu.dma_semaphore, #tpu.memory_space<semaphore_mem>>)
    %dma_start3A_144 = arith.constant 80 : i32
    %dma_start3A_145 = arith.constant 0 : i32
    %dma_start3A_146 = tpu.memref_slice %arg8[%dma_start3A_144, %dma_start3A_145] : memref<160x256xf32, #tpu.memory_space<vmem>> -> memref<80x256xf32, #tpu.memory_space<vmem>>
    %dma_start3A_147 = arith.constant 80 : i32
    %dma_start3A_148 = tpu.memref_slice %arg6[%dma_start3A_147] : memref<160xi32, #tpu.memory_space<vmem>> -> memref<80xi32, #tpu.memory_space<vmem>>
    %dma_start3A_149 = arith.constant 0 : i32
    %dma_start3A_150 = arith.constant 0 : i32
    %dma_start3A_151 = tpu.memref_slice %arg2[%dma_start3A_149, %dma_start3A_150] : memref<300000x256xf32, #tpu.memory_space<hbm>> -> memref<300000x256xf32, #tpu.memory_space<hbm>>
    tpu.enqueue_indirect_dma source(%dma_start3A_151 : memref<300000x256xf32, #tpu.memory_space<hbm>>) target(%dma_start3A_146 : memref<80x256xf32, #tpu.memory_space<vmem>>) offsets(%dma_start3A_148 : memref<80xi32, #tpu.memory_space<vmem>>) semaphore(%arg15 : memref<!tpu.dma_semaphore, #tpu.memory_space<semaphore_mem>>)
    %add3A_152 = arith.constant 32 : i32
    %add3A_153 = arith.addi %mul3A_2, %add3A_152 : i32
    %mul3A_154 = arith.constant 5 : i32
    %mul3A_155 = arith.muli %add3A_153, %mul3A_154 : i32
    %dma_start3A_156 = tpu.memref_slice %arg3[%mul3A_155] : memref<1505280xi32, #tpu.memory_space<hbm>> -> memref<160xi32, #tpu.memory_space<hbm>>
    %dma_start3A_157 = tpu.memref_slice %arg3[%mul3A_155] : memref<1505280xi32, #tpu.memory_space<hbm>> -> memref<160xi32, #tpu.memory_space<hbm>>
    tpu.enqueue_dma source(%dma_start3A_157 : memref<160xi32, #tpu.memory_space<hbm>>) target(%arg7 : memref<160xi32, #tpu.memory_space<vmem>>) target_semaphore(%arg14 : memref<!tpu.dma_semaphore, #tpu.memory_space<semaphore_mem>>)
    %scan3A = arith.constant 0 : i32
    %scan3A_158 = arith.constant 0 : i32
    %scan3A_159 = arith.constant 147 : i32
    %scan3A_160 = arith.addi %scan3A_158, %scan3A_159 : i32
    %scan3A_161 = arith.constant 1 : i32
    scf.for %scan3A_175 = %scan3A_158 to %scan3A_160 step %scan3A_161  : i32 {
      %mul3A_176 = arith.constant 2 : i32
      %mul3A_177 = arith.muli %scan3A_175, %mul3A_176 : i32
      %add3A_178 = arith.constant 0 : i32
      %add3A_179 = arith.addi %mul3A_177, %add3A_178 : i32
      %dma_wait3A_180 = arith.constant 0 : i32
      %dma_wait3A_181 = arith.constant 0 : i32
      %dma_wait3A_182 = tpu.memref_slice %arg8[%dma_wait3A_180, %dma_wait3A_181] : memref<160x256xf32, #tpu.memory_space<vmem>> -> memref<80x256xf32, #tpu.memory_space<vmem>>
      %dma_wait3A_183 = arith.constant 0 : i32
      %dma_wait3A_184 = tpu.memref_slice %arg6[%dma_wait3A_183] : memref<160xi32, #tpu.memory_space<vmem>> -> memref<80xi32, #tpu.memory_space<vmem>>
      %dma_wait3A_185 = arith.constant 0 : i32
      %dma_wait3A_186 = arith.constant 0 : i32
      %dma_wait3A_187 = tpu.memref_slice %arg2[%dma_wait3A_185, %dma_wait3A_186] : memref<300000x256xf32, #tpu.memory_space<hbm>> -> memref<300000x256xf32, #tpu.memory_space<hbm>>
      tpu.wait_indirect_dma semaphore(%arg15 : memref<!tpu.dma_semaphore, #tpu.memory_space<semaphore_mem>>) src(%dma_wait3A_187 : memref<300000x256xf32, #tpu.memory_space<hbm>>) dst(%dma_wait3A_182 : memref<80x256xf32, #tpu.memory_space<vmem>>)
      %dma_wait3A_188 = arith.constant 80 : i32
      %dma_wait3A_189 = arith.constant 0 : i32
      %dma_wait3A_190 = tpu.memref_slice %arg8[%dma_wait3A_188, %dma_wait3A_189] : memref<160x256xf32, #tpu.memory_space<vmem>> -> memref<80x256xf32, #tpu.memory_space<vmem>>
      %dma_wait3A_191 = arith.constant 80 : i32
      %dma_wait3A_192 = tpu.memref_slice %arg6[%dma_wait3A_191] : memref<160xi32, #tpu.memory_space<vmem>> -> memref<80xi32, #tpu.memory_space<vmem>>
      %dma_wait3A_193 = arith.constant 0 : i32
      %dma_wait3A_194 = arith.constant 0 : i32
      %dma_wait3A_195 = tpu.memref_slice %arg2[%dma_wait3A_193, %dma_wait3A_194] : memref<300000x256xf32, #tpu.memory_space<hbm>> -> memref<300000x256xf32, #tpu.memory_space<hbm>>
      tpu.wait_indirect_dma semaphore(%arg15 : memref<!tpu.dma_semaphore, #tpu.memory_space<semaphore_mem>>) src(%dma_wait3A_195 : memref<300000x256xf32, #tpu.memory_space<hbm>>) dst(%dma_wait3A_190 : memref<80x256xf32, #tpu.memory_space<vmem>>)
      %add3A_196 = arith.constant 1 : i32
      %add3A_197 = arith.addi %add3A_179, %add3A_196 : i32
      %lt3A = arith.constant 294 : i32
      %lt3A_198 = arith.cmpi slt, %add3A_197, %lt3A : i32
      %convert_element_type3A = arith.extui %lt3A_198 : i1 to i32
      %cond3A = arith.constant 0 : i32
      %cond3A_199 = arith.cmpi ne, %convert_element_type3A, %cond3A : i32
      scf.if %cond3A_199 {
        %add3A_276 = arith.constant 1 : i32
        %add3A_277 = arith.addi %add3A_179, %add3A_276 : i32
        %mul3A_278 = arith.constant 32 : i32
        %mul3A_279 = arith.muli %add3A_277, %mul3A_278 : i32
        %add3A_280 = arith.addi %mul3A_2, %mul3A_279 : i32
        %mul3A_281 = arith.constant 5 : i32
        %mul3A_282 = arith.muli %add3A_280, %mul3A_281 : i32
        %dma_wait3A_283 = tpu.memref_slice %arg3[%mul3A_282] : memref<1505280xi32, #tpu.memory_space<hbm>> -> memref<160xi32, #tpu.memory_space<hbm>>
        %dma_wait3A_284 = tpu.memref_slice %arg3[%mul3A_282] : memref<1505280xi32, #tpu.memory_space<hbm>> -> memref<160xi32, #tpu.memory_space<hbm>>
        tpu.wait_dma2 semaphore(%arg14 : memref<!tpu.dma_semaphore, #tpu.memory_space<semaphore_mem>>) src(%dma_wait3A_284 : memref<160xi32, #tpu.memory_space<hbm>>) dst(%arg7 : memref<160xi32, #tpu.memory_space<vmem>>)
        %add3A_285 = arith.constant 1 : i32
        %add3A_286 = arith.addi %add3A_179, %add3A_285 : i32
        %mul3A_287 = arith.constant 32 : i32
        %mul3A_288 = arith.muli %add3A_286, %mul3A_287 : i32
        %add3A_289 = arith.addi %mul3A_2, %mul3A_288 : i32
        %jit3A_290 = arith.constant 100352 : i32
        %div3A_291 = arith.divsi %add3A_289, %jit3A_290 : i32
        %sign3A_292 = arith.constant 0 : i32
        %sign3A_293 = arith.cmpi sgt, %add3A_289, %sign3A_292 : i32
        %sign3A_294 = arith.extui %sign3A_293 : i1 to i32
        %sign3A_295 = arith.constant 0 : i32
        %sign3A_296 = arith.cmpi slt, %add3A_289, %sign3A_295 : i32
        %sign3A_297 = arith.extui %sign3A_296 : i1 to i32
        %sign3A_298 = arith.subi %sign3A_294, %sign3A_297 : i32
        %sign3A_299 = arith.constant 0 : i32
        %sign3A_300 = arith.cmpi sgt, %jit3A_290, %sign3A_299 : i32
        %sign3A_301 = arith.extui %sign3A_300 : i1 to i32
        %sign3A_302 = arith.constant 0 : i32
        %sign3A_303 = arith.cmpi slt, %jit3A_290, %sign3A_302 : i32
        %sign3A_304 = arith.extui %sign3A_303 : i1 to i32
        %sign3A_305 = arith.subi %sign3A_301, %sign3A_304 : i32
        %ne3A_306 = arith.cmpi ne, %sign3A_298, %sign3A_305 : i32
        %rem3A_307 = arith.remsi %add3A_289, %jit3A_290 : i32
        %ne3A_308 = arith.constant 0 : i32
        %ne3A_309 = arith.cmpi ne, %rem3A_307, %ne3A_308 : i32
        %and3A_310 = arith.andi %ne3A_306, %ne3A_309 : i1
        %sub3A_311 = arith.constant 1 : i32
        %sub3A_312 = arith.subi %div3A_291, %sub3A_311 : i32
        %select_n3A_313 = arith.select %and3A_310, %sub3A_312, %div3A_291 : i32
        %mul3A_314 = arith.constant 100000 : i32
        %mul3A_315 = arith.muli %select_n3A_313, %mul3A_314 : i32
        %get3A_316 = arith.constant 0 : index
        %get3A_317 = tpu.vector_load %arg7[%get3A_316] {strides = array<i32>} : memref<160xi32, #tpu.memory_space<vmem>>, vector<16xi32>,
        %get3A_318 = vector.shape_cast %get3A_317 : vector<16xi32> to vector<16xi32>
        %add3A_319 = vector.broadcast %mul3A_315 : i32 to vector<16xi32>
        %add3A_320 = arith.addi %get3A_318, %add3A_319 : vector<16xi32>
        %swap3A_321 = arith.constant 0 : index
        %swap3A_322 = tpu.vector_load %arg7[%swap3A_321] {strides = array<i32>} : memref<160xi32, #tpu.memory_space<vmem>>, vector<16xi32>,
        %swap3A_323 = vector.shape_cast %swap3A_322 : vector<16xi32> to vector<16xi32>
        %swap3A_324 = vector.shape_cast %add3A_320 : vector<16xi32> to vector<16xi32>
        tpu.vector_store %arg7[%swap3A_321], %swap3A_324 {strides = array<i32>} : memref<160xi32, #tpu.memory_space<vmem>>, vector<16xi32>,
        %get3A_325 = arith.constant 16 : index
        %get3A_326 = tpu.vector_load %arg7[%get3A_325] {strides = array<i32>} : memref<160xi32, #tpu.memory_space<vmem>>, vector<16xi32>,
        %get3A_327 = vector.shape_cast %get3A_326 : vector<16xi32> to vector<16xi32>
        %add3A_328 = vector.broadcast %mul3A_315 : i32 to vector<16xi32>
        %add3A_329 = arith.addi %get3A_327, %add3A_328 : vector<16xi32>
        %swap3A_330 = arith.constant 16 : index
        %swap3A_331 = tpu.vector_load %arg7[%swap3A_330] {strides = array<i32>} : memref<160xi32, #tpu.memory_space<vmem>>, vector<16xi32>,
        %swap3A_332 = vector.shape_cast %swap3A_331 : vector<16xi32> to vector<16xi32>
        %swap3A_333 = vector.shape_cast %add3A_329 : vector<16xi32> to vector<16xi32>
        tpu.vector_store %arg7[%swap3A_330], %swap3A_333 {strides = array<i32>} : memref<160xi32, #tpu.memory_space<vmem>>, vector<16xi32>,
        %get3A_334 = arith.constant 32 : index
        %get3A_335 = tpu.vector_load %arg7[%get3A_334] {strides = array<i32>} : memref<160xi32, #tpu.memory_space<vmem>>, vector<16xi32>,
        %get3A_336 = vector.shape_cast %get3A_335 : vector<16xi32> to vector<16xi32>
        %add3A_337 = vector.broadcast %mul3A_315 : i32 to vector<16xi32>
        %add3A_338 = arith.addi %get3A_336, %add3A_337 : vector<16xi32>
        %swap3A_339 = arith.constant 32 : index
        %swap3A_340 = tpu.vector_load %arg7[%swap3A_339] {strides = array<i32>} : memref<160xi32, #tpu.memory_space<vmem>>, vector<16xi32>,
        %swap3A_341 = vector.shape_cast %swap3A_340 : vector<16xi32> to vector<16xi32>
        %swap3A_342 = vector.shape_cast %add3A_338 : vector<16xi32> to vector<16xi32>
        tpu.vector_store %arg7[%swap3A_339], %swap3A_342 {strides = array<i32>} : memref<160xi32, #tpu.memory_space<vmem>>, vector<16xi32>,
        %get3A_343 = arith.constant 48 : index
        %get3A_344 = tpu.vector_load %arg7[%get3A_343] {strides = array<i32>} : memref<160xi32, #tpu.memory_space<vmem>>, vector<16xi32>,
        %get3A_345 = vector.shape_cast %get3A_344 : vector<16xi32> to vector<16xi32>
        %add3A_346 = vector.broadcast %mul3A_315 : i32 to vector<16xi32>
        %add3A_347 = arith.addi %get3A_345, %add3A_346 : vector<16xi32>
        %swap3A_348 = arith.constant 48 : index
        %swap3A_349 = tpu.vector_load %arg7[%swap3A_348] {strides = array<i32>} : memref<160xi32, #tpu.memory_space<vmem>>, vector<16xi32>,
        %swap3A_350 = vector.shape_cast %swap3A_349 : vector<16xi32> to vector<16xi32>
        %swap3A_351 = vector.shape_cast %add3A_347 : vector<16xi32> to vector<16xi32>
        tpu.vector_store %arg7[%swap3A_348], %swap3A_351 {strides = array<i32>} : memref<160xi32, #tpu.memory_space<vmem>>, vector<16xi32>,
        %get3A_352 = arith.constant 64 : index
        %get3A_353 = tpu.vector_load %arg7[%get3A_352] {strides = array<i32>} : memref<160xi32, #tpu.memory_space<vmem>>, vector<16xi32>,
        %get3A_354 = vector.shape_cast %get3A_353 : vector<16xi32> to vector<16xi32>
        %add3A_355 = vector.broadcast %mul3A_315 : i32 to vector<16xi32>
        %add3A_356 = arith.addi %get3A_354, %add3A_355 : vector<16xi32>
        %swap3A_357 = arith.constant 64 : index
        %swap3A_358 = tpu.vector_load %arg7[%swap3A_357] {strides = array<i32>} : memref<160xi32, #tpu.memory_space<vmem>>, vector<16xi32>,
        %swap3A_359 = vector.shape_cast %swap3A_358 : vector<16xi32> to vector<16xi32>
        %swap3A_360 = vector.shape_cast %add3A_356 : vector<16xi32> to vector<16xi32>
        tpu.vector_store %arg7[%swap3A_357], %swap3A_360 {strides = array<i32>} : memref<160xi32, #tpu.memory_space<vmem>>, vector<16xi32>,
        %get3A_361 = arith.constant 80 : index
        %get3A_362 = tpu.vector_load %arg7[%get3A_361] {strides = array<i32>} : memref<160xi32, #tpu.memory_space<vmem>>, vector<16xi32>,
        %get3A_363 = vector.shape_cast %get3A_362 : vector<16xi32> to vector<16xi32>
        %add3A_364 = vector.broadcast %mul3A_315 : i32 to vector<16xi32>
        %add3A_365 = arith.addi %get3A_363, %add3A_364 : vector<16xi32>
        %swap3A_366 = arith.constant 80 : index
        %swap3A_367 = tpu.vector_load %arg7[%swap3A_366] {strides = array<i32>} : memref<160xi32, #tpu.memory_space<vmem>>, vector<16xi32>,
        %swap3A_368 = vector.shape_cast %swap3A_367 : vector<16xi32> to vector<16xi32>
        %swap3A_369 = vector.shape_cast %add3A_365 : vector<16xi32> to vector<16xi32>
        tpu.vector_store %arg7[%swap3A_366], %swap3A_369 {strides = array<i32>} : memref<160xi32, #tpu.memory_space<vmem>>, vector<16xi32>,
        %get3A_370 = arith.constant 96 : index
        %get3A_371 = tpu.vector_load %arg7[%get3A_370] {strides = array<i32>} : memref<160xi32, #tpu.memory_space<vmem>>, vector<16xi32>,
        %get3A_372 = vector.shape_cast %get3A_371 : vector<16xi32> to vector<16xi32>
        %add3A_373 = vector.broadcast %mul3A_315 : i32 to vector<16xi32>
        %add3A_374 = arith.addi %get3A_372, %add3A_373 : vector<16xi32>
        %swap3A_375 = arith.constant 96 : index
        %swap3A_376 = tpu.vector_load %arg7[%swap3A_375] {strides = array<i32>} : memref<160xi32, #tpu.memory_space<vmem>>, vector<16xi32>,
        %swap3A_377 = vector.shape_cast %swap3A_376 : vector<16xi32> to vector<16xi32>
        %swap3A_378 = vector.shape_cast %add3A_374 : vector<16xi32> to vector<16xi32>
        tpu.vector_store %arg7[%swap3A_375], %swap3A_378 {strides = array<i32>} : memref<160xi32, #tpu.memory_space<vmem>>, vector<16xi32>,
        %get3A_379 = arith.constant 112 : index
        %get3A_380 = tpu.vector_load %arg7[%get3A_379] {strides = array<i32>} : memref<160xi32, #tpu.memory_space<vmem>>, vector<16xi32>,
        %get3A_381 = vector.shape_cast %get3A_380 : vector<16xi32> to vector<16xi32>
        %add3A_382 = vector.broadcast %mul3A_315 : i32 to vector<16xi32>
        %add3A_383 = arith.addi %get3A_381, %add3A_382 : vector<16xi32>
        %swap3A_384 = arith.constant 112 : index
        %swap3A_385 = tpu.vector_load %arg7[%swap3A_384] {strides = array<i32>} : memref<160xi32, #tpu.memory_space<vmem>>, vector<16xi32>,
        %swap3A_386 = vector.shape_cast %swap3A_385 : vector<16xi32> to vector<16xi32>
        %swap3A_387 = vector.shape_cast %add3A_383 : vector<16xi32> to vector<16xi32>
        tpu.vector_store %arg7[%swap3A_384], %swap3A_387 {strides = array<i32>} : memref<160xi32, #tpu.memory_space<vmem>>, vector<16xi32>,
        %get3A_388 = arith.constant 128 : index
        %get3A_389 = tpu.vector_load %arg7[%get3A_388] {strides = array<i32>} : memref<160xi32, #tpu.memory_space<vmem>>, vector<16xi32>,
        %get3A_390 = vector.shape_cast %get3A_389 : vector<16xi32> to vector<16xi32>
        %add3A_391 = vector.broadcast %mul3A_315 : i32 to vector<16xi32>
        %add3A_392 = arith.addi %get3A_390, %add3A_391 : vector<16xi32>
        %swap3A_393 = arith.constant 128 : index
        %swap3A_394 = tpu.vector_load %arg7[%swap3A_393] {strides = array<i32>} : memref<160xi32, #tpu.memory_space<vmem>>, vector<16xi32>,
        %swap3A_395 = vector.shape_cast %swap3A_394 : vector<16xi32> to vector<16xi32>
        %swap3A_396 = vector.shape_cast %add3A_392 : vector<16xi32> to vector<16xi32>
        tpu.vector_store %arg7[%swap3A_393], %swap3A_396 {strides = array<i32>} : memref<160xi32, #tpu.memory_space<vmem>>, vector<16xi32>,
        %get3A_397 = arith.constant 144 : index
        %get3A_398 = tpu.vector_load %arg7[%get3A_397] {strides = array<i32>} : memref<160xi32, #tpu.memory_space<vmem>>, vector<16xi32>,
        %get3A_399 = vector.shape_cast %get3A_398 : vector<16xi32> to vector<16xi32>
        %add3A_400 = vector.broadcast %mul3A_315 : i32 to vector<16xi32>
        %add3A_401 = arith.addi %get3A_399, %add3A_400 : vector<16xi32>
        %swap3A_402 = arith.constant 144 : index
        %swap3A_403 = tpu.vector_load %arg7[%swap3A_402] {strides = array<i32>} : memref<160xi32, #tpu.memory_space<vmem>>, vector<16xi32>,
        %swap3A_404 = vector.shape_cast %swap3A_403 : vector<16xi32> to vector<16xi32>
        %swap3A_405 = vector.shape_cast %add3A_401 : vector<16xi32> to vector<16xi32>
        tpu.vector_store %arg7[%swap3A_402], %swap3A_405 {strides = array<i32>} : memref<160xi32, #tpu.memory_space<vmem>>, vector<16xi32>,
        %dma_start3A_406 = arith.constant 0 : i32
        %dma_start3A_407 = arith.constant 0 : i32
        %dma_start3A_408 = tpu.memref_slice %arg9[%dma_start3A_406, %dma_start3A_407] : memref<160x256xf32, #tpu.memory_space<vmem>> -> memref<80x256xf32, #tpu.memory_space<vmem>>
        %dma_start3A_409 = arith.constant 0 : i32
        %dma_start3A_410 = tpu.memref_slice %arg7[%dma_start3A_409] : memref<160xi32, #tpu.memory_space<vmem>> -> memref<80xi32, #tpu.memory_space<vmem>>
        %dma_start3A_411 = arith.constant 0 : i32
        %dma_start3A_412 = arith.constant 0 : i32
        %dma_start3A_413 = tpu.memref_slice %arg2[%dma_start3A_411, %dma_start3A_412] : memref<300000x256xf32, #tpu.memory_space<hbm>> -> memref<300000x256xf32, #tpu.memory_space<hbm>>
        tpu.enqueue_indirect_dma source(%dma_start3A_413 : memref<300000x256xf32, #tpu.memory_space<hbm>>) target(%dma_start3A_408 : memref<80x256xf32, #tpu.memory_space<vmem>>) offsets(%dma_start3A_410 : memref<80xi32, #tpu.memory_space<vmem>>) semaphore(%arg16 : memref<!tpu.dma_semaphore, #tpu.memory_space<semaphore_mem>>)
        %dma_start3A_414 = arith.constant 80 : i32
        %dma_start3A_415 = arith.constant 0 : i32
        %dma_start3A_416 = tpu.memref_slice %arg9[%dma_start3A_414, %dma_start3A_415] : memref<160x256xf32, #tpu.memory_space<vmem>> -> memref<80x256xf32, #tpu.memory_space<vmem>>
        %dma_start3A_417 = arith.constant 80 : i32
        %dma_start3A_418 = tpu.memref_slice %arg7[%dma_start3A_417] : memref<160xi32, #tpu.memory_space<vmem>> -> memref<80xi32, #tpu.memory_space<vmem>>
        %dma_start3A_419 = arith.constant 0 : i32
        %dma_start3A_420 = arith.constant 0 : i32
        %dma_start3A_421 = tpu.memref_slice %arg2[%dma_start3A_419, %dma_start3A_420] : memref<300000x256xf32, #tpu.memory_space<hbm>> -> memref<300000x256xf32, #tpu.memory_space<hbm>>
        tpu.enqueue_indirect_dma source(%dma_start3A_421 : memref<300000x256xf32, #tpu.memory_space<hbm>>) target(%dma_start3A_416 : memref<80x256xf32, #tpu.memory_space<vmem>>) offsets(%dma_start3A_418 : memref<80xi32, #tpu.memory_space<vmem>>) semaphore(%arg16 : memref<!tpu.dma_semaphore, #tpu.memory_space<semaphore_mem>>)
      } else {
      }
      %add3A_200 = arith.constant 2 : i32
      %add3A_201 = arith.addi %add3A_179, %add3A_200 : i32
      %lt3A_202 = arith.constant 294 : i32
      %lt3A_203 = arith.cmpi slt, %add3A_201, %lt3A_202 : i32
      %convert_element_type3A_204 = arith.extui %lt3A_203 : i1 to i32
      %cond3A_205 = arith.constant 0 : i32
      %cond3A_206 = arith.cmpi ne, %convert_element_type3A_204, %cond3A_205 : i32
      scf.if %cond3A_206 {
        %add3A_276 = arith.constant 2 : i32
        %add3A_277 = arith.addi %add3A_179, %add3A_276 : i32
        %mul3A_278 = arith.constant 32 : i32
        %mul3A_279 = arith.muli %add3A_277, %mul3A_278 : i32
        %add3A_280 = arith.addi %mul3A_2, %mul3A_279 : i32
        %mul3A_281 = arith.constant 5 : i32
        %mul3A_282 = arith.muli %add3A_280, %mul3A_281 : i32
        %dma_start3A_283 = tpu.memref_slice %arg3[%mul3A_282] : memref<1505280xi32, #tpu.memory_space<hbm>> -> memref<160xi32, #tpu.memory_space<hbm>>
        %dma_start3A_284 = tpu.memref_slice %arg3[%mul3A_282] : memref<1505280xi32, #tpu.memory_space<hbm>> -> memref<160xi32, #tpu.memory_space<hbm>>
        tpu.enqueue_dma source(%dma_start3A_284 : memref<160xi32, #tpu.memory_space<hbm>>) target(%arg6 : memref<160xi32, #tpu.memory_space<vmem>>) target_semaphore(%arg13 : memref<!tpu.dma_semaphore, #tpu.memory_space<semaphore_mem>>)
      } else {
      }
      %ge3A = arith.constant 2 : i32
      %ge3A_207 = arith.cmpi sge, %add3A_179, %ge3A : i32
      %convert_element_type3A_208 = arith.extui %ge3A_207 : i1 to i32
      %cond3A_209 = arith.constant 0 : i32
      %cond3A_210 = arith.cmpi ne, %convert_element_type3A_208, %cond3A_209 : i32
      scf.if %cond3A_210 {
        %sub3A_276 = arith.constant 2 : i32
        %sub3A_277 = arith.subi %add3A_179, %sub3A_276 : i32
        %mul3A_278 = arith.constant 32 : i32
        %mul3A_279 = arith.muli %sub3A_277, %mul3A_278 : i32
        %add3A_280 = arith.addi %mul3A_2, %mul3A_279 : i32
        %dma_wait3A_281 = arith.constant 0 : i32
        %dma_wait3A_282 = tpu.memref_slice %arg5[%add3A_280, %dma_wait3A_281] : memref<301056x256xf32, #tpu.memory_space<hbm>> -> memref<32x256xf32, #tpu.memory_space<hbm>>
        %dma_wait3A_283 = arith.constant 0 : i32
        %dma_wait3A_284 = tpu.memref_slice %arg5[%add3A_280, %dma_wait3A_283] : memref<301056x256xf32, #tpu.memory_space<hbm>> -> memref<32x256xf32, #tpu.memory_space<hbm>>
        tpu.wait_dma2 semaphore(%arg17 : memref<!tpu.dma_semaphore, #tpu.memory_space<semaphore_mem>>) src(%arg10 : memref<32x256xf32, #tpu.memory_space<vmem>>) dst(%dma_wait3A_284 : memref<32x256xf32, #tpu.memory_space<hbm>>)
      } else {
      }
      %scan3A_211 = arith.constant 0 : i32
      %scan3A_212 = arith.constant 0 : i32
      %scan3A_213 = arith.constant 32 : i32
      %scan3A_214 = arith.addi %scan3A_212, %scan3A_213 : i32
      %scan3A_215 = arith.constant 1 : i32
      scf.for %scan3A_276 = %scan3A_212 to %scan3A_214 step %scan3A_215  : i32 {
        %get3A_277 = arith.index_cast %scan3A_276 : i32 to index
        %get3A_278 = arith.constant 0 : index
        %get3A_279 = tpu.vector_load %arg8[%get3A_277, %get3A_278] {strides = array<i32>} : memref<160x256xf32, #tpu.memory_space<vmem>>, vector<1x16xf32>,
        %get3A_280 = vector.shape_cast %get3A_279 : vector<1x16xf32> to vector<16xf32>
        %mul3A_281 = arith.mulf %get3A_280, %get3A_4 : vector<16xf32>
        %add3A_282 = arith.constant 32 : i32
        %add3A_283 = arith.addi %add3A_282, %scan3A_276 : i32
        %get3A_284 = arith.index_cast %add3A_283 : i32 to index
        %get3A_285 = arith.constant 0 : index
        %get3A_286 = tpu.vector_load %arg8[%get3A_284, %get3A_285] {strides = array<i32>} : memref<160x256xf32, #tpu.memory_space<vmem>>, vector<1x16xf32>,
        %get3A_287 = vector.shape_cast %get3A_286 : vector<1x16xf32> to vector<16xf32>
        %mul3A_288 = arith.mulf %get3A_287, %get3A_7 : vector<16xf32>
        %add3A_289 = arith.addf %mul3A_281, %mul3A_288 : vector<16xf32>
        %add3A_290 = arith.constant 64 : i32
        %add3A_291 = arith.addi %add3A_290, %scan3A_276 : i32
        %get3A_292 = arith.index_cast %add3A_291 : i32 to index
        %get3A_293 = arith.constant 0 : index
        %get3A_294 = tpu.vector_load %arg8[%get3A_292, %get3A_293] {strides = array<i32>} : memref<160x256xf32, #tpu.memory_space<vmem>>, vector<1x16xf32>,
        %get3A_295 = vector.shape_cast %get3A_294 : vector<1x16xf32> to vector<16xf32>
        %mul3A_296 = arith.mulf %get3A_295, %get3A_10 : vector<16xf32>
        %add3A_297 = arith.addf %add3A_289, %mul3A_296 : vector<16xf32>
        %add3A_298 = arith.constant 96 : i32
        %add3A_299 = arith.addi %add3A_298, %scan3A_276 : i32
        %get3A_300 = arith.index_cast %add3A_299 : i32 to index
        %get3A_301 = arith.constant 0 : index
        %get3A_302 = tpu.vector_load %arg8[%get3A_300, %get3A_301] {strides = array<i32>} : memref<160x256xf32, #tpu.memory_space<vmem>>, vector<1x16xf32>,
        %get3A_303 = vector.shape_cast %get3A_302 : vector<1x16xf32> to vector<16xf32>
        %mul3A_304 = arith.mulf %get3A_303, %get3A_13 : vector<16xf32>
        %add3A_305 = arith.addf %add3A_297, %mul3A_304 : vector<16xf32>
        %add3A_306 = arith.constant 128 : i32
        %add3A_307 = arith.addi %add3A_306, %scan3A_276 : i32
        %get3A_308 = arith.index_cast %add3A_307 : i32 to index
        %get3A_309 = arith.constant 0 : index
        %get3A_310 = tpu.vector_load %arg8[%get3A_308, %get3A_309] {strides = array<i32>} : memref<160x256xf32, #tpu.memory_space<vmem>>, vector<1x16xf32>,
        %get3A_311 = vector.shape_cast %get3A_310 : vector<1x16xf32> to vector<16xf32>
        %mul3A_312 = arith.mulf %get3A_311, %get3A_16 : vector<16xf32>
        %add3A_313 = arith.addf %add3A_305, %mul3A_312 : vector<16xf32>
        %swap3A_314 = arith.index_cast %scan3A_276 : i32 to index
        %swap3A_315 = arith.constant 0 : index
        %swap3A_316 = tpu.vector_load %arg10[%swap3A_314, %swap3A_315] {strides = array<i32>} : memref<32x256xf32, #tpu.memory_space<vmem>>, vector<1x16xf32>,
        %swap3A_317 = vector.shape_cast %swap3A_316 : vector<1x16xf32> to vector<16xf32>
        %swap3A_318 = vector.shape_cast %add3A_313 : vector<16xf32> to vector<1x16xf32>
        tpu.vector_store %arg10[%swap3A_314, %swap3A_315], %swap3A_318 {strides = array<i32>} : memref<32x256xf32, #tpu.memory_space<vmem>>, vector<1x16xf32>,
        %get3A_319 = arith.index_cast %scan3A_276 : i32 to index
        %get3A_320 = arith.constant 16 : index
        %get3A_321 = tpu.vector_load %arg8[%get3A_319, %get3A_320] {strides = array<i32>} : memref<160x256xf32, #tpu.memory_space<vmem>>, vector<1x16xf32>,
        %get3A_322 = vector.shape_cast %get3A_321 : vector<1x16xf32> to vector<16xf32>
        %mul3A_323 = arith.mulf %get3A_322, %get3A_4 : vector<16xf32>
        %add3A_324 = arith.constant 32 : i32
        %add3A_325 = arith.addi %add3A_324, %scan3A_276 : i32
        %get3A_326 = arith.index_cast %add3A_325 : i32 to index
        %get3A_327 = arith.constant 16 : index
        %get3A_328 = tpu.vector_load %arg8[%get3A_326, %get3A_327] {strides = array<i32>} : memref<160x256xf32, #tpu.memory_space<vmem>>, vector<1x16xf32>,
        %get3A_329 = vector.shape_cast %get3A_328 : vector<1x16xf32> to vector<16xf32>
        %mul3A_330 = arith.mulf %get3A_329, %get3A_7 : vector<16xf32>
        %add3A_331 = arith.addf %mul3A_323, %mul3A_330 : vector<16xf32>
        %add3A_332 = arith.constant 64 : i32
        %add3A_333 = arith.addi %add3A_332, %scan3A_276 : i32
        %get3A_334 = arith.index_cast %add3A_333 : i32 to index
        %get3A_335 = arith.constant 16 : index
        %get3A_336 = tpu.vector_load %arg8[%get3A_334, %get3A_335] {strides = array<i32>} : memref<160x256xf32, #tpu.memory_space<vmem>>, vector<1x16xf32>,
        %get3A_337 = vector.shape_cast %get3A_336 : vector<1x16xf32> to vector<16xf32>
        %mul3A_338 = arith.mulf %get3A_337, %get3A_10 : vector<16xf32>
        %add3A_339 = arith.addf %add3A_331, %mul3A_338 : vector<16xf32>
        %add3A_340 = arith.constant 96 : i32
        %add3A_341 = arith.addi %add3A_340, %scan3A_276 : i32
        %get3A_342 = arith.index_cast %add3A_341 : i32 to index
        %get3A_343 = arith.constant 16 : index
        %get3A_344 = tpu.vector_load %arg8[%get3A_342, %get3A_343] {strides = array<i32>} : memref<160x256xf32, #tpu.memory_space<vmem>>, vector<1x16xf32>,
        %get3A_345 = vector.shape_cast %get3A_344 : vector<1x16xf32> to vector<16xf32>
        %mul3A_346 = arith.mulf %get3A_345, %get3A_13 : vector<16xf32>
        %add3A_347 = arith.addf %add3A_339, %mul3A_346 : vector<16xf32>
        %add3A_348 = arith.constant 128 : i32
        %add3A_349 = arith.addi %add3A_348, %scan3A_276 : i32
        %get3A_350 = arith.index_cast %add3A_349 : i32 to index
        %get3A_351 = arith.constant 16 : index
        %get3A_352 = tpu.vector_load %arg8[%get3A_350, %get3A_351] {strides = array<i32>} : memref<160x256xf32, #tpu.memory_space<vmem>>, vector<1x16xf32>,
        %get3A_353 = vector.shape_cast %get3A_352 : vector<1x16xf32> to vector<16xf32>
        %mul3A_354 = arith.mulf %get3A_353, %get3A_16 : vector<16xf32>
        %add3A_355 = arith.addf %add3A_347, %mul3A_354 : vector<16xf32>
        %swap3A_356 = arith.index_cast %scan3A_276 : i32 to index
        %swap3A_357 = arith.constant 16 : index
        %swap3A_358 = tpu.vector_load %arg10[%swap3A_356, %swap3A_357] {strides = array<i32>} : memref<32x256xf32, #tpu.memory_space<vmem>>, vector<1x16xf32>,
        %swap3A_359 = vector.shape_cast %swap3A_358 : vector<1x16xf32> to vector<16xf32>
        %swap3A_360 = vector.shape_cast %add3A_355 : vector<16xf32> to vector<1x16xf32>
        tpu.vector_store %arg10[%swap3A_356, %swap3A_357], %swap3A_360 {strides = array<i32>} : memref<32x256xf32, #tpu.memory_space<vmem>>, vector<1x16xf32>,
        %get3A_361 = arith.index_cast %scan3A_276 : i32 to index
        %get3A_362 = arith.constant 32 : index
        %get3A_363 = tpu.vector_load %arg8[%get3A_361, %get3A_362] {strides = array<i32>} : memref<160x256xf32, #tpu.memory_space<vmem>>, vector<1x16xf32>,
        %get3A_364 = vector.shape_cast %get3A_363 : vector<1x16xf32> to vector<16xf32>
        %mul3A_365 = arith.mulf %get3A_364, %get3A_4 : vector<16xf32>
        %add3A_366 = arith.constant 32 : i32
        %add3A_367 = arith.addi %add3A_366, %scan3A_276 : i32
        %get3A_368 = arith.index_cast %add3A_367 : i32 to index
        %get3A_369 = arith.constant 32 : index
        %get3A_370 = tpu.vector_load %arg8[%get3A_368, %get3A_369] {strides = array<i32>} : memref<160x256xf32, #tpu.memory_space<vmem>>, vector<1x16xf32>,
        %get3A_371 = vector.shape_cast %get3A_370 : vector<1x16xf32> to vector<16xf32>
        %mul3A_372 = arith.mulf %get3A_371, %get3A_7 : vector<16xf32>
        %add3A_373 = arith.addf %mul3A_365, %mul3A_372 : vector<16xf32>
        %add3A_374 = arith.constant 64 : i32
        %add3A_375 = arith.addi %add3A_374, %scan3A_276 : i32
        %get3A_376 = arith.index_cast %add3A_375 : i32 to index
        %get3A_377 = arith.constant 32 : index
        %get3A_378 = tpu.vector_load %arg8[%get3A_376, %get3A_377] {strides = array<i32>} : memref<160x256xf32, #tpu.memory_space<vmem>>, vector<1x16xf32>,
        %get3A_379 = vector.shape_cast %get3A_378 : vector<1x16xf32> to vector<16xf32>
        %mul3A_380 = arith.mulf %get3A_379, %get3A_10 : vector<16xf32>
        %add3A_381 = arith.addf %add3A_373, %mul3A_380 : vector<16xf32>
        %add3A_382 = arith.constant 96 : i32
        %add3A_383 = arith.addi %add3A_382, %scan3A_276 : i32
        %get3A_384 = arith.index_cast %add3A_383 : i32 to index
        %get3A_385 = arith.constant 32 : index
        %get3A_386 = tpu.vector_load %arg8[%get3A_384, %get3A_385] {strides = array<i32>} : memref<160x256xf32, #tpu.memory_space<vmem>>, vector<1x16xf32>,
        %get3A_387 = vector.shape_cast %get3A_386 : vector<1x16xf32> to vector<16xf32>
        %mul3A_388 = arith.mulf %get3A_387, %get3A_13 : vector<16xf32>
        %add3A_389 = arith.addf %add3A_381, %mul3A_388 : vector<16xf32>
        %add3A_390 = arith.constant 128 : i32
        %add3A_391 = arith.addi %add3A_390, %scan3A_276 : i32
        %get3A_392 = arith.index_cast %add3A_391 : i32 to index
        %get3A_393 = arith.constant 32 : index
        %get3A_394 = tpu.vector_load %arg8[%get3A_392, %get3A_393] {strides = array<i32>} : memref<160x256xf32, #tpu.memory_space<vmem>>, vector<1x16xf32>,
        %get3A_395 = vector.shape_cast %get3A_394 : vector<1x16xf32> to vector<16xf32>
        %mul3A_396 = arith.mulf %get3A_395, %get3A_16 : vector<16xf32>
        %add3A_397 = arith.addf %add3A_389, %mul3A_396 : vector<16xf32>
        %swap3A_398 = arith.index_cast %scan3A_276 : i32 to index
        %swap3A_399 = arith.constant 32 : index
        %swap3A_400 = tpu.vector_load %arg10[%swap3A_398, %swap3A_399] {strides = array<i32>} : memref<32x256xf32, #tpu.memory_space<vmem>>, vector<1x16xf32>,
        %swap3A_401 = vector.shape_cast %swap3A_400 : vector<1x16xf32> to vector<16xf32>
        %swap3A_402 = vector.shape_cast %add3A_397 : vector<16xf32> to vector<1x16xf32>
        tpu.vector_store %arg10[%swap3A_398, %swap3A_399], %swap3A_402 {strides = array<i32>} : memref<32x256xf32, #tpu.memory_space<vmem>>, vector<1x16xf32>,
        %get3A_403 = arith.index_cast %scan3A_276 : i32 to index
        %get3A_404 = arith.constant 48 : index
        %get3A_405 = tpu.vector_load %arg8[%get3A_403, %get3A_404] {strides = array<i32>} : memref<160x256xf32, #tpu.memory_space<vmem>>, vector<1x16xf32>,
        %get3A_406 = vector.shape_cast %get3A_405 : vector<1x16xf32> to vector<16xf32>
        %mul3A_407 = arith.mulf %get3A_406, %get3A_4 : vector<16xf32>
        %add3A_408 = arith.constant 32 : i32
        %add3A_409 = arith.addi %add3A_408, %scan3A_276 : i32
        %get3A_410 = arith.index_cast %add3A_409 : i32 to index
        %get3A_411 = arith.constant 48 : index
        %get3A_412 = tpu.vector_load %arg8[%get3A_410, %get3A_411] {strides = array<i32>} : memref<160x256xf32, #tpu.memory_space<vmem>>, vector<1x16xf32>,
        %get3A_413 = vector.shape_cast %get3A_412 : vector<1x16xf32> to vector<16xf32>
        %mul3A_414 = arith.mulf %get3A_413, %get3A_7 : vector<16xf32>
        %add3A_415 = arith.addf %mul3A_407, %mul3A_414 : vector<16xf32>
        %add3A_416 = arith.constant 64 : i32
        %add3A_417 = arith.addi %add3A_416, %scan3A_276 : i32
        %get3A_418 = arith.index_cast %add3A_417 : i32 to index
        %get3A_419 = arith.constant 48 : index
        %get3A_420 = tpu.vector_load %arg8[%get3A_418, %get3A_419] {strides = array<i32>} : memref<160x256xf32, #tpu.memory_space<vmem>>, vector<1x16xf32>,
        %get3A_421 = vector.shape_cast %get3A_420 : vector<1x16xf32> to vector<16xf32>
        %mul3A_422 = arith.mulf %get3A_421, %get3A_10 : vector<16xf32>
        %add3A_423 = arith.addf %add3A_415, %mul3A_422 : vector<16xf32>
        %add3A_424 = arith.constant 96 : i32
        %add3A_425 = arith.addi %add3A_424, %scan3A_276 : i32
        %get3A_426 = arith.index_cast %add3A_425 : i32 to index
        %get3A_427 = arith.constant 48 : index
        %get3A_428 = tpu.vector_load %arg8[%get3A_426, %get3A_427] {strides = array<i32>} : memref<160x256xf32, #tpu.memory_space<vmem>>, vector<1x16xf32>,
        %get3A_429 = vector.shape_cast %get3A_428 : vector<1x16xf32> to vector<16xf32>
        %mul3A_430 = arith.mulf %get3A_429, %get3A_13 : vector<16xf32>
        %add3A_431 = arith.addf %add3A_423, %mul3A_430 : vector<16xf32>
        %add3A_432 = arith.constant 128 : i32
        %add3A_433 = arith.addi %add3A_432, %scan3A_276 : i32
        %get3A_434 = arith.index_cast %add3A_433 : i32 to index
        %get3A_435 = arith.constant 48 : index
        %get3A_436 = tpu.vector_load %arg8[%get3A_434, %get3A_435] {strides = array<i32>} : memref<160x256xf32, #tpu.memory_space<vmem>>, vector<1x16xf32>,
        %get3A_437 = vector.shape_cast %get3A_436 : vector<1x16xf32> to vector<16xf32>
        %mul3A_438 = arith.mulf %get3A_437, %get3A_16 : vector<16xf32>
        %add3A_439 = arith.addf %add3A_431, %mul3A_438 : vector<16xf32>
        %swap3A_440 = arith.index_cast %scan3A_276 : i32 to index
        %swap3A_441 = arith.constant 48 : index
        %swap3A_442 = tpu.vector_load %arg10[%swap3A_440, %swap3A_441] {strides = array<i32>} : memref<32x256xf32, #tpu.memory_space<vmem>>, vector<1x16xf32>,
        %swap3A_443 = vector.shape_cast %swap3A_442 : vector<1x16xf32> to vector<16xf32>
        %swap3A_444 = vector.shape_cast %add3A_439 : vector<16xf32> to vector<1x16xf32>
        tpu.vector_store %arg10[%swap3A_440, %swap3A_441], %swap3A_444 {strides = array<i32>} : memref<32x256xf32, #tpu.memory_space<vmem>>, vector<1x16xf32>,
        %get3A_445 = arith.index_cast %scan3A_276 : i32 to index
        %get3A_446 = arith.constant 64 : index
        %get3A_447 = tpu.vector_load %arg8[%get3A_445, %get3A_446] {strides = array<i32>} : memref<160x256xf32, #tpu.memory_space<vmem>>, vector<1x16xf32>,
        %get3A_448 = vector.shape_cast %get3A_447 : vector<1x16xf32> to vector<16xf32>
        %mul3A_449 = arith.mulf %get3A_448, %get3A_4 : vector<16xf32>
        %add3A_450 = arith.constant 32 : i32
        %add3A_451 = arith.addi %add3A_450, %scan3A_276 : i32
        %get3A_452 = arith.index_cast %add3A_451 : i32 to index
        %get3A_453 = arith.constant 64 : index
        %get3A_454 = tpu.vector_load %arg8[%get3A_452, %get3A_453] {strides = array<i32>} : memref<160x256xf32, #tpu.memory_space<vmem>>, vector<1x16xf32>,
        %get3A_455 = vector.shape_cast %get3A_454 : vector<1x16xf32> to vector<16xf32>
        %mul3A_456 = arith.mulf %get3A_455, %get3A_7 : vector<16xf32>
        %add3A_457 = arith.addf %mul3A_449, %mul3A_456 : vector<16xf32>
        %add3A_458 = arith.constant 64 : i32
        %add3A_459 = arith.addi %add3A_458, %scan3A_276 : i32
        %get3A_460 = arith.index_cast %add3A_459 : i32 to index
        %get3A_461 = arith.constant 64 : index
        %get3A_462 = tpu.vector_load %arg8[%get3A_460, %get3A_461] {strides = array<i32>} : memref<160x256xf32, #tpu.memory_space<vmem>>, vector<1x16xf32>,
        %get3A_463 = vector.shape_cast %get3A_462 : vector<1x16xf32> to vector<16xf32>
        %mul3A_464 = arith.mulf %get3A_463, %get3A_10 : vector<16xf32>
        %add3A_465 = arith.addf %add3A_457, %mul3A_464 : vector<16xf32>
        %add3A_466 = arith.constant 96 : i32
        %add3A_467 = arith.addi %add3A_466, %scan3A_276 : i32
        %get3A_468 = arith.index_cast %add3A_467 : i32 to index
        %get3A_469 = arith.constant 64 : index
        %get3A_470 = tpu.vector_load %arg8[%get3A_468, %get3A_469] {strides = array<i32>} : memref<160x256xf32, #tpu.memory_space<vmem>>, vector<1x16xf32>,
        %get3A_471 = vector.shape_cast %get3A_470 : vector<1x16xf32> to vector<16xf32>
        %mul3A_472 = arith.mulf %get3A_471, %get3A_13 : vector<16xf32>
        %add3A_473 = arith.addf %add3A_465, %mul3A_472 : vector<16xf32>
        %add3A_474 = arith.constant 128 : i32
        %add3A_475 = arith.addi %add3A_474, %scan3A_276 : i32
        %get3A_476 = arith.index_cast %add3A_475 : i32 to index
        %get3A_477 = arith.constant 64 : index
        %get3A_478 = tpu.vector_load %arg8[%get3A_476, %get3A_477] {strides = array<i32>} : memref<160x256xf32, #tpu.memory_space<vmem>>, vector<1x16xf32>,
        %get3A_479 = vector.shape_cast %get3A_478 : vector<1x16xf32> to vector<16xf32>
        %mul3A_480 = arith.mulf %get3A_479, %get3A_16 : vector<16xf32>
        %add3A_481 = arith.addf %add3A_473, %mul3A_480 : vector<16xf32>
        %swap3A_482 = arith.index_cast %scan3A_276 : i32 to index
        %swap3A_483 = arith.constant 64 : index
        %swap3A_484 = tpu.vector_load %arg10[%swap3A_482, %swap3A_483] {strides = array<i32>} : memref<32x256xf32, #tpu.memory_space<vmem>>, vector<1x16xf32>,
        %swap3A_485 = vector.shape_cast %swap3A_484 : vector<1x16xf32> to vector<16xf32>
        %swap3A_486 = vector.shape_cast %add3A_481 : vector<16xf32> to vector<1x16xf32>
        tpu.vector_store %arg10[%swap3A_482, %swap3A_483], %swap3A_486 {strides = array<i32>} : memref<32x256xf32, #tpu.memory_space<vmem>>, vector<1x16xf32>,
        %get3A_487 = arith.index_cast %scan3A_276 : i32 to index
        %get3A_488 = arith.constant 80 : index
        %get3A_489 = tpu.vector_load %arg8[%get3A_487, %get3A_488] {strides = array<i32>} : memref<160x256xf32, #tpu.memory_space<vmem>>, vector<1x16xf32>,
        %get3A_490 = vector.shape_cast %get3A_489 : vector<1x16xf32> to vector<16xf32>
        %mul3A_491 = arith.mulf %get3A_490, %get3A_4 : vector<16xf32>
        %add3A_492 = arith.constant 32 : i32
        %add3A_493 = arith.addi %add3A_492, %scan3A_276 : i32
        %get3A_494 = arith.index_cast %add3A_493 : i32 to index
        %get3A_495 = arith.constant 80 : index
        %get3A_496 = tpu.vector_load %arg8[%get3A_494, %get3A_495] {strides = array<i32>} : memref<160x256xf32, #tpu.memory_space<vmem>>, vector<1x16xf32>,
        %get3A_497 = vector.shape_cast %get3A_496 : vector<1x16xf32> to vector<16xf32>
        %mul3A_498 = arith.mulf %get3A_497, %get3A_7 : vector<16xf32>
        %add3A_499 = arith.addf %mul3A_491, %mul3A_498 : vector<16xf32>
        %add3A_500 = arith.constant 64 : i32
        %add3A_501 = arith.addi %add3A_500, %scan3A_276 : i32
        %get3A_502 = arith.index_cast %add3A_501 : i32 to index
        %get3A_503 = arith.constant 80 : index
        %get3A_504 = tpu.vector_load %arg8[%get3A_502, %get3A_503] {strides = array<i32>} : memref<160x256xf32, #tpu.memory_space<vmem>>, vector<1x16xf32>,
        %get3A_505 = vector.shape_cast %get3A_504 : vector<1x16xf32> to vector<16xf32>
        %mul3A_506 = arith.mulf %get3A_505, %get3A_10 : vector<16xf32>
        %add3A_507 = arith.addf %add3A_499, %mul3A_506 : vector<16xf32>
        %add3A_508 = arith.constant 96 : i32
        %add3A_509 = arith.addi %add3A_508, %scan3A_276 : i32
        %get3A_510 = arith.index_cast %add3A_509 : i32 to index
        %get3A_511 = arith.constant 80 : index
        %get3A_512 = tpu.vector_load %arg8[%get3A_510, %get3A_511] {strides = array<i32>} : memref<160x256xf32, #tpu.memory_space<vmem>>, vector<1x16xf32>,
        %get3A_513 = vector.shape_cast %get3A_512 : vector<1x16xf32> to vector<16xf32>
        %mul3A_514 = arith.mulf %get3A_513, %get3A_13 : vector<16xf32>
        %add3A_515 = arith.addf %add3A_507, %mul3A_514 : vector<16xf32>
        %add3A_516 = arith.constant 128 : i32
        %add3A_517 = arith.addi %add3A_516, %scan3A_276 : i32
        %get3A_518 = arith.index_cast %add3A_517 : i32 to index
        %get3A_519 = arith.constant 80 : index
        %get3A_520 = tpu.vector_load %arg8[%get3A_518, %get3A_519] {strides = array<i32>} : memref<160x256xf32, #tpu.memory_space<vmem>>, vector<1x16xf32>,
        %get3A_521 = vector.shape_cast %get3A_520 : vector<1x16xf32> to vector<16xf32>
        %mul3A_522 = arith.mulf %get3A_521, %get3A_16 : vector<16xf32>
        %add3A_523 = arith.addf %add3A_515, %mul3A_522 : vector<16xf32>
        %swap3A_524 = arith.index_cast %scan3A_276 : i32 to index
        %swap3A_525 = arith.constant 80 : index
        %swap3A_526 = tpu.vector_load %arg10[%swap3A_524, %swap3A_525] {strides = array<i32>} : memref<32x256xf32, #tpu.memory_space<vmem>>, vector<1x16xf32>,
        %swap3A_527 = vector.shape_cast %swap3A_526 : vector<1x16xf32> to vector<16xf32>
        %swap3A_528 = vector.shape_cast %add3A_523 : vector<16xf32> to vector<1x16xf32>
        tpu.vector_store %arg10[%swap3A_524, %swap3A_525], %swap3A_528 {strides = array<i32>} : memref<32x256xf32, #tpu.memory_space<vmem>>, vector<1x16xf32>,
        %get3A_529 = arith.index_cast %scan3A_276 : i32 to index
        %get3A_530 = arith.constant 96 : index
        %get3A_531 = tpu.vector_load %arg8[%get3A_529, %get3A_530] {strides = array<i32>} : memref<160x256xf32, #tpu.memory_space<vmem>>, vector<1x16xf32>,
        %get3A_532 = vector.shape_cast %get3A_531 : vector<1x16xf32> to vector<16xf32>
        %mul3A_533 = arith.mulf %get3A_532, %get3A_4 : vector<16xf32>
        %add3A_534 = arith.constant 32 : i32
        %add3A_535 = arith.addi %add3A_534, %scan3A_276 : i32
        %get3A_536 = arith.index_cast %add3A_535 : i32 to index
        %get3A_537 = arith.constant 96 : index
        %get3A_538 = tpu.vector_load %arg8[%get3A_536, %get3A_537] {strides = array<i32>} : memref<160x256xf32, #tpu.memory_space<vmem>>, vector<1x16xf32>,
        %get3A_539 = vector.shape_cast %get3A_538 : vector<1x16xf32> to vector<16xf32>
        %mul3A_540 = arith.mulf %get3A_539, %get3A_7 : vector<16xf32>
        %add3A_541 = arith.addf %mul3A_533, %mul3A_540 : vector<16xf32>
        %add3A_542 = arith.constant 64 : i32
        %add3A_543 = arith.addi %add3A_542, %scan3A_276 : i32
        %get3A_544 = arith.index_cast %add3A_543 : i32 to index
        %get3A_545 = arith.constant 96 : index
        %get3A_546 = tpu.vector_load %arg8[%get3A_544, %get3A_545] {strides = array<i32>} : memref<160x256xf32, #tpu.memory_space<vmem>>, vector<1x16xf32>,
        %get3A_547 = vector.shape_cast %get3A_546 : vector<1x16xf32> to vector<16xf32>
        %mul3A_548 = arith.mulf %get3A_547, %get3A_10 : vector<16xf32>
        %add3A_549 = arith.addf %add3A_541, %mul3A_548 : vector<16xf32>
        %add3A_550 = arith.constant 96 : i32
        %add3A_551 = arith.addi %add3A_550, %scan3A_276 : i32
        %get3A_552 = arith.index_cast %add3A_551 : i32 to index
        %get3A_553 = arith.constant 96 : index
        %get3A_554 = tpu.vector_load %arg8[%get3A_552, %get3A_553] {strides = array<i32>} : memref<160x256xf32, #tpu.memory_space<vmem>>, vector<1x16xf32>,
        %get3A_555 = vector.shape_cast %get3A_554 : vector<1x16xf32> to vector<16xf32>
        %mul3A_556 = arith.mulf %get3A_555, %get3A_13 : vector<16xf32>
        %add3A_557 = arith.addf %add3A_549, %mul3A_556 : vector<16xf32>
        %add3A_558 = arith.constant 128 : i32
        %add3A_559 = arith.addi %add3A_558, %scan3A_276 : i32
        %get3A_560 = arith.index_cast %add3A_559 : i32 to index
        %get3A_561 = arith.constant 96 : index
        %get3A_562 = tpu.vector_load %arg8[%get3A_560, %get3A_561] {strides = array<i32>} : memref<160x256xf32, #tpu.memory_space<vmem>>, vector<1x16xf32>,
        %get3A_563 = vector.shape_cast %get3A_562 : vector<1x16xf32> to vector<16xf32>
        %mul3A_564 = arith.mulf %get3A_563, %get3A_16 : vector<16xf32>
        %add3A_565 = arith.addf %add3A_557, %mul3A_564 : vector<16xf32>
        %swap3A_566 = arith.index_cast %scan3A_276 : i32 to index
        %swap3A_567 = arith.constant 96 : index
        %swap3A_568 = tpu.vector_load %arg10[%swap3A_566, %swap3A_567] {strides = array<i32>} : memref<32x256xf32, #tpu.memory_space<vmem>>, vector<1x16xf32>,
        %swap3A_569 = vector.shape_cast %swap3A_568 : vector<1x16xf32> to vector<16xf32>
        %swap3A_570 = vector.shape_cast %add3A_565 : vector<16xf32> to vector<1x16xf32>
        tpu.vector_store %arg10[%swap3A_566, %swap3A_567], %swap3A_570 {strides = array<i32>} : memref<32x256xf32, #tpu.memory_space<vmem>>, vector<1x16xf32>,
        %get3A_571 = arith.index_cast %scan3A_276 : i32 to index
        %get3A_572 = arith.constant 112 : index
        %get3A_573 = tpu.vector_load %arg8[%get3A_571, %get3A_572] {strides = array<i32>} : memref<160x256xf32, #tpu.memory_space<vmem>>, vector<1x16xf32>,
        %get3A_574 = vector.shape_cast %get3A_573 : vector<1x16xf32> to vector<16xf32>
        %mul3A_575 = arith.mulf %get3A_574, %get3A_4 : vector<16xf32>
        %add3A_576 = arith.constant 32 : i32
        %add3A_577 = arith.addi %add3A_576, %scan3A_276 : i32
        %get3A_578 = arith.index_cast %add3A_577 : i32 to index
        %get3A_579 = arith.constant 112 : index
        %get3A_580 = tpu.vector_load %arg8[%get3A_578, %get3A_579] {strides = array<i32>} : memref<160x256xf32, #tpu.memory_space<vmem>>, vector<1x16xf32>,
        %get3A_581 = vector.shape_cast %get3A_580 : vector<1x16xf32> to vector<16xf32>
        %mul3A_582 = arith.mulf %get3A_581, %get3A_7 : vector<16xf32>
        %add3A_583 = arith.addf %mul3A_575, %mul3A_582 : vector<16xf32>
        %add3A_584 = arith.constant 64 : i32
        %add3A_585 = arith.addi %add3A_584, %scan3A_276 : i32
        %get3A_586 = arith.index_cast %add3A_585 : i32 to index
        %get3A_587 = arith.constant 112 : index
        %get3A_588 = tpu.vector_load %arg8[%get3A_586, %get3A_587] {strides = array<i32>} : memref<160x256xf32, #tpu.memory_space<vmem>>, vector<1x16xf32>,
        %get3A_589 = vector.shape_cast %get3A_588 : vector<1x16xf32> to vector<16xf32>
        %mul3A_590 = arith.mulf %get3A_589, %get3A_10 : vector<16xf32>
        %add3A_591 = arith.addf %add3A_583, %mul3A_590 : vector<16xf32>
        %add3A_592 = arith.constant 96 : i32
        %add3A_593 = arith.addi %add3A_592, %scan3A_276 : i32
        %get3A_594 = arith.index_cast %add3A_593 : i32 to index
        %get3A_595 = arith.constant 112 : index
        %get3A_596 = tpu.vector_load %arg8[%get3A_594, %get3A_595] {strides = array<i32>} : memref<160x256xf32, #tpu.memory_space<vmem>>, vector<1x16xf32>,
        %get3A_597 = vector.shape_cast %get3A_596 : vector<1x16xf32> to vector<16xf32>
        %mul3A_598 = arith.mulf %get3A_597, %get3A_13 : vector<16xf32>
        %add3A_599 = arith.addf %add3A_591, %mul3A_598 : vector<16xf32>
        %add3A_600 = arith.constant 128 : i32
        %add3A_601 = arith.addi %add3A_600, %scan3A_276 : i32
        %get3A_602 = arith.index_cast %add3A_601 : i32 to index
        %get3A_603 = arith.constant 112 : index
        %get3A_604 = tpu.vector_load %arg8[%get3A_602, %get3A_603] {strides = array<i32>} : memref<160x256xf32, #tpu.memory_space<vmem>>, vector<1x16xf32>,
        %get3A_605 = vector.shape_cast %get3A_604 : vector<1x16xf32> to vector<16xf32>
        %mul3A_606 = arith.mulf %get3A_605, %get3A_16 : vector<16xf32>
        %add3A_607 = arith.addf %add3A_599, %mul3A_606 : vector<16xf32>
        %swap3A_608 = arith.index_cast %scan3A_276 : i32 to index
        %swap3A_609 = arith.constant 112 : index
        %swap3A_610 = tpu.vector_load %arg10[%swap3A_608, %swap3A_609] {strides = array<i32>} : memref<32x256xf32, #tpu.memory_space<vmem>>, vector<1x16xf32>,
        %swap3A_611 = vector.shape_cast %swap3A_610 : vector<1x16xf32> to vector<16xf32>
        %swap3A_612 = vector.shape_cast %add3A_607 : vector<16xf32> to vector<1x16xf32>
        tpu.vector_store %arg10[%swap3A_608, %swap3A_609], %swap3A_612 {strides = array<i32>} : memref<32x256xf32, #tpu.memory_space<vmem>>, vector<1x16xf32>,
        %get3A_613 = arith.index_cast %scan3A_276 : i32 to index
        %get3A_614 = arith.constant 128 : index
        %get3A_615 = tpu.vector_load %arg8[%get3A_613, %get3A_614] {strides = array<i32>} : memref<160x256xf32, #tpu.memory_space<vmem>>, vector<1x16xf32>,
        %get3A_616 = vector.shape_cast %get3A_615 : vector<1x16xf32> to vector<16xf32>
        %mul3A_617 = arith.mulf %get3A_616, %get3A_4 : vector<16xf32>
        %add3A_618 = arith.constant 32 : i32
        %add3A_619 = arith.addi %add3A_618, %scan3A_276 : i32
        %get3A_620 = arith.index_cast %add3A_619 : i32 to index
        %get3A_621 = arith.constant 128 : index
        %get3A_622 = tpu.vector_load %arg8[%get3A_620, %get3A_621] {strides = array<i32>} : memref<160x256xf32, #tpu.memory_space<vmem>>, vector<1x16xf32>,
        %get3A_623 = vector.shape_cast %get3A_622 : vector<1x16xf32> to vector<16xf32>
        %mul3A_624 = arith.mulf %get3A_623, %get3A_7 : vector<16xf32>
        %add3A_625 = arith.addf %mul3A_617, %mul3A_624 : vector<16xf32>
        %add3A_626 = arith.constant 64 : i32
        %add3A_627 = arith.addi %add3A_626, %scan3A_276 : i32
        %get3A_628 = arith.index_cast %add3A_627 : i32 to index
        %get3A_629 = arith.constant 128 : index
        %get3A_630 = tpu.vector_load %arg8[%get3A_628, %get3A_629] {strides = array<i32>} : memref<160x256xf32, #tpu.memory_space<vmem>>, vector<1x16xf32>,
        %get3A_631 = vector.shape_cast %get3A_630 : vector<1x16xf32> to vector<16xf32>
        %mul3A_632 = arith.mulf %get3A_631, %get3A_10 : vector<16xf32>
        %add3A_633 = arith.addf %add3A_625, %mul3A_632 : vector<16xf32>
        %add3A_634 = arith.constant 96 : i32
        %add3A_635 = arith.addi %add3A_634, %scan3A_276 : i32
        %get3A_636 = arith.index_cast %add3A_635 : i32 to index
        %get3A_637 = arith.constant 128 : index
        %get3A_638 = tpu.vector_load %arg8[%get3A_636, %get3A_637] {strides = array<i32>} : memref<160x256xf32, #tpu.memory_space<vmem>>, vector<1x16xf32>,
        %get3A_639 = vector.shape_cast %get3A_638 : vector<1x16xf32> to vector<16xf32>
        %mul3A_640 = arith.mulf %get3A_639, %get3A_13 : vector<16xf32>
        %add3A_641 = arith.addf %add3A_633, %mul3A_640 : vector<16xf32>
        %add3A_642 = arith.constant 128 : i32
        %add3A_643 = arith.addi %add3A_642, %scan3A_276 : i32
        %get3A_644 = arith.index_cast %add3A_643 : i32 to index
        %get3A_645 = arith.constant 128 : index
        %get3A_646 = tpu.vector_load %arg8[%get3A_644, %get3A_645] {strides = array<i32>} : memref<160x256xf32, #tpu.memory_space<vmem>>, vector<1x16xf32>,
        %get3A_647 = vector.shape_cast %get3A_646 : vector<1x16xf32> to vector<16xf32>
        %mul3A_648 = arith.mulf %get3A_647, %get3A_16 : vector<16xf32>
        %add3A_649 = arith.addf %add3A_641, %mul3A_648 : vector<16xf32>
        %swap3A_650 = arith.index_cast %scan3A_276 : i32 to index
        %swap3A_651 = arith.constant 128 : index
        %swap3A_652 = tpu.vector_load %arg10[%swap3A_650, %swap3A_651] {strides = array<i32>} : memref<32x256xf32, #tpu.memory_space<vmem>>, vector<1x16xf32>,
        %swap3A_653 = vector.shape_cast %swap3A_652 : vector<1x16xf32> to vector<16xf32>
        %swap3A_654 = vector.shape_cast %add3A_649 : vector<16xf32> to vector<1x16xf32>
        tpu.vector_store %arg10[%swap3A_650, %swap3A_651], %swap3A_654 {strides = array<i32>} : memref<32x256xf32, #tpu.memory_space<vmem>>, vector<1x16xf32>,
        %get3A_655 = arith.index_cast %scan3A_276 : i32 to index
        %get3A_656 = arith.constant 144 : index
        %get3A_657 = tpu.vector_load %arg8[%get3A_655, %get3A_656] {strides = array<i32>} : memref<160x256xf32, #tpu.memory_space<vmem>>, vector<1x16xf32>,
        %get3A_658 = vector.shape_cast %get3A_657 : vector<1x16xf32> to vector<16xf32>
        %mul3A_659 = arith.mulf %get3A_658, %get3A_4 : vector<16xf32>
        %add3A_660 = arith.constant 32 : i32
        %add3A_661 = arith.addi %add3A_660, %scan3A_276 : i32
        %get3A_662 = arith.index_cast %add3A_661 : i32 to index
        %get3A_663 = arith.constant 144 : index
        %get3A_664 = tpu.vector_load %arg8[%get3A_662, %get3A_663] {strides = array<i32>} : memref<160x256xf32, #tpu.memory_space<vmem>>, vector<1x16xf32>,
        %get3A_665 = vector.shape_cast %get3A_664 : vector<1x16xf32> to vector<16xf32>
        %mul3A_666 = arith.mulf %get3A_665, %get3A_7 : vector<16xf32>
        %add3A_667 = arith.addf %mul3A_659, %mul3A_666 : vector<16xf32>
        %add3A_668 = arith.constant 64 : i32
        %add3A_669 = arith.addi %add3A_668, %scan3A_276 : i32
        %get3A_670 = arith.index_cast %add3A_669 : i32 to index
        %get3A_671 = arith.constant 144 : index
        %get3A_672 = tpu.vector_load %arg8[%get3A_670, %get3A_671] {strides = array<i32>} : memref<160x256xf32, #tpu.memory_space<vmem>>, vector<1x16xf32>,
        %get3A_673 = vector.shape_cast %get3A_672 : vector<1x16xf32> to vector<16xf32>
        %mul3A_674 = arith.mulf %get3A_673, %get3A_10 : vector<16xf32>
        %add3A_675 = arith.addf %add3A_667, %mul3A_674 : vector<16xf32>
        %add3A_676 = arith.constant 96 : i32
        %add3A_677 = arith.addi %add3A_676, %scan3A_276 : i32
        %get3A_678 = arith.index_cast %add3A_677 : i32 to index
        %get3A_679 = arith.constant 144 : index
        %get3A_680 = tpu.vector_load %arg8[%get3A_678, %get3A_679] {strides = array<i32>} : memref<160x256xf32, #tpu.memory_space<vmem>>, vector<1x16xf32>,
        %get3A_681 = vector.shape_cast %get3A_680 : vector<1x16xf32> to vector<16xf32>
        %mul3A_682 = arith.mulf %get3A_681, %get3A_13 : vector<16xf32>
        %add3A_683 = arith.addf %add3A_675, %mul3A_682 : vector<16xf32>
        %add3A_684 = arith.constant 128 : i32
        %add3A_685 = arith.addi %add3A_684, %scan3A_276 : i32
        %get3A_686 = arith.index_cast %add3A_685 : i32 to index
        %get3A_687 = arith.constant 144 : index
        %get3A_688 = tpu.vector_load %arg8[%get3A_686, %get3A_687] {strides = array<i32>} : memref<160x256xf32, #tpu.memory_space<vmem>>, vector<1x16xf32>,
        %get3A_689 = vector.shape_cast %get3A_688 : vector<1x16xf32> to vector<16xf32>
        %mul3A_690 = arith.mulf %get3A_689, %get3A_16 : vector<16xf32>
        %add3A_691 = arith.addf %add3A_683, %mul3A_690 : vector<16xf32>
        %swap3A_692 = arith.index_cast %scan3A_276 : i32 to index
        %swap3A_693 = arith.constant 144 : index
        %swap3A_694 = tpu.vector_load %arg10[%swap3A_692, %swap3A_693] {strides = array<i32>} : memref<32x256xf32, #tpu.memory_space<vmem>>, vector<1x16xf32>,
        %swap3A_695 = vector.shape_cast %swap3A_694 : vector<1x16xf32> to vector<16xf32>
        %swap3A_696 = vector.shape_cast %add3A_691 : vector<16xf32> to vector<1x16xf32>
        tpu.vector_store %arg10[%swap3A_692, %swap3A_693], %swap3A_696 {strides = array<i32>} : memref<32x256xf32, #tpu.memory_space<vmem>>, vector<1x16xf32>,
        %get3A_697 = arith.index_cast %scan3A_276 : i32 to index
        %get3A_698 = arith.constant 160 : index
        %get3A_699 = tpu.vector_load %arg8[%get3A_697, %get3A_698] {strides = array<i32>} : memref<160x256xf32, #tpu.memory_space<vmem>>, vector<1x16xf32>,
        %get3A_700 = vector.shape_cast %get3A_699 : vector<1x16xf32> to vector<16xf32>
        %mul3A_701 = arith.mulf %get3A_700, %get3A_4 : vector<16xf32>
        %add3A_702 = arith.constant 32 : i32
        %add3A_703 = arith.addi %add3A_702, %scan3A_276 : i32
        %get3A_704 = arith.index_cast %add3A_703 : i32 to index
        %get3A_705 = arith.constant 160 : index
        %get3A_706 = tpu.vector_load %arg8[%get3A_704, %get3A_705] {strides = array<i32>} : memref<160x256xf32, #tpu.memory_space<vmem>>, vector<1x16xf32>,
        %get3A_707 = vector.shape_cast %get3A_706 : vector<1x16xf32> to vector<16xf32>
        %mul3A_708 = arith.mulf %get3A_707, %get3A_7 : vector<16xf32>
        %add3A_709 = arith.addf %mul3A_701, %mul3A_708 : vector<16xf32>
        %add3A_710 = arith.constant 64 : i32
        %add3A_711 = arith.addi %add3A_710, %scan3A_276 : i32
        %get3A_712 = arith.index_cast %add3A_711 : i32 to index
        %get3A_713 = arith.constant 160 : index
        %get3A_714 = tpu.vector_load %arg8[%get3A_712, %get3A_713] {strides = array<i32>} : memref<160x256xf32, #tpu.memory_space<vmem>>, vector<1x16xf32>,
        %get3A_715 = vector.shape_cast %get3A_714 : vector<1x16xf32> to vector<16xf32>
        %mul3A_716 = arith.mulf %get3A_715, %get3A_10 : vector<16xf32>
        %add3A_717 = arith.addf %add3A_709, %mul3A_716 : vector<16xf32>
        %add3A_718 = arith.constant 96 : i32
        %add3A_719 = arith.addi %add3A_718, %scan3A_276 : i32
        %get3A_720 = arith.index_cast %add3A_719 : i32 to index
        %get3A_721 = arith.constant 160 : index
        %get3A_722 = tpu.vector_load %arg8[%get3A_720, %get3A_721] {strides = array<i32>} : memref<160x256xf32, #tpu.memory_space<vmem>>, vector<1x16xf32>,
        %get3A_723 = vector.shape_cast %get3A_722 : vector<1x16xf32> to vector<16xf32>
        %mul3A_724 = arith.mulf %get3A_723, %get3A_13 : vector<16xf32>
        %add3A_725 = arith.addf %add3A_717, %mul3A_724 : vector<16xf32>
        %add3A_726 = arith.constant 128 : i32
        %add3A_727 = arith.addi %add3A_726, %scan3A_276 : i32
        %get3A_728 = arith.index_cast %add3A_727 : i32 to index
        %get3A_729 = arith.constant 160 : index
        %get3A_730 = tpu.vector_load %arg8[%get3A_728, %get3A_729] {strides = array<i32>} : memref<160x256xf32, #tpu.memory_space<vmem>>, vector<1x16xf32>,
        %get3A_731 = vector.shape_cast %get3A_730 : vector<1x16xf32> to vector<16xf32>
        %mul3A_732 = arith.mulf %get3A_731, %get3A_16 : vector<16xf32>
        %add3A_733 = arith.addf %add3A_725, %mul3A_732 : vector<16xf32>
        %swap3A_734 = arith.index_cast %scan3A_276 : i32 to index
        %swap3A_735 = arith.constant 160 : index
        %swap3A_736 = tpu.vector_load %arg10[%swap3A_734, %swap3A_735] {strides = array<i32>} : memref<32x256xf32, #tpu.memory_space<vmem>>, vector<1x16xf32>,
        %swap3A_737 = vector.shape_cast %swap3A_736 : vector<1x16xf32> to vector<16xf32>
        %swap3A_738 = vector.shape_cast %add3A_733 : vector<16xf32> to vector<1x16xf32>
        tpu.vector_store %arg10[%swap3A_734, %swap3A_735], %swap3A_738 {strides = array<i32>} : memref<32x256xf32, #tpu.memory_space<vmem>>, vector<1x16xf32>,
        %get3A_739 = arith.index_cast %scan3A_276 : i32 to index
        %get3A_740 = arith.constant 176 : index
        %get3A_741 = tpu.vector_load %arg8[%get3A_739, %get3A_740] {strides = array<i32>} : memref<160x256xf32, #tpu.memory_space<vmem>>, vector<1x16xf32>,
        %get3A_742 = vector.shape_cast %get3A_741 : vector<1x16xf32> to vector<16xf32>
        %mul3A_743 = arith.mulf %get3A_742, %get3A_4 : vector<16xf32>
        %add3A_744 = arith.constant 32 : i32
        %add3A_745 = arith.addi %add3A_744, %scan3A_276 : i32
        %get3A_746 = arith.index_cast %add3A_745 : i32 to index
        %get3A_747 = arith.constant 176 : index
        %get3A_748 = tpu.vector_load %arg8[%get3A_746, %get3A_747] {strides = array<i32>} : memref<160x256xf32, #tpu.memory_space<vmem>>, vector<1x16xf32>,
        %get3A_749 = vector.shape_cast %get3A_748 : vector<1x16xf32> to vector<16xf32>
        %mul3A_750 = arith.mulf %get3A_749, %get3A_7 : vector<16xf32>
        %add3A_751 = arith.addf %mul3A_743, %mul3A_750 : vector<16xf32>
        %add3A_752 = arith.constant 64 : i32
        %add3A_753 = arith.addi %add3A_752, %scan3A_276 : i32
        %get3A_754 = arith.index_cast %add3A_753 : i32 to index
        %get3A_755 = arith.constant 176 : index
        %get3A_756 = tpu.vector_load %arg8[%get3A_754, %get3A_755] {strides = array<i32>} : memref<160x256xf32, #tpu.memory_space<vmem>>, vector<1x16xf32>,
        %get3A_757 = vector.shape_cast %get3A_756 : vector<1x16xf32> to vector<16xf32>
        %mul3A_758 = arith.mulf %get3A_757, %get3A_10 : vector<16xf32>
        %add3A_759 = arith.addf %add3A_751, %mul3A_758 : vector<16xf32>
        %add3A_760 = arith.constant 96 : i32
        %add3A_761 = arith.addi %add3A_760, %scan3A_276 : i32
        %get3A_762 = arith.index_cast %add3A_761 : i32 to index
        %get3A_763 = arith.constant 176 : index
        %get3A_764 = tpu.vector_load %arg8[%get3A_762, %get3A_763] {strides = array<i32>} : memref<160x256xf32, #tpu.memory_space<vmem>>, vector<1x16xf32>,
        %get3A_765 = vector.shape_cast %get3A_764 : vector<1x16xf32> to vector<16xf32>
        %mul3A_766 = arith.mulf %get3A_765, %get3A_13 : vector<16xf32>
        %add3A_767 = arith.addf %add3A_759, %mul3A_766 : vector<16xf32>
        %add3A_768 = arith.constant 128 : i32
        %add3A_769 = arith.addi %add3A_768, %scan3A_276 : i32
        %get3A_770 = arith.index_cast %add3A_769 : i32 to index
        %get3A_771 = arith.constant 176 : index
        %get3A_772 = tpu.vector_load %arg8[%get3A_770, %get3A_771] {strides = array<i32>} : memref<160x256xf32, #tpu.memory_space<vmem>>, vector<1x16xf32>,
        %get3A_773 = vector.shape_cast %get3A_772 : vector<1x16xf32> to vector<16xf32>
        %mul3A_774 = arith.mulf %get3A_773, %get3A_16 : vector<16xf32>
        %add3A_775 = arith.addf %add3A_767, %mul3A_774 : vector<16xf32>
        %swap3A_776 = arith.index_cast %scan3A_276 : i32 to index
        %swap3A_777 = arith.constant 176 : index
        %swap3A_778 = tpu.vector_load %arg10[%swap3A_776, %swap3A_777] {strides = array<i32>} : memref<32x256xf32, #tpu.memory_space<vmem>>, vector<1x16xf32>,
        %swap3A_779 = vector.shape_cast %swap3A_778 : vector<1x16xf32> to vector<16xf32>
        %swap3A_780 = vector.shape_cast %add3A_775 : vector<16xf32> to vector<1x16xf32>
        tpu.vector_store %arg10[%swap3A_776, %swap3A_777], %swap3A_780 {strides = array<i32>} : memref<32x256xf32, #tpu.memory_space<vmem>>, vector<1x16xf32>,
        %get3A_781 = arith.index_cast %scan3A_276 : i32 to index
        %get3A_782 = arith.constant 192 : index
        %get3A_783 = tpu.vector_load %arg8[%get3A_781, %get3A_782] {strides = array<i32>} : memref<160x256xf32, #tpu.memory_space<vmem>>, vector<1x16xf32>,
        %get3A_784 = vector.shape_cast %get3A_783 : vector<1x16xf32> to vector<16xf32>
        %mul3A_785 = arith.mulf %get3A_784, %get3A_4 : vector<16xf32>
        %add3A_786 = arith.constant 32 : i32
        %add3A_787 = arith.addi %add3A_786, %scan3A_276 : i32
        %get3A_788 = arith.index_cast %add3A_787 : i32 to index
        %get3A_789 = arith.constant 192 : index
        %get3A_790 = tpu.vector_load %arg8[%get3A_788, %get3A_789] {strides = array<i32>} : memref<160x256xf32, #tpu.memory_space<vmem>>, vector<1x16xf32>,
        %get3A_791 = vector.shape_cast %get3A_790 : vector<1x16xf32> to vector<16xf32>
        %mul3A_792 = arith.mulf %get3A_791, %get3A_7 : vector<16xf32>
        %add3A_793 = arith.addf %mul3A_785, %mul3A_792 : vector<16xf32>
        %add3A_794 = arith.constant 64 : i32
        %add3A_795 = arith.addi %add3A_794, %scan3A_276 : i32
        %get3A_796 = arith.index_cast %add3A_795 : i32 to index
        %get3A_797 = arith.constant 192 : index
        %get3A_798 = tpu.vector_load %arg8[%get3A_796, %get3A_797] {strides = array<i32>} : memref<160x256xf32, #tpu.memory_space<vmem>>, vector<1x16xf32>,
        %get3A_799 = vector.shape_cast %get3A_798 : vector<1x16xf32> to vector<16xf32>
        %mul3A_800 = arith.mulf %get3A_799, %get3A_10 : vector<16xf32>
        %add3A_801 = arith.addf %add3A_793, %mul3A_800 : vector<16xf32>
        %add3A_802 = arith.constant 96 : i32
        %add3A_803 = arith.addi %add3A_802, %scan3A_276 : i32
        %get3A_804 = arith.index_cast %add3A_803 : i32 to index
        %get3A_805 = arith.constant 192 : index
        %get3A_806 = tpu.vector_load %arg8[%get3A_804, %get3A_805] {strides = array<i32>} : memref<160x256xf32, #tpu.memory_space<vmem>>, vector<1x16xf32>,
        %get3A_807 = vector.shape_cast %get3A_806 : vector<1x16xf32> to vector<16xf32>
        %mul3A_808 = arith.mulf %get3A_807, %get3A_13 : vector<16xf32>
        %add3A_809 = arith.addf %add3A_801, %mul3A_808 : vector<16xf32>
        %add3A_810 = arith.constant 128 : i32
        %add3A_811 = arith.addi %add3A_810, %scan3A_276 : i32
        %get3A_812 = arith.index_cast %add3A_811 : i32 to index
        %get3A_813 = arith.constant 192 : index
        %get3A_814 = tpu.vector_load %arg8[%get3A_812, %get3A_813] {strides = array<i32>} : memref<160x256xf32, #tpu.memory_space<vmem>>, vector<1x16xf32>,
        %get3A_815 = vector.shape_cast %get3A_814 : vector<1x16xf32> to vector<16xf32>
        %mul3A_816 = arith.mulf %get3A_815, %get3A_16 : vector<16xf32>
        %add3A_817 = arith.addf %add3A_809, %mul3A_816 : vector<16xf32>
        %swap3A_818 = arith.index_cast %scan3A_276 : i32 to index
        %swap3A_819 = arith.constant 192 : index
        %swap3A_820 = tpu.vector_load %arg10[%swap3A_818, %swap3A_819] {strides = array<i32>} : memref<32x256xf32, #tpu.memory_space<vmem>>, vector<1x16xf32>,
        %swap3A_821 = vector.shape_cast %swap3A_820 : vector<1x16xf32> to vector<16xf32>
        %swap3A_822 = vector.shape_cast %add3A_817 : vector<16xf32> to vector<1x16xf32>
        tpu.vector_store %arg10[%swap3A_818, %swap3A_819], %swap3A_822 {strides = array<i32>} : memref<32x256xf32, #tpu.memory_space<vmem>>, vector<1x16xf32>,
        %get3A_823 = arith.index_cast %scan3A_276 : i32 to index
        %get3A_824 = arith.constant 208 : index
        %get3A_825 = tpu.vector_load %arg8[%get3A_823, %get3A_824] {strides = array<i32>} : memref<160x256xf32, #tpu.memory_space<vmem>>, vector<1x16xf32>,
        %get3A_826 = vector.shape_cast %get3A_825 : vector<1x16xf32> to vector<16xf32>
        %mul3A_827 = arith.mulf %get3A_826, %get3A_4 : vector<16xf32>
        %add3A_828 = arith.constant 32 : i32
        %add3A_829 = arith.addi %add3A_828, %scan3A_276 : i32
        %get3A_830 = arith.index_cast %add3A_829 : i32 to index
        %get3A_831 = arith.constant 208 : index
        %get3A_832 = tpu.vector_load %arg8[%get3A_830, %get3A_831] {strides = array<i32>} : memref<160x256xf32, #tpu.memory_space<vmem>>, vector<1x16xf32>,
        %get3A_833 = vector.shape_cast %get3A_832 : vector<1x16xf32> to vector<16xf32>
        %mul3A_834 = arith.mulf %get3A_833, %get3A_7 : vector<16xf32>
        %add3A_835 = arith.addf %mul3A_827, %mul3A_834 : vector<16xf32>
        %add3A_836 = arith.constant 64 : i32
        %add3A_837 = arith.addi %add3A_836, %scan3A_276 : i32
        %get3A_838 = arith.index_cast %add3A_837 : i32 to index
        %get3A_839 = arith.constant 208 : index
        %get3A_840 = tpu.vector_load %arg8[%get3A_838, %get3A_839] {strides = array<i32>} : memref<160x256xf32, #tpu.memory_space<vmem>>, vector<1x16xf32>,
        %get3A_841 = vector.shape_cast %get3A_840 : vector<1x16xf32> to vector<16xf32>
        %mul3A_842 = arith.mulf %get3A_841, %get3A_10 : vector<16xf32>
        %add3A_843 = arith.addf %add3A_835, %mul3A_842 : vector<16xf32>
        %add3A_844 = arith.constant 96 : i32
        %add3A_845 = arith.addi %add3A_844, %scan3A_276 : i32
        %get3A_846 = arith.index_cast %add3A_845 : i32 to index
        %get3A_847 = arith.constant 208 : index
        %get3A_848 = tpu.vector_load %arg8[%get3A_846, %get3A_847] {strides = array<i32>} : memref<160x256xf32, #tpu.memory_space<vmem>>, vector<1x16xf32>,
        %get3A_849 = vector.shape_cast %get3A_848 : vector<1x16xf32> to vector<16xf32>
        %mul3A_850 = arith.mulf %get3A_849, %get3A_13 : vector<16xf32>
        %add3A_851 = arith.addf %add3A_843, %mul3A_850 : vector<16xf32>
        %add3A_852 = arith.constant 128 : i32
        %add3A_853 = arith.addi %add3A_852, %scan3A_276 : i32
        %get3A_854 = arith.index_cast %add3A_853 : i32 to index
        %get3A_855 = arith.constant 208 : index
        %get3A_856 = tpu.vector_load %arg8[%get3A_854, %get3A_855] {strides = array<i32>} : memref<160x256xf32, #tpu.memory_space<vmem>>, vector<1x16xf32>,
        %get3A_857 = vector.shape_cast %get3A_856 : vector<1x16xf32> to vector<16xf32>
        %mul3A_858 = arith.mulf %get3A_857, %get3A_16 : vector<16xf32>
        %add3A_859 = arith.addf %add3A_851, %mul3A_858 : vector<16xf32>
        %swap3A_860 = arith.index_cast %scan3A_276 : i32 to index
        %swap3A_861 = arith.constant 208 : index
        %swap3A_862 = tpu.vector_load %arg10[%swap3A_860, %swap3A_861] {strides = array<i32>} : memref<32x256xf32, #tpu.memory_space<vmem>>, vector<1x16xf32>,
        %swap3A_863 = vector.shape_cast %swap3A_862 : vector<1x16xf32> to vector<16xf32>
        %swap3A_864 = vector.shape_cast %add3A_859 : vector<16xf32> to vector<1x16xf32>
        tpu.vector_store %arg10[%swap3A_860, %swap3A_861], %swap3A_864 {strides = array<i32>} : memref<32x256xf32, #tpu.memory_space<vmem>>, vector<1x16xf32>,
        %get3A_865 = arith.index_cast %scan3A_276 : i32 to index
        %get3A_866 = arith.constant 224 : index
        %get3A_867 = tpu.vector_load %arg8[%get3A_865, %get3A_866] {strides = array<i32>} : memref<160x256xf32, #tpu.memory_space<vmem>>, vector<1x16xf32>,
        %get3A_868 = vector.shape_cast %get3A_867 : vector<1x16xf32> to vector<16xf32>
        %mul3A_869 = arith.mulf %get3A_868, %get3A_4 : vector<16xf32>
        %add3A_870 = arith.constant 32 : i32
        %add3A_871 = arith.addi %add3A_870, %scan3A_276 : i32
        %get3A_872 = arith.index_cast %add3A_871 : i32 to index
        %get3A_873 = arith.constant 224 : index
        %get3A_874 = tpu.vector_load %arg8[%get3A_872, %get3A_873] {strides = array<i32>} : memref<160x256xf32, #tpu.memory_space<vmem>>, vector<1x16xf32>,
        %get3A_875 = vector.shape_cast %get3A_874 : vector<1x16xf32> to vector<16xf32>
        %mul3A_876 = arith.mulf %get3A_875, %get3A_7 : vector<16xf32>
        %add3A_877 = arith.addf %mul3A_869, %mul3A_876 : vector<16xf32>
        %add3A_878 = arith.constant 64 : i32
        %add3A_879 = arith.addi %add3A_878, %scan3A_276 : i32
        %get3A_880 = arith.index_cast %add3A_879 : i32 to index
        %get3A_881 = arith.constant 224 : index
        %get3A_882 = tpu.vector_load %arg8[%get3A_880, %get3A_881] {strides = array<i32>} : memref<160x256xf32, #tpu.memory_space<vmem>>, vector<1x16xf32>,
        %get3A_883 = vector.shape_cast %get3A_882 : vector<1x16xf32> to vector<16xf32>
        %mul3A_884 = arith.mulf %get3A_883, %get3A_10 : vector<16xf32>
        %add3A_885 = arith.addf %add3A_877, %mul3A_884 : vector<16xf32>
        %add3A_886 = arith.constant 96 : i32
        %add3A_887 = arith.addi %add3A_886, %scan3A_276 : i32
        %get3A_888 = arith.index_cast %add3A_887 : i32 to index
        %get3A_889 = arith.constant 224 : index
        %get3A_890 = tpu.vector_load %arg8[%get3A_888, %get3A_889] {strides = array<i32>} : memref<160x256xf32, #tpu.memory_space<vmem>>, vector<1x16xf32>,
        %get3A_891 = vector.shape_cast %get3A_890 : vector<1x16xf32> to vector<16xf32>
        %mul3A_892 = arith.mulf %get3A_891, %get3A_13 : vector<16xf32>
        %add3A_893 = arith.addf %add3A_885, %mul3A_892 : vector<16xf32>
        %add3A_894 = arith.constant 128 : i32
        %add3A_895 = arith.addi %add3A_894, %scan3A_276 : i32
        %get3A_896 = arith.index_cast %add3A_895 : i32 to index
        %get3A_897 = arith.constant 224 : index
        %get3A_898 = tpu.vector_load %arg8[%get3A_896, %get3A_897] {strides = array<i32>} : memref<160x256xf32, #tpu.memory_space<vmem>>, vector<1x16xf32>,
        %get3A_899 = vector.shape_cast %get3A_898 : vector<1x16xf32> to vector<16xf32>
        %mul3A_900 = arith.mulf %get3A_899, %get3A_16 : vector<16xf32>
        %add3A_901 = arith.addf %add3A_893, %mul3A_900 : vector<16xf32>
        %swap3A_902 = arith.index_cast %scan3A_276 : i32 to index
        %swap3A_903 = arith.constant 224 : index
        %swap3A_904 = tpu.vector_load %arg10[%swap3A_902, %swap3A_903] {strides = array<i32>} : memref<32x256xf32, #tpu.memory_space<vmem>>, vector<1x16xf32>,
        %swap3A_905 = vector.shape_cast %swap3A_904 : vector<1x16xf32> to vector<16xf32>
        %swap3A_906 = vector.shape_cast %add3A_901 : vector<16xf32> to vector<1x16xf32>
        tpu.vector_store %arg10[%swap3A_902, %swap3A_903], %swap3A_906 {strides = array<i32>} : memref<32x256xf32, #tpu.memory_space<vmem>>, vector<1x16xf32>,
        %get3A_907 = arith.index_cast %scan3A_276 : i32 to index
        %get3A_908 = arith.constant 240 : index
        %get3A_909 = tpu.vector_load %arg8[%get3A_907, %get3A_908] {strides = array<i32>} : memref<160x256xf32, #tpu.memory_space<vmem>>, vector<1x16xf32>,
        %get3A_910 = vector.shape_cast %get3A_909 : vector<1x16xf32> to vector<16xf32>
        %mul3A_911 = arith.mulf %get3A_910, %get3A_4 : vector<16xf32>
        %add3A_912 = arith.constant 32 : i32
        %add3A_913 = arith.addi %add3A_912, %scan3A_276 : i32
        %get3A_914 = arith.index_cast %add3A_913 : i32 to index
        %get3A_915 = arith.constant 240 : index
        %get3A_916 = tpu.vector_load %arg8[%get3A_914, %get3A_915] {strides = array<i32>} : memref<160x256xf32, #tpu.memory_space<vmem>>, vector<1x16xf32>,
        %get3A_917 = vector.shape_cast %get3A_916 : vector<1x16xf32> to vector<16xf32>
        %mul3A_918 = arith.mulf %get3A_917, %get3A_7 : vector<16xf32>
        %add3A_919 = arith.addf %mul3A_911, %mul3A_918 : vector<16xf32>
        %add3A_920 = arith.constant 64 : i32
        %add3A_921 = arith.addi %add3A_920, %scan3A_276 : i32
        %get3A_922 = arith.index_cast %add3A_921 : i32 to index
        %get3A_923 = arith.constant 240 : index
        %get3A_924 = tpu.vector_load %arg8[%get3A_922, %get3A_923] {strides = array<i32>} : memref<160x256xf32, #tpu.memory_space<vmem>>, vector<1x16xf32>,
        %get3A_925 = vector.shape_cast %get3A_924 : vector<1x16xf32> to vector<16xf32>
        %mul3A_926 = arith.mulf %get3A_925, %get3A_10 : vector<16xf32>
        %add3A_927 = arith.addf %add3A_919, %mul3A_926 : vector<16xf32>
        %add3A_928 = arith.constant 96 : i32
        %add3A_929 = arith.addi %add3A_928, %scan3A_276 : i32
        %get3A_930 = arith.index_cast %add3A_929 : i32 to index
        %get3A_931 = arith.constant 240 : index
        %get3A_932 = tpu.vector_load %arg8[%get3A_930, %get3A_931] {strides = array<i32>} : memref<160x256xf32, #tpu.memory_space<vmem>>, vector<1x16xf32>,
        %get3A_933 = vector.shape_cast %get3A_932 : vector<1x16xf32> to vector<16xf32>
        %mul3A_934 = arith.mulf %get3A_933, %get3A_13 : vector<16xf32>
        %add3A_935 = arith.addf %add3A_927, %mul3A_934 : vector<16xf32>
        %add3A_936 = arith.constant 128 : i32
        %add3A_937 = arith.addi %add3A_936, %scan3A_276 : i32
        %get3A_938 = arith.index_cast %add3A_937 : i32 to index
        %get3A_939 = arith.constant 240 : index
        %get3A_940 = tpu.vector_load %arg8[%get3A_938, %get3A_939] {strides = array<i32>} : memref<160x256xf32, #tpu.memory_space<vmem>>, vector<1x16xf32>,
        %get3A_941 = vector.shape_cast %get3A_940 : vector<1x16xf32> to vector<16xf32>
        %mul3A_942 = arith.mulf %get3A_941, %get3A_16 : vector<16xf32>
        %add3A_943 = arith.addf %add3A_935, %mul3A_942 : vector<16xf32>
        %swap3A_944 = arith.index_cast %scan3A_276 : i32 to index
        %swap3A_945 = arith.constant 240 : index
        %swap3A_946 = tpu.vector_load %arg10[%swap3A_944, %swap3A_945] {strides = array<i32>} : memref<32x256xf32, #tpu.memory_space<vmem>>, vector<1x16xf32>,
        %swap3A_947 = vector.shape_cast %swap3A_946 : vector<1x16xf32> to vector<16xf32>
        %swap3A_948 = vector.shape_cast %add3A_943 : vector<16xf32> to vector<1x16xf32>
        tpu.vector_store %arg10[%swap3A_944, %swap3A_945], %swap3A_948 {strides = array<i32>} : memref<32x256xf32, #tpu.memory_space<vmem>>, vector<1x16xf32>,
      }
      %scan3A_216 = arith.constant 32 : i32
      %mul3A_217 = arith.constant 32 : i32
      %mul3A_218 = arith.muli %add3A_179, %mul3A_217 : i32
      %add3A_219 = arith.addi %mul3A_2, %mul3A_218 : i32
      %dma_start3A_220 = arith.constant 0 : i32
      %dma_start3A_221 = tpu.memref_slice %arg5[%add3A_219, %dma_start3A_220] : memref<301056x256xf32, #tpu.memory_space<hbm>> -> memref<32x256xf32, #tpu.memory_space<hbm>>
      %dma_start3A_222 = arith.constant 0 : i32
      %dma_start3A_223 = tpu.memref_slice %arg5[%add3A_219, %dma_start3A_222] : memref<301056x256xf32, #tpu.memory_space<hbm>> -> memref<32x256xf32, #tpu.memory_space<hbm>>
      tpu.enqueue_dma source(%arg10 : memref<32x256xf32, #tpu.memory_space<vmem>>) target(%dma_start3A_223 : memref<32x256xf32, #tpu.memory_space<hbm>>) target_semaphore(%arg17 : memref<!tpu.dma_semaphore, #tpu.memory_space<semaphore_mem>>)
      %mul3A_224 = arith.constant 2 : i32
      %mul3A_225 = arith.muli %scan3A_175, %mul3A_224 : i32
      %add3A_226 = arith.constant 1 : i32
      %add3A_227 = arith.addi %mul3A_225, %add3A_226 : i32
      %dma_wait3A_228 = arith.constant 0 : i32
      %dma_wait3A_229 = arith.constant 0 : i32
      %dma_wait3A_230 = tpu.memref_slice %arg9[%dma_wait3A_228, %dma_wait3A_229] : memref<160x256xf32, #tpu.memory_space<vmem>> -> memref<80x256xf32, #tpu.memory_space<vmem>>
      %dma_wait3A_231 = arith.constant 0 : i32
      %dma_wait3A_232 = tpu.memref_slice %arg7[%dma_wait3A_231] : memref<160xi32, #tpu.memory_space<vmem>> -> memref<80xi32, #tpu.memory_space<vmem>>
      %dma_wait3A_233 = arith.constant 0 : i32
      %dma_wait3A_234 = arith.constant 0 : i32
      %dma_wait3A_235 = tpu.memref_slice %arg2[%dma_wait3A_233, %dma_wait3A_234] : memref<300000x256xf32, #tpu.memory_space<hbm>> -> memref<300000x256xf32, #tpu.memory_space<hbm>>
      tpu.wait_indirect_dma semaphore(%arg16 : memref<!tpu.dma_semaphore, #tpu.memory_space<semaphore_mem>>) src(%dma_wait3A_235 : memref<300000x256xf32, #tpu.memory_space<hbm>>) dst(%dma_wait3A_230 : memref<80x256xf32, #tpu.memory_space<vmem>>)
      %dma_wait3A_236 = arith.constant 80 : i32
      %dma_wait3A_237 = arith.constant 0 : i32
      %dma_wait3A_238 = tpu.memref_slice %arg9[%dma_wait3A_236, %dma_wait3A_237] : memref<160x256xf32, #tpu.memory_space<vmem>> -> memref<80x256xf32, #tpu.memory_space<vmem>>
      %dma_wait3A_239 = arith.constant 80 : i32
      %dma_wait3A_240 = tpu.memref_slice %arg7[%dma_wait3A_239] : memref<160xi32, #tpu.memory_space<vmem>> -> memref<80xi32, #tpu.memory_space<vmem>>
      %dma_wait3A_241 = arith.constant 0 : i32
      %dma_wait3A_242 = arith.constant 0 : i32
      %dma_wait3A_243 = tpu.memref_slice %arg2[%dma_wait3A_241, %dma_wait3A_242] : memref<300000x256xf32, #tpu.memory_space<hbm>> -> memref<300000x256xf32, #tpu.memory_space<hbm>>
      tpu.wait_indirect_dma semaphore(%arg16 : memref<!tpu.dma_semaphore, #tpu.memory_space<semaphore_mem>>) src(%dma_wait3A_243 : memref<300000x256xf32, #tpu.memory_space<hbm>>) dst(%dma_wait3A_238 : memref<80x256xf32, #tpu.memory_space<vmem>>)
      %add3A_244 = arith.constant 1 : i32
      %add3A_245 = arith.addi %add3A_227, %add3A_244 : i32
      %lt3A_246 = arith.constant 294 : i32
      %lt3A_247 = arith.cmpi slt, %add3A_245, %lt3A_246 : i32
      %convert_element_type3A_248 = arith.extui %lt3A_247 : i1 to i32
      %cond3A_249 = arith.constant 0 : i32
      %cond3A_250 = arith.cmpi ne, %convert_element_type3A_248, %cond3A_249 : i32
      scf.if %cond3A_250 {
        %add3A_276 = arith.constant 1 : i32
        %add3A_277 = arith.addi %add3A_227, %add3A_276 : i32
        %mul3A_278 = arith.constant 32 : i32
        %mul3A_279 = arith.muli %add3A_277, %mul3A_278 : i32
        %add3A_280 = arith.addi %mul3A_2, %mul3A_279 : i32
        %mul3A_281 = arith.constant 5 : i32
        %mul3A_282 = arith.muli %add3A_280, %mul3A_281 : i32
        %dma_wait3A_283 = tpu.memref_slice %arg3[%mul3A_282] : memref<1505280xi32, #tpu.memory_space<hbm>> -> memref<160xi32, #tpu.memory_space<hbm>>
        %dma_wait3A_284 = tpu.memref_slice %arg3[%mul3A_282] : memref<1505280xi32, #tpu.memory_space<hbm>> -> memref<160xi32, #tpu.memory_space<hbm>>
        tpu.wait_dma2 semaphore(%arg13 : memref<!tpu.dma_semaphore, #tpu.memory_space<semaphore_mem>>) src(%dma_wait3A_284 : memref<160xi32, #tpu.memory_space<hbm>>) dst(%arg6 : memref<160xi32, #tpu.memory_space<vmem>>)
        %add3A_285 = arith.constant 1 : i32
        %add3A_286 = arith.addi %add3A_227, %add3A_285 : i32
        %mul3A_287 = arith.constant 32 : i32
        %mul3A_288 = arith.muli %add3A_286, %mul3A_287 : i32
        %add3A_289 = arith.addi %mul3A_2, %mul3A_288 : i32
        %jit3A_290 = arith.constant 100352 : i32
        %div3A_291 = arith.divsi %add3A_289, %jit3A_290 : i32
        %sign3A_292 = arith.constant 0 : i32
        %sign3A_293 = arith.cmpi sgt, %add3A_289, %sign3A_292 : i32
        %sign3A_294 = arith.extui %sign3A_293 : i1 to i32
        %sign3A_295 = arith.constant 0 : i32
        %sign3A_296 = arith.cmpi slt, %add3A_289, %sign3A_295 : i32
        %sign3A_297 = arith.extui %sign3A_296 : i1 to i32
        %sign3A_298 = arith.subi %sign3A_294, %sign3A_297 : i32
        %sign3A_299 = arith.constant 0 : i32
        %sign3A_300 = arith.cmpi sgt, %jit3A_290, %sign3A_299 : i32
        %sign3A_301 = arith.extui %sign3A_300 : i1 to i32
        %sign3A_302 = arith.constant 0 : i32
        %sign3A_303 = arith.cmpi slt, %jit3A_290, %sign3A_302 : i32
        %sign3A_304 = arith.extui %sign3A_303 : i1 to i32
        %sign3A_305 = arith.subi %sign3A_301, %sign3A_304 : i32
        %ne3A_306 = arith.cmpi ne, %sign3A_298, %sign3A_305 : i32
        %rem3A_307 = arith.remsi %add3A_289, %jit3A_290 : i32
        %ne3A_308 = arith.constant 0 : i32
        %ne3A_309 = arith.cmpi ne, %rem3A_307, %ne3A_308 : i32
        %and3A_310 = arith.andi %ne3A_306, %ne3A_309 : i1
        %sub3A_311 = arith.constant 1 : i32
        %sub3A_312 = arith.subi %div3A_291, %sub3A_311 : i32
        %select_n3A_313 = arith.select %and3A_310, %sub3A_312, %div3A_291 : i32
        %mul3A_314 = arith.constant 100000 : i32
        %mul3A_315 = arith.muli %select_n3A_313, %mul3A_314 : i32
        %get3A_316 = arith.constant 0 : index
        %get3A_317 = tpu.vector_load %arg6[%get3A_316] {strides = array<i32>} : memref<160xi32, #tpu.memory_space<vmem>>, vector<16xi32>,
        %get3A_318 = vector.shape_cast %get3A_317 : vector<16xi32> to vector<16xi32>
        %add3A_319 = vector.broadcast %mul3A_315 : i32 to vector<16xi32>
        %add3A_320 = arith.addi %get3A_318, %add3A_319 : vector<16xi32>
        %swap3A_321 = arith.constant 0 : index
        %swap3A_322 = tpu.vector_load %arg6[%swap3A_321] {strides = array<i32>} : memref<160xi32, #tpu.memory_space<vmem>>, vector<16xi32>,
        %swap3A_323 = vector.shape_cast %swap3A_322 : vector<16xi32> to vector<16xi32>
        %swap3A_324 = vector.shape_cast %add3A_320 : vector<16xi32> to vector<16xi32>
        tpu.vector_store %arg6[%swap3A_321], %swap3A_324 {strides = array<i32>} : memref<160xi32, #tpu.memory_space<vmem>>, vector<16xi32>,
        %get3A_325 = arith.constant 16 : index
        %get3A_326 = tpu.vector_load %arg6[%get3A_325] {strides = array<i32>} : memref<160xi32, #tpu.memory_space<vmem>>, vector<16xi32>,
        %get3A_327 = vector.shape_cast %get3A_326 : vector<16xi32> to vector<16xi32>
        %add3A_328 = vector.broadcast %mul3A_315 : i32 to vector<16xi32>
        %add3A_329 = arith.addi %get3A_327, %add3A_328 : vector<16xi32>
        %swap3A_330 = arith.constant 16 : index
        %swap3A_331 = tpu.vector_load %arg6[%swap3A_330] {strides = array<i32>} : memref<160xi32, #tpu.memory_space<vmem>>, vector<16xi32>,
        %swap3A_332 = vector.shape_cast %swap3A_331 : vector<16xi32> to vector<16xi32>
        %swap3A_333 = vector.shape_cast %add3A_329 : vector<16xi32> to vector<16xi32>
        tpu.vector_store %arg6[%swap3A_330], %swap3A_333 {strides = array<i32>} : memref<160xi32, #tpu.memory_space<vmem>>, vector<16xi32>,
        %get3A_334 = arith.constant 32 : index
        %get3A_335 = tpu.vector_load %arg6[%get3A_334] {strides = array<i32>} : memref<160xi32, #tpu.memory_space<vmem>>, vector<16xi32>,
        %get3A_336 = vector.shape_cast %get3A_335 : vector<16xi32> to vector<16xi32>
        %add3A_337 = vector.broadcast %mul3A_315 : i32 to vector<16xi32>
        %add3A_338 = arith.addi %get3A_336, %add3A_337 : vector<16xi32>
        %swap3A_339 = arith.constant 32 : index
        %swap3A_340 = tpu.vector_load %arg6[%swap3A_339] {strides = array<i32>} : memref<160xi32, #tpu.memory_space<vmem>>, vector<16xi32>,
        %swap3A_341 = vector.shape_cast %swap3A_340 : vector<16xi32> to vector<16xi32>
        %swap3A_342 = vector.shape_cast %add3A_338 : vector<16xi32> to vector<16xi32>
        tpu.vector_store %arg6[%swap3A_339], %swap3A_342 {strides = array<i32>} : memref<160xi32, #tpu.memory_space<vmem>>, vector<16xi32>,
        %get3A_343 = arith.constant 48 : index
        %get3A_344 = tpu.vector_load %arg6[%get3A_343] {strides = array<i32>} : memref<160xi32, #tpu.memory_space<vmem>>, vector<16xi32>,
        %get3A_345 = vector.shape_cast %get3A_344 : vector<16xi32> to vector<16xi32>
        %add3A_346 = vector.broadcast %mul3A_315 : i32 to vector<16xi32>
        %add3A_347 = arith.addi %get3A_345, %add3A_346 : vector<16xi32>
        %swap3A_348 = arith.constant 48 : index
        %swap3A_349 = tpu.vector_load %arg6[%swap3A_348] {strides = array<i32>} : memref<160xi32, #tpu.memory_space<vmem>>, vector<16xi32>,
        %swap3A_350 = vector.shape_cast %swap3A_349 : vector<16xi32> to vector<16xi32>
        %swap3A_351 = vector.shape_cast %add3A_347 : vector<16xi32> to vector<16xi32>
        tpu.vector_store %arg6[%swap3A_348], %swap3A_351 {strides = array<i32>} : memref<160xi32, #tpu.memory_space<vmem>>, vector<16xi32>,
        %get3A_352 = arith.constant 64 : index
        %get3A_353 = tpu.vector_load %arg6[%get3A_352] {strides = array<i32>} : memref<160xi32, #tpu.memory_space<vmem>>, vector<16xi32>,
        %get3A_354 = vector.shape_cast %get3A_353 : vector<16xi32> to vector<16xi32>
        %add3A_355 = vector.broadcast %mul3A_315 : i32 to vector<16xi32>
        %add3A_356 = arith.addi %get3A_354, %add3A_355 : vector<16xi32>
        %swap3A_357 = arith.constant 64 : index
        %swap3A_358 = tpu.vector_load %arg6[%swap3A_357] {strides = array<i32>} : memref<160xi32, #tpu.memory_space<vmem>>, vector<16xi32>,
        %swap3A_359 = vector.shape_cast %swap3A_358 : vector<16xi32> to vector<16xi32>
        %swap3A_360 = vector.shape_cast %add3A_356 : vector<16xi32> to vector<16xi32>
        tpu.vector_store %arg6[%swap3A_357], %swap3A_360 {strides = array<i32>} : memref<160xi32, #tpu.memory_space<vmem>>, vector<16xi32>,
        %get3A_361 = arith.constant 80 : index
        %get3A_362 = tpu.vector_load %arg6[%get3A_361] {strides = array<i32>} : memref<160xi32, #tpu.memory_space<vmem>>, vector<16xi32>,
        %get3A_363 = vector.shape_cast %get3A_362 : vector<16xi32> to vector<16xi32>
        %add3A_364 = vector.broadcast %mul3A_315 : i32 to vector<16xi32>
        %add3A_365 = arith.addi %get3A_363, %add3A_364 : vector<16xi32>
        %swap3A_366 = arith.constant 80 : index
        %swap3A_367 = tpu.vector_load %arg6[%swap3A_366] {strides = array<i32>} : memref<160xi32, #tpu.memory_space<vmem>>, vector<16xi32>,
        %swap3A_368 = vector.shape_cast %swap3A_367 : vector<16xi32> to vector<16xi32>
        %swap3A_369 = vector.shape_cast %add3A_365 : vector<16xi32> to vector<16xi32>
        tpu.vector_store %arg6[%swap3A_366], %swap3A_369 {strides = array<i32>} : memref<160xi32, #tpu.memory_space<vmem>>, vector<16xi32>,
        %get3A_370 = arith.constant 96 : index
        %get3A_371 = tpu.vector_load %arg6[%get3A_370] {strides = array<i32>} : memref<160xi32, #tpu.memory_space<vmem>>, vector<16xi32>,
        %get3A_372 = vector.shape_cast %get3A_371 : vector<16xi32> to vector<16xi32>
        %add3A_373 = vector.broadcast %mul3A_315 : i32 to vector<16xi32>
        %add3A_374 = arith.addi %get3A_372, %add3A_373 : vector<16xi32>
        %swap3A_375 = arith.constant 96 : index
        %swap3A_376 = tpu.vector_load %arg6[%swap3A_375] {strides = array<i32>} : memref<160xi32, #tpu.memory_space<vmem>>, vector<16xi32>,
        %swap3A_377 = vector.shape_cast %swap3A_376 : vector<16xi32> to vector<16xi32>
        %swap3A_378 = vector.shape_cast %add3A_374 : vector<16xi32> to vector<16xi32>
        tpu.vector_store %arg6[%swap3A_375], %swap3A_378 {strides = array<i32>} : memref<160xi32, #tpu.memory_space<vmem>>, vector<16xi32>,
        %get3A_379 = arith.constant 112 : index
        %get3A_380 = tpu.vector_load %arg6[%get3A_379] {strides = array<i32>} : memref<160xi32, #tpu.memory_space<vmem>>, vector<16xi32>,
        %get3A_381 = vector.shape_cast %get3A_380 : vector<16xi32> to vector<16xi32>
        %add3A_382 = vector.broadcast %mul3A_315 : i32 to vector<16xi32>
        %add3A_383 = arith.addi %get3A_381, %add3A_382 : vector<16xi32>
        %swap3A_384 = arith.constant 112 : index
        %swap3A_385 = tpu.vector_load %arg6[%swap3A_384] {strides = array<i32>} : memref<160xi32, #tpu.memory_space<vmem>>, vector<16xi32>,
        %swap3A_386 = vector.shape_cast %swap3A_385 : vector<16xi32> to vector<16xi32>
        %swap3A_387 = vector.shape_cast %add3A_383 : vector<16xi32> to vector<16xi32>
        tpu.vector_store %arg6[%swap3A_384], %swap3A_387 {strides = array<i32>} : memref<160xi32, #tpu.memory_space<vmem>>, vector<16xi32>,
        %get3A_388 = arith.constant 128 : index
        %get3A_389 = tpu.vector_load %arg6[%get3A_388] {strides = array<i32>} : memref<160xi32, #tpu.memory_space<vmem>>, vector<16xi32>,
        %get3A_390 = vector.shape_cast %get3A_389 : vector<16xi32> to vector<16xi32>
        %add3A_391 = vector.broadcast %mul3A_315 : i32 to vector<16xi32>
        %add3A_392 = arith.addi %get3A_390, %add3A_391 : vector<16xi32>
        %swap3A_393 = arith.constant 128 : index
        %swap3A_394 = tpu.vector_load %arg6[%swap3A_393] {strides = array<i32>} : memref<160xi32, #tpu.memory_space<vmem>>, vector<16xi32>,
        %swap3A_395 = vector.shape_cast %swap3A_394 : vector<16xi32> to vector<16xi32>
        %swap3A_396 = vector.shape_cast %add3A_392 : vector<16xi32> to vector<16xi32>
        tpu.vector_store %arg6[%swap3A_393], %swap3A_396 {strides = array<i32>} : memref<160xi32, #tpu.memory_space<vmem>>, vector<16xi32>,
        %get3A_397 = arith.constant 144 : index
        %get3A_398 = tpu.vector_load %arg6[%get3A_397] {strides = array<i32>} : memref<160xi32, #tpu.memory_space<vmem>>, vector<16xi32>,
        %get3A_399 = vector.shape_cast %get3A_398 : vector<16xi32> to vector<16xi32>
        %add3A_400 = vector.broadcast %mul3A_315 : i32 to vector<16xi32>
        %add3A_401 = arith.addi %get3A_399, %add3A_400 : vector<16xi32>
        %swap3A_402 = arith.constant 144 : index
        %swap3A_403 = tpu.vector_load %arg6[%swap3A_402] {strides = array<i32>} : memref<160xi32, #tpu.memory_space<vmem>>, vector<16xi32>,
        %swap3A_404 = vector.shape_cast %swap3A_403 : vector<16xi32> to vector<16xi32>
        %swap3A_405 = vector.shape_cast %add3A_401 : vector<16xi32> to vector<16xi32>
        tpu.vector_store %arg6[%swap3A_402], %swap3A_405 {strides = array<i32>} : memref<160xi32, #tpu.memory_space<vmem>>, vector<16xi32>,
        %dma_start3A_406 = arith.constant 0 : i32
        %dma_start3A_407 = arith.constant 0 : i32
        %dma_start3A_408 = tpu.memref_slice %arg8[%dma_start3A_406, %dma_start3A_407] : memref<160x256xf32, #tpu.memory_space<vmem>> -> memref<80x256xf32, #tpu.memory_space<vmem>>
        %dma_start3A_409 = arith.constant 0 : i32
        %dma_start3A_410 = tpu.memref_slice %arg6[%dma_start3A_409] : memref<160xi32, #tpu.memory_space<vmem>> -> memref<80xi32, #tpu.memory_space<vmem>>
        %dma_start3A_411 = arith.constant 0 : i32
        %dma_start3A_412 = arith.constant 0 : i32
        %dma_start3A_413 = tpu.memref_slice %arg2[%dma_start3A_411, %dma_start3A_412] : memref<300000x256xf32, #tpu.memory_space<hbm>> -> memref<300000x256xf32, #tpu.memory_space<hbm>>
        tpu.enqueue_indirect_dma source(%dma_start3A_413 : memref<300000x256xf32, #tpu.memory_space<hbm>>) target(%dma_start3A_408 : memref<80x256xf32, #tpu.memory_space<vmem>>) offsets(%dma_start3A_410 : memref<80xi32, #tpu.memory_space<vmem>>) semaphore(%arg15 : memref<!tpu.dma_semaphore, #tpu.memory_space<semaphore_mem>>)
        %dma_start3A_414 = arith.constant 80 : i32
        %dma_start3A_415 = arith.constant 0 : i32
        %dma_start3A_416 = tpu.memref_slice %arg8[%dma_start3A_414, %dma_start3A_415] : memref<160x256xf32, #tpu.memory_space<vmem>> -> memref<80x256xf32, #tpu.memory_space<vmem>>
        %dma_start3A_417 = arith.constant 80 : i32
        %dma_start3A_418 = tpu.memref_slice %arg6[%dma_start3A_417] : memref<160xi32, #tpu.memory_space<vmem>> -> memref<80xi32, #tpu.memory_space<vmem>>
        %dma_start3A_419 = arith.constant 0 : i32
        %dma_start3A_420 = arith.constant 0 : i32
        %dma_start3A_421 = tpu.memref_slice %arg2[%dma_start3A_419, %dma_start3A_420] : memref<300000x256xf32, #tpu.memory_space<hbm>> -> memref<300000x256xf32, #tpu.memory_space<hbm>>
        tpu.enqueue_indirect_dma source(%dma_start3A_421 : memref<300000x256xf32, #tpu.memory_space<hbm>>) target(%dma_start3A_416 : memref<80x256xf32, #tpu.memory_space<vmem>>) offsets(%dma_start3A_418 : memref<80xi32, #tpu.memory_space<vmem>>) semaphore(%arg15 : memref<!tpu.dma_semaphore, #tpu.memory_space<semaphore_mem>>)
      } else {
      }
      %add3A_251 = arith.constant 2 : i32
      %add3A_252 = arith.addi %add3A_227, %add3A_251 : i32
      %lt3A_253 = arith.constant 294 : i32
      %lt3A_254 = arith.cmpi slt, %add3A_252, %lt3A_253 : i32
      %convert_element_type3A_255 = arith.extui %lt3A_254 : i1 to i32
      %cond3A_256 = arith.constant 0 : i32
      %cond3A_257 = arith.cmpi ne, %convert_element_type3A_255, %cond3A_256 : i32
      scf.if %cond3A_257 {
        %add3A_276 = arith.constant 2 : i32
        %add3A_277 = arith.addi %add3A_227, %add3A_276 : i32
        %mul3A_278 = arith.constant 32 : i32
        %mul3A_279 = arith.muli %add3A_277, %mul3A_278 : i32
        %add3A_280 = arith.addi %mul3A_2, %mul3A_279 : i32
        %mul3A_281 = arith.constant 5 : i32
        %mul3A_282 = arith.muli %add3A_280, %mul3A_281 : i32
        %dma_start3A_283 = tpu.memref_slice %arg3[%mul3A_282] : memref<1505280xi32, #tpu.memory_space<hbm>> -> memref<160xi32, #tpu.memory_space<hbm>>
        %dma_start3A_284 = tpu.memref_slice %arg3[%mul3A_282] : memref<1505280xi32, #tpu.memory_space<hbm>> -> memref<160xi32, #tpu.memory_space<hbm>>
        tpu.enqueue_dma source(%dma_start3A_284 : memref<160xi32, #tpu.memory_space<hbm>>) target(%arg7 : memref<160xi32, #tpu.memory_space<vmem>>) target_semaphore(%arg14 : memref<!tpu.dma_semaphore, #tpu.memory_space<semaphore_mem>>)
      } else {
      }
      %ge3A_258 = arith.constant 2 : i32
      %ge3A_259 = arith.cmpi sge, %add3A_227, %ge3A_258 : i32
      %convert_element_type3A_260 = arith.extui %ge3A_259 : i1 to i32
      %cond3A_261 = arith.constant 0 : i32
      %cond3A_262 = arith.cmpi ne, %convert_element_type3A_260, %cond3A_261 : i32
      scf.if %cond3A_262 {
        %sub3A_276 = arith.constant 2 : i32
        %sub3A_277 = arith.subi %add3A_227, %sub3A_276 : i32
        %mul3A_278 = arith.constant 32 : i32
        %mul3A_279 = arith.muli %sub3A_277, %mul3A_278 : i32
        %add3A_280 = arith.addi %mul3A_2, %mul3A_279 : i32
        %dma_wait3A_281 = arith.constant 0 : i32
        %dma_wait3A_282 = tpu.memref_slice %arg5[%add3A_280, %dma_wait3A_281] : memref<301056x256xf32, #tpu.memory_space<hbm>> -> memref<32x256xf32, #tpu.memory_space<hbm>>
        %dma_wait3A_283 = arith.constant 0 : i32
        %dma_wait3A_284 = tpu.memref_slice %arg5[%add3A_280, %dma_wait3A_283] : memref<301056x256xf32, #tpu.memory_space<hbm>> -> memref<32x256xf32, #tpu.memory_space<hbm>>
        tpu.wait_dma2 semaphore(%arg18 : memref<!tpu.dma_semaphore, #tpu.memory_space<semaphore_mem>>) src(%arg11 : memref<32x256xf32, #tpu.memory_space<vmem>>) dst(%dma_wait3A_284 : memref<32x256xf32, #tpu.memory_space<hbm>>)
      } else {
      }
      %scan3A_263 = arith.constant 0 : i32
      %scan3A_264 = arith.constant 0 : i32
      %scan3A_265 = arith.constant 32 : i32
      %scan3A_266 = arith.addi %scan3A_264, %scan3A_265 : i32
      %scan3A_267 = arith.constant 1 : i32
      scf.for %scan3A_276 = %scan3A_264 to %scan3A_266 step %scan3A_267  : i32 {
        %get3A_277 = arith.index_cast %scan3A_276 : i32 to index
        %get3A_278 = arith.constant 0 : index
        %get3A_279 = tpu.vector_load %arg9[%get3A_277, %get3A_278] {strides = array<i32>} : memref<160x256xf32, #tpu.memory_space<vmem>>, vector<1x16xf32>,
        %get3A_280 = vector.shape_cast %get3A_279 : vector<1x16xf32> to vector<16xf32>
        %mul3A_281 = arith.mulf %get3A_280, %get3A_4 : vector<16xf32>
        %add3A_282 = arith.constant 32 : i32
        %add3A_283 = arith.addi %add3A_282, %scan3A_276 : i32
        %get3A_284 = arith.index_cast %add3A_283 : i32 to index
        %get3A_285 = arith.constant 0 : index
        %get3A_286 = tpu.vector_load %arg9[%get3A_284, %get3A_285] {strides = array<i32>} : memref<160x256xf32, #tpu.memory_space<vmem>>, vector<1x16xf32>,
        %get3A_287 = vector.shape_cast %get3A_286 : vector<1x16xf32> to vector<16xf32>
        %mul3A_288 = arith.mulf %get3A_287, %get3A_7 : vector<16xf32>
        %add3A_289 = arith.addf %mul3A_281, %mul3A_288 : vector<16xf32>
        %add3A_290 = arith.constant 64 : i32
        %add3A_291 = arith.addi %add3A_290, %scan3A_276 : i32
        %get3A_292 = arith.index_cast %add3A_291 : i32 to index
        %get3A_293 = arith.constant 0 : index
        %get3A_294 = tpu.vector_load %arg9[%get3A_292, %get3A_293] {strides = array<i32>} : memref<160x256xf32, #tpu.memory_space<vmem>>, vector<1x16xf32>,
        %get3A_295 = vector.shape_cast %get3A_294 : vector<1x16xf32> to vector<16xf32>
        %mul3A_296 = arith.mulf %get3A_295, %get3A_10 : vector<16xf32>
        %add3A_297 = arith.addf %add3A_289, %mul3A_296 : vector<16xf32>
        %add3A_298 = arith.constant 96 : i32
        %add3A_299 = arith.addi %add3A_298, %scan3A_276 : i32
        %get3A_300 = arith.index_cast %add3A_299 : i32 to index
        %get3A_301 = arith.constant 0 : index
        %get3A_302 = tpu.vector_load %arg9[%get3A_300, %get3A_301] {strides = array<i32>} : memref<160x256xf32, #tpu.memory_space<vmem>>, vector<1x16xf32>,
        %get3A_303 = vector.shape_cast %get3A_302 : vector<1x16xf32> to vector<16xf32>
        %mul3A_304 = arith.mulf %get3A_303, %get3A_13 : vector<16xf32>
        %add3A_305 = arith.addf %add3A_297, %mul3A_304 : vector<16xf32>
        %add3A_306 = arith.constant 128 : i32
        %add3A_307 = arith.addi %add3A_306, %scan3A_276 : i32
        %get3A_308 = arith.index_cast %add3A_307 : i32 to index
        %get3A_309 = arith.constant 0 : index
        %get3A_310 = tpu.vector_load %arg9[%get3A_308, %get3A_309] {strides = array<i32>} : memref<160x256xf32, #tpu.memory_space<vmem>>, vector<1x16xf32>,
        %get3A_311 = vector.shape_cast %get3A_310 : vector<1x16xf32> to vector<16xf32>
        %mul3A_312 = arith.mulf %get3A_311, %get3A_16 : vector<16xf32>
        %add3A_313 = arith.addf %add3A_305, %mul3A_312 : vector<16xf32>
        %swap3A_314 = arith.index_cast %scan3A_276 : i32 to index
        %swap3A_315 = arith.constant 0 : index
        %swap3A_316 = tpu.vector_load %arg11[%swap3A_314, %swap3A_315] {strides = array<i32>} : memref<32x256xf32, #tpu.memory_space<vmem>>, vector<1x16xf32>,
        %swap3A_317 = vector.shape_cast %swap3A_316 : vector<1x16xf32> to vector<16xf32>
        %swap3A_318 = vector.shape_cast %add3A_313 : vector<16xf32> to vector<1x16xf32>
        tpu.vector_store %arg11[%swap3A_314, %swap3A_315], %swap3A_318 {strides = array<i32>} : memref<32x256xf32, #tpu.memory_space<vmem>>, vector<1x16xf32>,
        %get3A_319 = arith.index_cast %scan3A_276 : i32 to index
        %get3A_320 = arith.constant 16 : index
        %get3A_321 = tpu.vector_load %arg9[%get3A_319, %get3A_320] {strides = array<i32>} : memref<160x256xf32, #tpu.memory_space<vmem>>, vector<1x16xf32>,
        %get3A_322 = vector.shape_cast %get3A_321 : vector<1x16xf32> to vector<16xf32>
        %mul3A_323 = arith.mulf %get3A_322, %get3A_4 : vector<16xf32>
        %add3A_324 = arith.constant 32 : i32
        %add3A_325 = arith.addi %add3A_324, %scan3A_276 : i32
        %get3A_326 = arith.index_cast %add3A_325 : i32 to index
        %get3A_327 = arith.constant 16 : index
        %get3A_328 = tpu.vector_load %arg9[%get3A_326, %get3A_327] {strides = array<i32>} : memref<160x256xf32, #tpu.memory_space<vmem>>, vector<1x16xf32>,
        %get3A_329 = vector.shape_cast %get3A_328 : vector<1x16xf32> to vector<16xf32>
        %mul3A_330 = arith.mulf %get3A_329, %get3A_7 : vector<16xf32>
        %add3A_331 = arith.addf %mul3A_323, %mul3A_330 : vector<16xf32>
        %add3A_332 = arith.constant 64 : i32
        %add3A_333 = arith.addi %add3A_332, %scan3A_276 : i32
        %get3A_334 = arith.index_cast %add3A_333 : i32 to index
        %get3A_335 = arith.constant 16 : index
        %get3A_336 = tpu.vector_load %arg9[%get3A_334, %get3A_335] {strides = array<i32>} : memref<160x256xf32, #tpu.memory_space<vmem>>, vector<1x16xf32>,
        %get3A_337 = vector.shape_cast %get3A_336 : vector<1x16xf32> to vector<16xf32>
        %mul3A_338 = arith.mulf %get3A_337, %get3A_10 : vector<16xf32>
        %add3A_339 = arith.addf %add3A_331, %mul3A_338 : vector<16xf32>
        %add3A_340 = arith.constant 96 : i32
        %add3A_341 = arith.addi %add3A_340, %scan3A_276 : i32
        %get3A_342 = arith.index_cast %add3A_341 : i32 to index
        %get3A_343 = arith.constant 16 : index
        %get3A_344 = tpu.vector_load %arg9[%get3A_342, %get3A_343] {strides = array<i32>} : memref<160x256xf32, #tpu.memory_space<vmem>>, vector<1x16xf32>,
        %get3A_345 = vector.shape_cast %get3A_344 : vector<1x16xf32> to vector<16xf32>
        %mul3A_346 = arith.mulf %get3A_345, %get3A_13 : vector<16xf32>
        %add3A_347 = arith.addf %add3A_339, %mul3A_346 : vector<16xf32>
        %add3A_348 = arith.constant 128 : i32
        %add3A_349 = arith.addi %add3A_348, %scan3A_276 : i32
        %get3A_350 = arith.index_cast %add3A_349 : i32 to index
        %get3A_351 = arith.constant 16 : index
        %get3A_352 = tpu.vector_load %arg9[%get3A_350, %get3A_351] {strides = array<i32>} : memref<160x256xf32, #tpu.memory_space<vmem>>, vector<1x16xf32>,
        %get3A_353 = vector.shape_cast %get3A_352 : vector<1x16xf32> to vector<16xf32>
        %mul3A_354 = arith.mulf %get3A_353, %get3A_16 : vector<16xf32>
        %add3A_355 = arith.addf %add3A_347, %mul3A_354 : vector<16xf32>
        %swap3A_356 = arith.index_cast %scan3A_276 : i32 to index
        %swap3A_357 = arith.constant 16 : index
        %swap3A_358 = tpu.vector_load %arg11[%swap3A_356, %swap3A_357] {strides = array<i32>} : memref<32x256xf32, #tpu.memory_space<vmem>>, vector<1x16xf32>,
        %swap3A_359 = vector.shape_cast %swap3A_358 : vector<1x16xf32> to vector<16xf32>
        %swap3A_360 = vector.shape_cast %add3A_355 : vector<16xf32> to vector<1x16xf32>
        tpu.vector_store %arg11[%swap3A_356, %swap3A_357], %swap3A_360 {strides = array<i32>} : memref<32x256xf32, #tpu.memory_space<vmem>>, vector<1x16xf32>,
        %get3A_361 = arith.index_cast %scan3A_276 : i32 to index
        %get3A_362 = arith.constant 32 : index
        %get3A_363 = tpu.vector_load %arg9[%get3A_361, %get3A_362] {strides = array<i32>} : memref<160x256xf32, #tpu.memory_space<vmem>>, vector<1x16xf32>,
        %get3A_364 = vector.shape_cast %get3A_363 : vector<1x16xf32> to vector<16xf32>
        %mul3A_365 = arith.mulf %get3A_364, %get3A_4 : vector<16xf32>
        %add3A_366 = arith.constant 32 : i32
        %add3A_367 = arith.addi %add3A_366, %scan3A_276 : i32
        %get3A_368 = arith.index_cast %add3A_367 : i32 to index
        %get3A_369 = arith.constant 32 : index
        %get3A_370 = tpu.vector_load %arg9[%get3A_368, %get3A_369] {strides = array<i32>} : memref<160x256xf32, #tpu.memory_space<vmem>>, vector<1x16xf32>,
        %get3A_371 = vector.shape_cast %get3A_370 : vector<1x16xf32> to vector<16xf32>
        %mul3A_372 = arith.mulf %get3A_371, %get3A_7 : vector<16xf32>
        %add3A_373 = arith.addf %mul3A_365, %mul3A_372 : vector<16xf32>
        %add3A_374 = arith.constant 64 : i32
        %add3A_375 = arith.addi %add3A_374, %scan3A_276 : i32
        %get3A_376 = arith.index_cast %add3A_375 : i32 to index
        %get3A_377 = arith.constant 32 : index
        %get3A_378 = tpu.vector_load %arg9[%get3A_376, %get3A_377] {strides = array<i32>} : memref<160x256xf32, #tpu.memory_space<vmem>>, vector<1x16xf32>,
        %get3A_379 = vector.shape_cast %get3A_378 : vector<1x16xf32> to vector<16xf32>
        %mul3A_380 = arith.mulf %get3A_379, %get3A_10 : vector<16xf32>
        %add3A_381 = arith.addf %add3A_373, %mul3A_380 : vector<16xf32>
        %add3A_382 = arith.constant 96 : i32
        %add3A_383 = arith.addi %add3A_382, %scan3A_276 : i32
        %get3A_384 = arith.index_cast %add3A_383 : i32 to index
        %get3A_385 = arith.constant 32 : index
        %get3A_386 = tpu.vector_load %arg9[%get3A_384, %get3A_385] {strides = array<i32>} : memref<160x256xf32, #tpu.memory_space<vmem>>, vector<1x16xf32>,
        %get3A_387 = vector.shape_cast %get3A_386 : vector<1x16xf32> to vector<16xf32>
        %mul3A_388 = arith.mulf %get3A_387, %get3A_13 : vector<16xf32>
        %add3A_389 = arith.addf %add3A_381, %mul3A_388 : vector<16xf32>
        %add3A_390 = arith.constant 128 : i32
        %add3A_391 = arith.addi %add3A_390, %scan3A_276 : i32
        %get3A_392 = arith.index_cast %add3A_391 : i32 to index
        %get3A_393 = arith.constant 32 : index
        %get3A_394 = tpu.vector_load %arg9[%get3A_392, %get3A_393] {strides = array<i32>} : memref<160x256xf32, #tpu.memory_space<vmem>>, vector<1x16xf32>,
        %get3A_395 = vector.shape_cast %get3A_394 : vector<1x16xf32> to vector<16xf32>
        %mul3A_396 = arith.mulf %get3A_395, %get3A_16 : vector<16xf32>
        %add3A_397 = arith.addf %add3A_389, %mul3A_396 : vector<16xf32>
        %swap3A_398 = arith.index_cast %scan3A_276 : i32 to index
        %swap3A_399 = arith.constant 32 : index
        %swap3A_400 = tpu.vector_load %arg11[%swap3A_398, %swap3A_399] {strides = array<i32>} : memref<32x256xf32, #tpu.memory_space<vmem>>, vector<1x16xf32>,
        %swap3A_401 = vector.shape_cast %swap3A_400 : vector<1x16xf32> to vector<16xf32>
        %swap3A_402 = vector.shape_cast %add3A_397 : vector<16xf32> to vector<1x16xf32>
        tpu.vector_store %arg11[%swap3A_398, %swap3A_399], %swap3A_402 {strides = array<i32>} : memref<32x256xf32, #tpu.memory_space<vmem>>, vector<1x16xf32>,
        %get3A_403 = arith.index_cast %scan3A_276 : i32 to index
        %get3A_404 = arith.constant 48 : index
        %get3A_405 = tpu.vector_load %arg9[%get3A_403, %get3A_404] {strides = array<i32>} : memref<160x256xf32, #tpu.memory_space<vmem>>, vector<1x16xf32>,
        %get3A_406 = vector.shape_cast %get3A_405 : vector<1x16xf32> to vector<16xf32>
        %mul3A_407 = arith.mulf %get3A_406, %get3A_4 : vector<16xf32>
        %add3A_408 = arith.constant 32 : i32
        %add3A_409 = arith.addi %add3A_408, %scan3A_276 : i32
        %get3A_410 = arith.index_cast %add3A_409 : i32 to index
        %get3A_411 = arith.constant 48 : index
        %get3A_412 = tpu.vector_load %arg9[%get3A_410, %get3A_411] {strides = array<i32>} : memref<160x256xf32, #tpu.memory_space<vmem>>, vector<1x16xf32>,
        %get3A_413 = vector.shape_cast %get3A_412 : vector<1x16xf32> to vector<16xf32>
        %mul3A_414 = arith.mulf %get3A_413, %get3A_7 : vector<16xf32>
        %add3A_415 = arith.addf %mul3A_407, %mul3A_414 : vector<16xf32>
        %add3A_416 = arith.constant 64 : i32
        %add3A_417 = arith.addi %add3A_416, %scan3A_276 : i32
        %get3A_418 = arith.index_cast %add3A_417 : i32 to index
        %get3A_419 = arith.constant 48 : index
        %get3A_420 = tpu.vector_load %arg9[%get3A_418, %get3A_419] {strides = array<i32>} : memref<160x256xf32, #tpu.memory_space<vmem>>, vector<1x16xf32>,
        %get3A_421 = vector.shape_cast %get3A_420 : vector<1x16xf32> to vector<16xf32>
        %mul3A_422 = arith.mulf %get3A_421, %get3A_10 : vector<16xf32>
        %add3A_423 = arith.addf %add3A_415, %mul3A_422 : vector<16xf32>
        %add3A_424 = arith.constant 96 : i32
        %add3A_425 = arith.addi %add3A_424, %scan3A_276 : i32
        %get3A_426 = arith.index_cast %add3A_425 : i32 to index
        %get3A_427 = arith.constant 48 : index
        %get3A_428 = tpu.vector_load %arg9[%get3A_426, %get3A_427] {strides = array<i32>} : memref<160x256xf32, #tpu.memory_space<vmem>>, vector<1x16xf32>,
        %get3A_429 = vector.shape_cast %get3A_428 : vector<1x16xf32> to vector<16xf32>
        %mul3A_430 = arith.mulf %get3A_429, %get3A_13 : vector<16xf32>
        %add3A_431 = arith.addf %add3A_423, %mul3A_430 : vector<16xf32>
        %add3A_432 = arith.constant 128 : i32
        %add3A_433 = arith.addi %add3A_432, %scan3A_276 : i32
        %get3A_434 = arith.index_cast %add3A_433 : i32 to index
        %get3A_435 = arith.constant 48 : index
        %get3A_436 = tpu.vector_load %arg9[%get3A_434, %get3A_435] {strides = array<i32>} : memref<160x256xf32, #tpu.memory_space<vmem>>, vector<1x16xf32>,
        %get3A_437 = vector.shape_cast %get3A_436 : vector<1x16xf32> to vector<16xf32>
        %mul3A_438 = arith.mulf %get3A_437, %get3A_16 : vector<16xf32>
        %add3A_439 = arith.addf %add3A_431, %mul3A_438 : vector<16xf32>
        %swap3A_440 = arith.index_cast %scan3A_276 : i32 to index
        %swap3A_441 = arith.constant 48 : index
        %swap3A_442 = tpu.vector_load %arg11[%swap3A_440, %swap3A_441] {strides = array<i32>} : memref<32x256xf32, #tpu.memory_space<vmem>>, vector<1x16xf32>,
        %swap3A_443 = vector.shape_cast %swap3A_442 : vector<1x16xf32> to vector<16xf32>
        %swap3A_444 = vector.shape_cast %add3A_439 : vector<16xf32> to vector<1x16xf32>
        tpu.vector_store %arg11[%swap3A_440, %swap3A_441], %swap3A_444 {strides = array<i32>} : memref<32x256xf32, #tpu.memory_space<vmem>>, vector<1x16xf32>,
        %get3A_445 = arith.index_cast %scan3A_276 : i32 to index
        %get3A_446 = arith.constant 64 : index
        %get3A_447 = tpu.vector_load %arg9[%get3A_445, %get3A_446] {strides = array<i32>} : memref<160x256xf32, #tpu.memory_space<vmem>>, vector<1x16xf32>,
        %get3A_448 = vector.shape_cast %get3A_447 : vector<1x16xf32> to vector<16xf32>
        %mul3A_449 = arith.mulf %get3A_448, %get3A_4 : vector<16xf32>
        %add3A_450 = arith.constant 32 : i32
        %add3A_451 = arith.addi %add3A_450, %scan3A_276 : i32
        %get3A_452 = arith.index_cast %add3A_451 : i32 to index
        %get3A_453 = arith.constant 64 : index
        %get3A_454 = tpu.vector_load %arg9[%get3A_452, %get3A_453] {strides = array<i32>} : memref<160x256xf32, #tpu.memory_space<vmem>>, vector<1x16xf32>,
        %get3A_455 = vector.shape_cast %get3A_454 : vector<1x16xf32> to vector<16xf32>
        %mul3A_456 = arith.mulf %get3A_455, %get3A_7 : vector<16xf32>
        %add3A_457 = arith.addf %mul3A_449, %mul3A_456 : vector<16xf32>
        %add3A_458 = arith.constant 64 : i32
        %add3A_459 = arith.addi %add3A_458, %scan3A_276 : i32
        %get3A_460 = arith.index_cast %add3A_459 : i32 to index
        %get3A_461 = arith.constant 64 : index
        %get3A_462 = tpu.vector_load %arg9[%get3A_460, %get3A_461] {strides = array<i32>} : memref<160x256xf32, #tpu.memory_space<vmem>>, vector<1x16xf32>,
        %get3A_463 = vector.shape_cast %get3A_462 : vector<1x16xf32> to vector<16xf32>
        %mul3A_464 = arith.mulf %get3A_463, %get3A_10 : vector<16xf32>
        %add3A_465 = arith.addf %add3A_457, %mul3A_464 : vector<16xf32>
        %add3A_466 = arith.constant 96 : i32
        %add3A_467 = arith.addi %add3A_466, %scan3A_276 : i32
        %get3A_468 = arith.index_cast %add3A_467 : i32 to index
        %get3A_469 = arith.constant 64 : index
        %get3A_470 = tpu.vector_load %arg9[%get3A_468, %get3A_469] {strides = array<i32>} : memref<160x256xf32, #tpu.memory_space<vmem>>, vector<1x16xf32>,
        %get3A_471 = vector.shape_cast %get3A_470 : vector<1x16xf32> to vector<16xf32>
        %mul3A_472 = arith.mulf %get3A_471, %get3A_13 : vector<16xf32>
        %add3A_473 = arith.addf %add3A_465, %mul3A_472 : vector<16xf32>
        %add3A_474 = arith.constant 128 : i32
        %add3A_475 = arith.addi %add3A_474, %scan3A_276 : i32
        %get3A_476 = arith.index_cast %add3A_475 : i32 to index
        %get3A_477 = arith.constant 64 : index
        %get3A_478 = tpu.vector_load %arg9[%get3A_476, %get3A_477] {strides = array<i32>} : memref<160x256xf32, #tpu.memory_space<vmem>>, vector<1x16xf32>,
        %get3A_479 = vector.shape_cast %get3A_478 : vector<1x16xf32> to vector<16xf32>
        %mul3A_480 = arith.mulf %get3A_479, %get3A_16 : vector<16xf32>
        %add3A_481 = arith.addf %add3A_473, %mul3A_480 : vector<16xf32>
        %swap3A_482 = arith.index_cast %scan3A_276 : i32 to index
        %swap3A_483 = arith.constant 64 : index
        %swap3A_484 = tpu.vector_load %arg11[%swap3A_482, %swap3A_483] {strides = array<i32>} : memref<32x256xf32, #tpu.memory_space<vmem>>, vector<1x16xf32>,
        %swap3A_485 = vector.shape_cast %swap3A_484 : vector<1x16xf32> to vector<16xf32>
        %swap3A_486 = vector.shape_cast %add3A_481 : vector<16xf32> to vector<1x16xf32>
        tpu.vector_store %arg11[%swap3A_482, %swap3A_483], %swap3A_486 {strides = array<i32>} : memref<32x256xf32, #tpu.memory_space<vmem>>, vector<1x16xf32>,
        %get3A_487 = arith.index_cast %scan3A_276 : i32 to index
        %get3A_488 = arith.constant 80 : index
        %get3A_489 = tpu.vector_load %arg9[%get3A_487, %get3A_488] {strides = array<i32>} : memref<160x256xf32, #tpu.memory_space<vmem>>, vector<1x16xf32>,
        %get3A_490 = vector.shape_cast %get3A_489 : vector<1x16xf32> to vector<16xf32>
        %mul3A_491 = arith.mulf %get3A_490, %get3A_4 : vector<16xf32>
        %add3A_492 = arith.constant 32 : i32
        %add3A_493 = arith.addi %add3A_492, %scan3A_276 : i32
        %get3A_494 = arith.index_cast %add3A_493 : i32 to index
        %get3A_495 = arith.constant 80 : index
        %get3A_496 = tpu.vector_load %arg9[%get3A_494, %get3A_495] {strides = array<i32>} : memref<160x256xf32, #tpu.memory_space<vmem>>, vector<1x16xf32>,
        %get3A_497 = vector.shape_cast %get3A_496 : vector<1x16xf32> to vector<16xf32>
        %mul3A_498 = arith.mulf %get3A_497, %get3A_7 : vector<16xf32>
        %add3A_499 = arith.addf %mul3A_491, %mul3A_498 : vector<16xf32>
        %add3A_500 = arith.constant 64 : i32
        %add3A_501 = arith.addi %add3A_500, %scan3A_276 : i32
        %get3A_502 = arith.index_cast %add3A_501 : i32 to index
        %get3A_503 = arith.constant 80 : index
        %get3A_504 = tpu.vector_load %arg9[%get3A_502, %get3A_503] {strides = array<i32>} : memref<160x256xf32, #tpu.memory_space<vmem>>, vector<1x16xf32>,
        %get3A_505 = vector.shape_cast %get3A_504 : vector<1x16xf32> to vector<16xf32>
        %mul3A_506 = arith.mulf %get3A_505, %get3A_10 : vector<16xf32>
        %add3A_507 = arith.addf %add3A_499, %mul3A_506 : vector<16xf32>
        %add3A_508 = arith.constant 96 : i32
        %add3A_509 = arith.addi %add3A_508, %scan3A_276 : i32
        %get3A_510 = arith.index_cast %add3A_509 : i32 to index
        %get3A_511 = arith.constant 80 : index
        %get3A_512 = tpu.vector_load %arg9[%get3A_510, %get3A_511] {strides = array<i32>} : memref<160x256xf32, #tpu.memory_space<vmem>>, vector<1x16xf32>,
        %get3A_513 = vector.shape_cast %get3A_512 : vector<1x16xf32> to vector<16xf32>
        %mul3A_514 = arith.mulf %get3A_513, %get3A_13 : vector<16xf32>
        %add3A_515 = arith.addf %add3A_507, %mul3A_514 : vector<16xf32>
        %add3A_516 = arith.constant 128 : i32
        %add3A_517 = arith.addi %add3A_516, %scan3A_276 : i32
        %get3A_518 = arith.index_cast %add3A_517 : i32 to index
        %get3A_519 = arith.constant 80 : index
        %get3A_520 = tpu.vector_load %arg9[%get3A_518, %get3A_519] {strides = array<i32>} : memref<160x256xf32, #tpu.memory_space<vmem>>, vector<1x16xf32>,
        %get3A_521 = vector.shape_cast %get3A_520 : vector<1x16xf32> to vector<16xf32>
        %mul3A_522 = arith.mulf %get3A_521, %get3A_16 : vector<16xf32>
        %add3A_523 = arith.addf %add3A_515, %mul3A_522 : vector<16xf32>
        %swap3A_524 = arith.index_cast %scan3A_276 : i32 to index
        %swap3A_525 = arith.constant 80 : index
        %swap3A_526 = tpu.vector_load %arg11[%swap3A_524, %swap3A_525] {strides = array<i32>} : memref<32x256xf32, #tpu.memory_space<vmem>>, vector<1x16xf32>,
        %swap3A_527 = vector.shape_cast %swap3A_526 : vector<1x16xf32> to vector<16xf32>
        %swap3A_528 = vector.shape_cast %add3A_523 : vector<16xf32> to vector<1x16xf32>
        tpu.vector_store %arg11[%swap3A_524, %swap3A_525], %swap3A_528 {strides = array<i32>} : memref<32x256xf32, #tpu.memory_space<vmem>>, vector<1x16xf32>,
        %get3A_529 = arith.index_cast %scan3A_276 : i32 to index
        %get3A_530 = arith.constant 96 : index
        %get3A_531 = tpu.vector_load %arg9[%get3A_529, %get3A_530] {strides = array<i32>} : memref<160x256xf32, #tpu.memory_space<vmem>>, vector<1x16xf32>,
        %get3A_532 = vector.shape_cast %get3A_531 : vector<1x16xf32> to vector<16xf32>
        %mul3A_533 = arith.mulf %get3A_532, %get3A_4 : vector<16xf32>
        %add3A_534 = arith.constant 32 : i32
        %add3A_535 = arith.addi %add3A_534, %scan3A_276 : i32
        %get3A_536 = arith.index_cast %add3A_535 : i32 to index
        %get3A_537 = arith.constant 96 : index
        %get3A_538 = tpu.vector_load %arg9[%get3A_536, %get3A_537] {strides = array<i32>} : memref<160x256xf32, #tpu.memory_space<vmem>>, vector<1x16xf32>,
        %get3A_539 = vector.shape_cast %get3A_538 : vector<1x16xf32> to vector<16xf32>
        %mul3A_540 = arith.mulf %get3A_539, %get3A_7 : vector<16xf32>
        %add3A_541 = arith.addf %mul3A_533, %mul3A_540 : vector<16xf32>
        %add3A_542 = arith.constant 64 : i32
        %add3A_543 = arith.addi %add3A_542, %scan3A_276 : i32
        %get3A_544 = arith.index_cast %add3A_543 : i32 to index
        %get3A_545 = arith.constant 96 : index
        %get3A_546 = tpu.vector_load %arg9[%get3A_544, %get3A_545] {strides = array<i32>} : memref<160x256xf32, #tpu.memory_space<vmem>>, vector<1x16xf32>,
        %get3A_547 = vector.shape_cast %get3A_546 : vector<1x16xf32> to vector<16xf32>
        %mul3A_548 = arith.mulf %get3A_547, %get3A_10 : vector<16xf32>
        %add3A_549 = arith.addf %add3A_541, %mul3A_548 : vector<16xf32>
        %add3A_550 = arith.constant 96 : i32
        %add3A_551 = arith.addi %add3A_550, %scan3A_276 : i32
        %get3A_552 = arith.index_cast %add3A_551 : i32 to index
        %get3A_553 = arith.constant 96 : index
        %get3A_554 = tpu.vector_load %arg9[%get3A_552, %get3A_553] {strides = array<i32>} : memref<160x256xf32, #tpu.memory_space<vmem>>, vector<1x16xf32>,
        %get3A_555 = vector.shape_cast %get3A_554 : vector<1x16xf32> to vector<16xf32>
        %mul3A_556 = arith.mulf %get3A_555, %get3A_13 : vector<16xf32>
        %add3A_557 = arith.addf %add3A_549, %mul3A_556 : vector<16xf32>
        %add3A_558 = arith.constant 128 : i32
        %add3A_559 = arith.addi %add3A_558, %scan3A_276 : i32
        %get3A_560 = arith.index_cast %add3A_559 : i32 to index
        %get3A_561 = arith.constant 96 : index
        %get3A_562 = tpu.vector_load %arg9[%get3A_560, %get3A_561] {strides = array<i32>} : memref<160x256xf32, #tpu.memory_space<vmem>>, vector<1x16xf32>,
        %get3A_563 = vector.shape_cast %get3A_562 : vector<1x16xf32> to vector<16xf32>
        %mul3A_564 = arith.mulf %get3A_563, %get3A_16 : vector<16xf32>
        %add3A_565 = arith.addf %add3A_557, %mul3A_564 : vector<16xf32>
        %swap3A_566 = arith.index_cast %scan3A_276 : i32 to index
        %swap3A_567 = arith.constant 96 : index
        %swap3A_568 = tpu.vector_load %arg11[%swap3A_566, %swap3A_567] {strides = array<i32>} : memref<32x256xf32, #tpu.memory_space<vmem>>, vector<1x16xf32>,
        %swap3A_569 = vector.shape_cast %swap3A_568 : vector<1x16xf32> to vector<16xf32>
        %swap3A_570 = vector.shape_cast %add3A_565 : vector<16xf32> to vector<1x16xf32>
        tpu.vector_store %arg11[%swap3A_566, %swap3A_567], %swap3A_570 {strides = array<i32>} : memref<32x256xf32, #tpu.memory_space<vmem>>, vector<1x16xf32>,
        %get3A_571 = arith.index_cast %scan3A_276 : i32 to index
        %get3A_572 = arith.constant 112 : index
        %get3A_573 = tpu.vector_load %arg9[%get3A_571, %get3A_572] {strides = array<i32>} : memref<160x256xf32, #tpu.memory_space<vmem>>, vector<1x16xf32>,
        %get3A_574 = vector.shape_cast %get3A_573 : vector<1x16xf32> to vector<16xf32>
        %mul3A_575 = arith.mulf %get3A_574, %get3A_4 : vector<16xf32>
        %add3A_576 = arith.constant 32 : i32
        %add3A_577 = arith.addi %add3A_576, %scan3A_276 : i32
        %get3A_578 = arith.index_cast %add3A_577 : i32 to index
        %get3A_579 = arith.constant 112 : index
        %get3A_580 = tpu.vector_load %arg9[%get3A_578, %get3A_579] {strides = array<i32>} : memref<160x256xf32, #tpu.memory_space<vmem>>, vector<1x16xf32>,
        %get3A_581 = vector.shape_cast %get3A_580 : vector<1x16xf32> to vector<16xf32>
        %mul3A_582 = arith.mulf %get3A_581, %get3A_7 : vector<16xf32>
        %add3A_583 = arith.addf %mul3A_575, %mul3A_582 : vector<16xf32>
        %add3A_584 = arith.constant 64 : i32
        %add3A_585 = arith.addi %add3A_584, %scan3A_276 : i32
        %get3A_586 = arith.index_cast %add3A_585 : i32 to index
        %get3A_587 = arith.constant 112 : index
        %get3A_588 = tpu.vector_load %arg9[%get3A_586, %get3A_587] {strides = array<i32>} : memref<160x256xf32, #tpu.memory_space<vmem>>, vector<1x16xf32>,
        %get3A_589 = vector.shape_cast %get3A_588 : vector<1x16xf32> to vector<16xf32>
        %mul3A_590 = arith.mulf %get3A_589, %get3A_10 : vector<16xf32>
        %add3A_591 = arith.addf %add3A_583, %mul3A_590 : vector<16xf32>
        %add3A_592 = arith.constant 96 : i32
        %add3A_593 = arith.addi %add3A_592, %scan3A_276 : i32
        %get3A_594 = arith.index_cast %add3A_593 : i32 to index
        %get3A_595 = arith.constant 112 : index
        %get3A_596 = tpu.vector_load %arg9[%get3A_594, %get3A_595] {strides = array<i32>} : memref<160x256xf32, #tpu.memory_space<vmem>>, vector<1x16xf32>,
        %get3A_597 = vector.shape_cast %get3A_596 : vector<1x16xf32> to vector<16xf32>
        %mul3A_598 = arith.mulf %get3A_597, %get3A_13 : vector<16xf32>
        %add3A_599 = arith.addf %add3A_591, %mul3A_598 : vector<16xf32>
        %add3A_600 = arith.constant 128 : i32
        %add3A_601 = arith.addi %add3A_600, %scan3A_276 : i32
        %get3A_602 = arith.index_cast %add3A_601 : i32 to index
        %get3A_603 = arith.constant 112 : index
        %get3A_604 = tpu.vector_load %arg9[%get3A_602, %get3A_603] {strides = array<i32>} : memref<160x256xf32, #tpu.memory_space<vmem>>, vector<1x16xf32>,
        %get3A_605 = vector.shape_cast %get3A_604 : vector<1x16xf32> to vector<16xf32>
        %mul3A_606 = arith.mulf %get3A_605, %get3A_16 : vector<16xf32>
        %add3A_607 = arith.addf %add3A_599, %mul3A_606 : vector<16xf32>
        %swap3A_608 = arith.index_cast %scan3A_276 : i32 to index
        %swap3A_609 = arith.constant 112 : index
        %swap3A_610 = tpu.vector_load %arg11[%swap3A_608, %swap3A_609] {strides = array<i32>} : memref<32x256xf32, #tpu.memory_space<vmem>>, vector<1x16xf32>,
        %swap3A_611 = vector.shape_cast %swap3A_610 : vector<1x16xf32> to vector<16xf32>
        %swap3A_612 = vector.shape_cast %add3A_607 : vector<16xf32> to vector<1x16xf32>
        tpu.vector_store %arg11[%swap3A_608, %swap3A_609], %swap3A_612 {strides = array<i32>} : memref<32x256xf32, #tpu.memory_space<vmem>>, vector<1x16xf32>,
        %get3A_613 = arith.index_cast %scan3A_276 : i32 to index
        %get3A_614 = arith.constant 128 : index
        %get3A_615 = tpu.vector_load %arg9[%get3A_613, %get3A_614] {strides = array<i32>} : memref<160x256xf32, #tpu.memory_space<vmem>>, vector<1x16xf32>,
        %get3A_616 = vector.shape_cast %get3A_615 : vector<1x16xf32> to vector<16xf32>
        %mul3A_617 = arith.mulf %get3A_616, %get3A_4 : vector<16xf32>
        %add3A_618 = arith.constant 32 : i32
        %add3A_619 = arith.addi %add3A_618, %scan3A_276 : i32
        %get3A_620 = arith.index_cast %add3A_619 : i32 to index
        %get3A_621 = arith.constant 128 : index
        %get3A_622 = tpu.vector_load %arg9[%get3A_620, %get3A_621] {strides = array<i32>} : memref<160x256xf32, #tpu.memory_space<vmem>>, vector<1x16xf32>,
        %get3A_623 = vector.shape_cast %get3A_622 : vector<1x16xf32> to vector<16xf32>
        %mul3A_624 = arith.mulf %get3A_623, %get3A_7 : vector<16xf32>
        %add3A_625 = arith.addf %mul3A_617, %mul3A_624 : vector<16xf32>
        %add3A_626 = arith.constant 64 : i32
        %add3A_627 = arith.addi %add3A_626, %scan3A_276 : i32
        %get3A_628 = arith.index_cast %add3A_627 : i32 to index
        %get3A_629 = arith.constant 128 : index
        %get3A_630 = tpu.vector_load %arg9[%get3A_628, %get3A_629] {strides = array<i32>} : memref<160x256xf32, #tpu.memory_space<vmem>>, vector<1x16xf32>,
        %get3A_631 = vector.shape_cast %get3A_630 : vector<1x16xf32> to vector<16xf32>
        %mul3A_632 = arith.mulf %get3A_631, %get3A_10 : vector<16xf32>
        %add3A_633 = arith.addf %add3A_625, %mul3A_632 : vector<16xf32>
        %add3A_634 = arith.constant 96 : i32
        %add3A_635 = arith.addi %add3A_634, %scan3A_276 : i32
        %get3A_636 = arith.index_cast %add3A_635 : i32 to index
        %get3A_637 = arith.constant 128 : index
        %get3A_638 = tpu.vector_load %arg9[%get3A_636, %get3A_637] {strides = array<i32>} : memref<160x256xf32, #tpu.memory_space<vmem>>, vector<1x16xf32>,
        %get3A_639 = vector.shape_cast %get3A_638 : vector<1x16xf32> to vector<16xf32>
        %mul3A_640 = arith.mulf %get3A_639, %get3A_13 : vector<16xf32>
        %add3A_641 = arith.addf %add3A_633, %mul3A_640 : vector<16xf32>
        %add3A_642 = arith.constant 128 : i32
        %add3A_643 = arith.addi %add3A_642, %scan3A_276 : i32
        %get3A_644 = arith.index_cast %add3A_643 : i32 to index
        %get3A_645 = arith.constant 128 : index
        %get3A_646 = tpu.vector_load %arg9[%get3A_644, %get3A_645] {strides = array<i32>} : memref<160x256xf32, #tpu.memory_space<vmem>>, vector<1x16xf32>,
        %get3A_647 = vector.shape_cast %get3A_646 : vector<1x16xf32> to vector<16xf32>
        %mul3A_648 = arith.mulf %get3A_647, %get3A_16 : vector<16xf32>
        %add3A_649 = arith.addf %add3A_641, %mul3A_648 : vector<16xf32>
        %swap3A_650 = arith.index_cast %scan3A_276 : i32 to index
        %swap3A_651 = arith.constant 128 : index
        %swap3A_652 = tpu.vector_load %arg11[%swap3A_650, %swap3A_651] {strides = array<i32>} : memref<32x256xf32, #tpu.memory_space<vmem>>, vector<1x16xf32>,
        %swap3A_653 = vector.shape_cast %swap3A_652 : vector<1x16xf32> to vector<16xf32>
        %swap3A_654 = vector.shape_cast %add3A_649 : vector<16xf32> to vector<1x16xf32>
        tpu.vector_store %arg11[%swap3A_650, %swap3A_651], %swap3A_654 {strides = array<i32>} : memref<32x256xf32, #tpu.memory_space<vmem>>, vector<1x16xf32>,
        %get3A_655 = arith.index_cast %scan3A_276 : i32 to index
        %get3A_656 = arith.constant 144 : index
        %get3A_657 = tpu.vector_load %arg9[%get3A_655, %get3A_656] {strides = array<i32>} : memref<160x256xf32, #tpu.memory_space<vmem>>, vector<1x16xf32>,
        %get3A_658 = vector.shape_cast %get3A_657 : vector<1x16xf32> to vector<16xf32>
        %mul3A_659 = arith.mulf %get3A_658, %get3A_4 : vector<16xf32>
        %add3A_660 = arith.constant 32 : i32
        %add3A_661 = arith.addi %add3A_660, %scan3A_276 : i32
        %get3A_662 = arith.index_cast %add3A_661 : i32 to index
        %get3A_663 = arith.constant 144 : index
        %get3A_664 = tpu.vector_load %arg9[%get3A_662, %get3A_663] {strides = array<i32>} : memref<160x256xf32, #tpu.memory_space<vmem>>, vector<1x16xf32>,
        %get3A_665 = vector.shape_cast %get3A_664 : vector<1x16xf32> to vector<16xf32>
        %mul3A_666 = arith.mulf %get3A_665, %get3A_7 : vector<16xf32>
        %add3A_667 = arith.addf %mul3A_659, %mul3A_666 : vector<16xf32>
        %add3A_668 = arith.constant 64 : i32
        %add3A_669 = arith.addi %add3A_668, %scan3A_276 : i32
        %get3A_670 = arith.index_cast %add3A_669 : i32 to index
        %get3A_671 = arith.constant 144 : index
        %get3A_672 = tpu.vector_load %arg9[%get3A_670, %get3A_671] {strides = array<i32>} : memref<160x256xf32, #tpu.memory_space<vmem>>, vector<1x16xf32>,
        %get3A_673 = vector.shape_cast %get3A_672 : vector<1x16xf32> to vector<16xf32>
        %mul3A_674 = arith.mulf %get3A_673, %get3A_10 : vector<16xf32>
        %add3A_675 = arith.addf %add3A_667, %mul3A_674 : vector<16xf32>
        %add3A_676 = arith.constant 96 : i32
        %add3A_677 = arith.addi %add3A_676, %scan3A_276 : i32
        %get3A_678 = arith.index_cast %add3A_677 : i32 to index
        %get3A_679 = arith.constant 144 : index
        %get3A_680 = tpu.vector_load %arg9[%get3A_678, %get3A_679] {strides = array<i32>} : memref<160x256xf32, #tpu.memory_space<vmem>>, vector<1x16xf32>,
        %get3A_681 = vector.shape_cast %get3A_680 : vector<1x16xf32> to vector<16xf32>
        %mul3A_682 = arith.mulf %get3A_681, %get3A_13 : vector<16xf32>
        %add3A_683 = arith.addf %add3A_675, %mul3A_682 : vector<16xf32>
        %add3A_684 = arith.constant 128 : i32
        %add3A_685 = arith.addi %add3A_684, %scan3A_276 : i32
        %get3A_686 = arith.index_cast %add3A_685 : i32 to index
        %get3A_687 = arith.constant 144 : index
        %get3A_688 = tpu.vector_load %arg9[%get3A_686, %get3A_687] {strides = array<i32>} : memref<160x256xf32, #tpu.memory_space<vmem>>, vector<1x16xf32>,
        %get3A_689 = vector.shape_cast %get3A_688 : vector<1x16xf32> to vector<16xf32>
        %mul3A_690 = arith.mulf %get3A_689, %get3A_16 : vector<16xf32>
        %add3A_691 = arith.addf %add3A_683, %mul3A_690 : vector<16xf32>
        %swap3A_692 = arith.index_cast %scan3A_276 : i32 to index
        %swap3A_693 = arith.constant 144 : index
        %swap3A_694 = tpu.vector_load %arg11[%swap3A_692, %swap3A_693] {strides = array<i32>} : memref<32x256xf32, #tpu.memory_space<vmem>>, vector<1x16xf32>,
        %swap3A_695 = vector.shape_cast %swap3A_694 : vector<1x16xf32> to vector<16xf32>
        %swap3A_696 = vector.shape_cast %add3A_691 : vector<16xf32> to vector<1x16xf32>
        tpu.vector_store %arg11[%swap3A_692, %swap3A_693], %swap3A_696 {strides = array<i32>} : memref<32x256xf32, #tpu.memory_space<vmem>>, vector<1x16xf32>,
        %get3A_697 = arith.index_cast %scan3A_276 : i32 to index
        %get3A_698 = arith.constant 160 : index
        %get3A_699 = tpu.vector_load %arg9[%get3A_697, %get3A_698] {strides = array<i32>} : memref<160x256xf32, #tpu.memory_space<vmem>>, vector<1x16xf32>,
        %get3A_700 = vector.shape_cast %get3A_699 : vector<1x16xf32> to vector<16xf32>
        %mul3A_701 = arith.mulf %get3A_700, %get3A_4 : vector<16xf32>
        %add3A_702 = arith.constant 32 : i32
        %add3A_703 = arith.addi %add3A_702, %scan3A_276 : i32
        %get3A_704 = arith.index_cast %add3A_703 : i32 to index
        %get3A_705 = arith.constant 160 : index
        %get3A_706 = tpu.vector_load %arg9[%get3A_704, %get3A_705] {strides = array<i32>} : memref<160x256xf32, #tpu.memory_space<vmem>>, vector<1x16xf32>,
        %get3A_707 = vector.shape_cast %get3A_706 : vector<1x16xf32> to vector<16xf32>
        %mul3A_708 = arith.mulf %get3A_707, %get3A_7 : vector<16xf32>
        %add3A_709 = arith.addf %mul3A_701, %mul3A_708 : vector<16xf32>
        %add3A_710 = arith.constant 64 : i32
        %add3A_711 = arith.addi %add3A_710, %scan3A_276 : i32
        %get3A_712 = arith.index_cast %add3A_711 : i32 to index
        %get3A_713 = arith.constant 160 : index
        %get3A_714 = tpu.vector_load %arg9[%get3A_712, %get3A_713] {strides = array<i32>} : memref<160x256xf32, #tpu.memory_space<vmem>>, vector<1x16xf32>,
        %get3A_715 = vector.shape_cast %get3A_714 : vector<1x16xf32> to vector<16xf32>
        %mul3A_716 = arith.mulf %get3A_715, %get3A_10 : vector<16xf32>
        %add3A_717 = arith.addf %add3A_709, %mul3A_716 : vector<16xf32>
        %add3A_718 = arith.constant 96 : i32
        %add3A_719 = arith.addi %add3A_718, %scan3A_276 : i32
        %get3A_720 = arith.index_cast %add3A_719 : i32 to index
        %get3A_721 = arith.constant 160 : index
        %get3A_722 = tpu.vector_load %arg9[%get3A_720, %get3A_721] {strides = array<i32>} : memref<160x256xf32, #tpu.memory_space<vmem>>, vector<1x16xf32>,
        %get3A_723 = vector.shape_cast %get3A_722 : vector<1x16xf32> to vector<16xf32>
        %mul3A_724 = arith.mulf %get3A_723, %get3A_13 : vector<16xf32>
        %add3A_725 = arith.addf %add3A_717, %mul3A_724 : vector<16xf32>
        %add3A_726 = arith.constant 128 : i32
        %add3A_727 = arith.addi %add3A_726, %scan3A_276 : i32
        %get3A_728 = arith.index_cast %add3A_727 : i32 to index
        %get3A_729 = arith.constant 160 : index
        %get3A_730 = tpu.vector_load %arg9[%get3A_728, %get3A_729] {strides = array<i32>} : memref<160x256xf32, #tpu.memory_space<vmem>>, vector<1x16xf32>,
        %get3A_731 = vector.shape_cast %get3A_730 : vector<1x16xf32> to vector<16xf32>
        %mul3A_732 = arith.mulf %get3A_731, %get3A_16 : vector<16xf32>
        %add3A_733 = arith.addf %add3A_725, %mul3A_732 : vector<16xf32>
        %swap3A_734 = arith.index_cast %scan3A_276 : i32 to index
        %swap3A_735 = arith.constant 160 : index
        %swap3A_736 = tpu.vector_load %arg11[%swap3A_734, %swap3A_735] {strides = array<i32>} : memref<32x256xf32, #tpu.memory_space<vmem>>, vector<1x16xf32>,
        %swap3A_737 = vector.shape_cast %swap3A_736 : vector<1x16xf32> to vector<16xf32>
        %swap3A_738 = vector.shape_cast %add3A_733 : vector<16xf32> to vector<1x16xf32>
        tpu.vector_store %arg11[%swap3A_734, %swap3A_735], %swap3A_738 {strides = array<i32>} : memref<32x256xf32, #tpu.memory_space<vmem>>, vector<1x16xf32>,
        %get3A_739 = arith.index_cast %scan3A_276 : i32 to index
        %get3A_740 = arith.constant 176 : index
        %get3A_741 = tpu.vector_load %arg9[%get3A_739, %get3A_740] {strides = array<i32>} : memref<160x256xf32, #tpu.memory_space<vmem>>, vector<1x16xf32>,
        %get3A_742 = vector.shape_cast %get3A_741 : vector<1x16xf32> to vector<16xf32>
        %mul3A_743 = arith.mulf %get3A_742, %get3A_4 : vector<16xf32>
        %add3A_744 = arith.constant 32 : i32
        %add3A_745 = arith.addi %add3A_744, %scan3A_276 : i32
        %get3A_746 = arith.index_cast %add3A_745 : i32 to index
        %get3A_747 = arith.constant 176 : index
        %get3A_748 = tpu.vector_load %arg9[%get3A_746, %get3A_747] {strides = array<i32>} : memref<160x256xf32, #tpu.memory_space<vmem>>, vector<1x16xf32>,
        %get3A_749 = vector.shape_cast %get3A_748 : vector<1x16xf32> to vector<16xf32>
        %mul3A_750 = arith.mulf %get3A_749, %get3A_7 : vector<16xf32>
        %add3A_751 = arith.addf %mul3A_743, %mul3A_750 : vector<16xf32>
        %add3A_752 = arith.constant 64 : i32
        %add3A_753 = arith.addi %add3A_752, %scan3A_276 : i32
        %get3A_754 = arith.index_cast %add3A_753 : i32 to index
        %get3A_755 = arith.constant 176 : index
        %get3A_756 = tpu.vector_load %arg9[%get3A_754, %get3A_755] {strides = array<i32>} : memref<160x256xf32, #tpu.memory_space<vmem>>, vector<1x16xf32>,
        %get3A_757 = vector.shape_cast %get3A_756 : vector<1x16xf32> to vector<16xf32>
        %mul3A_758 = arith.mulf %get3A_757, %get3A_10 : vector<16xf32>
        %add3A_759 = arith.addf %add3A_751, %mul3A_758 : vector<16xf32>
        %add3A_760 = arith.constant 96 : i32
        %add3A_761 = arith.addi %add3A_760, %scan3A_276 : i32
        %get3A_762 = arith.index_cast %add3A_761 : i32 to index
        %get3A_763 = arith.constant 176 : index
        %get3A_764 = tpu.vector_load %arg9[%get3A_762, %get3A_763] {strides = array<i32>} : memref<160x256xf32, #tpu.memory_space<vmem>>, vector<1x16xf32>,
        %get3A_765 = vector.shape_cast %get3A_764 : vector<1x16xf32> to vector<16xf32>
        %mul3A_766 = arith.mulf %get3A_765, %get3A_13 : vector<16xf32>
        %add3A_767 = arith.addf %add3A_759, %mul3A_766 : vector<16xf32>
        %add3A_768 = arith.constant 128 : i32
        %add3A_769 = arith.addi %add3A_768, %scan3A_276 : i32
        %get3A_770 = arith.index_cast %add3A_769 : i32 to index
        %get3A_771 = arith.constant 176 : index
        %get3A_772 = tpu.vector_load %arg9[%get3A_770, %get3A_771] {strides = array<i32>} : memref<160x256xf32, #tpu.memory_space<vmem>>, vector<1x16xf32>,
        %get3A_773 = vector.shape_cast %get3A_772 : vector<1x16xf32> to vector<16xf32>
        %mul3A_774 = arith.mulf %get3A_773, %get3A_16 : vector<16xf32>
        %add3A_775 = arith.addf %add3A_767, %mul3A_774 : vector<16xf32>
        %swap3A_776 = arith.index_cast %scan3A_276 : i32 to index
        %swap3A_777 = arith.constant 176 : index
        %swap3A_778 = tpu.vector_load %arg11[%swap3A_776, %swap3A_777] {strides = array<i32>} : memref<32x256xf32, #tpu.memory_space<vmem>>, vector<1x16xf32>,
        %swap3A_779 = vector.shape_cast %swap3A_778 : vector<1x16xf32> to vector<16xf32>
        %swap3A_780 = vector.shape_cast %add3A_775 : vector<16xf32> to vector<1x16xf32>
        tpu.vector_store %arg11[%swap3A_776, %swap3A_777], %swap3A_780 {strides = array<i32>} : memref<32x256xf32, #tpu.memory_space<vmem>>, vector<1x16xf32>,
        %get3A_781 = arith.index_cast %scan3A_276 : i32 to index
        %get3A_782 = arith.constant 192 : index
        %get3A_783 = tpu.vector_load %arg9[%get3A_781, %get3A_782] {strides = array<i32>} : memref<160x256xf32, #tpu.memory_space<vmem>>, vector<1x16xf32>,
        %get3A_784 = vector.shape_cast %get3A_783 : vector<1x16xf32> to vector<16xf32>
        %mul3A_785 = arith.mulf %get3A_784, %get3A_4 : vector<16xf32>
        %add3A_786 = arith.constant 32 : i32
        %add3A_787 = arith.addi %add3A_786, %scan3A_276 : i32
        %get3A_788 = arith.index_cast %add3A_787 : i32 to index
        %get3A_789 = arith.constant 192 : index
        %get3A_790 = tpu.vector_load %arg9[%get3A_788, %get3A_789] {strides = array<i32>} : memref<160x256xf32, #tpu.memory_space<vmem>>, vector<1x16xf32>,
        %get3A_791 = vector.shape_cast %get3A_790 : vector<1x16xf32> to vector<16xf32>
        %mul3A_792 = arith.mulf %get3A_791, %get3A_7 : vector<16xf32>
        %add3A_793 = arith.addf %mul3A_785, %mul3A_792 : vector<16xf32>
        %add3A_794 = arith.constant 64 : i32
        %add3A_795 = arith.addi %add3A_794, %scan3A_276 : i32
        %get3A_796 = arith.index_cast %add3A_795 : i32 to index
        %get3A_797 = arith.constant 192 : index
        %get3A_798 = tpu.vector_load %arg9[%get3A_796, %get3A_797] {strides = array<i32>} : memref<160x256xf32, #tpu.memory_space<vmem>>, vector<1x16xf32>,
        %get3A_799 = vector.shape_cast %get3A_798 : vector<1x16xf32> to vector<16xf32>
        %mul3A_800 = arith.mulf %get3A_799, %get3A_10 : vector<16xf32>
        %add3A_801 = arith.addf %add3A_793, %mul3A_800 : vector<16xf32>
        %add3A_802 = arith.constant 96 : i32
        %add3A_803 = arith.addi %add3A_802, %scan3A_276 : i32
        %get3A_804 = arith.index_cast %add3A_803 : i32 to index
        %get3A_805 = arith.constant 192 : index
        %get3A_806 = tpu.vector_load %arg9[%get3A_804, %get3A_805] {strides = array<i32>} : memref<160x256xf32, #tpu.memory_space<vmem>>, vector<1x16xf32>,
        %get3A_807 = vector.shape_cast %get3A_806 : vector<1x16xf32> to vector<16xf32>
        %mul3A_808 = arith.mulf %get3A_807, %get3A_13 : vector<16xf32>
        %add3A_809 = arith.addf %add3A_801, %mul3A_808 : vector<16xf32>
        %add3A_810 = arith.constant 128 : i32
        %add3A_811 = arith.addi %add3A_810, %scan3A_276 : i32
        %get3A_812 = arith.index_cast %add3A_811 : i32 to index
        %get3A_813 = arith.constant 192 : index
        %get3A_814 = tpu.vector_load %arg9[%get3A_812, %get3A_813] {strides = array<i32>} : memref<160x256xf32, #tpu.memory_space<vmem>>, vector<1x16xf32>,
        %get3A_815 = vector.shape_cast %get3A_814 : vector<1x16xf32> to vector<16xf32>
        %mul3A_816 = arith.mulf %get3A_815, %get3A_16 : vector<16xf32>
        %add3A_817 = arith.addf %add3A_809, %mul3A_816 : vector<16xf32>
        %swap3A_818 = arith.index_cast %scan3A_276 : i32 to index
        %swap3A_819 = arith.constant 192 : index
        %swap3A_820 = tpu.vector_load %arg11[%swap3A_818, %swap3A_819] {strides = array<i32>} : memref<32x256xf32, #tpu.memory_space<vmem>>, vector<1x16xf32>,
        %swap3A_821 = vector.shape_cast %swap3A_820 : vector<1x16xf32> to vector<16xf32>
        %swap3A_822 = vector.shape_cast %add3A_817 : vector<16xf32> to vector<1x16xf32>
        tpu.vector_store %arg11[%swap3A_818, %swap3A_819], %swap3A_822 {strides = array<i32>} : memref<32x256xf32, #tpu.memory_space<vmem>>, vector<1x16xf32>,
        %get3A_823 = arith.index_cast %scan3A_276 : i32 to index
        %get3A_824 = arith.constant 208 : index
        %get3A_825 = tpu.vector_load %arg9[%get3A_823, %get3A_824] {strides = array<i32>} : memref<160x256xf32, #tpu.memory_space<vmem>>, vector<1x16xf32>,
        %get3A_826 = vector.shape_cast %get3A_825 : vector<1x16xf32> to vector<16xf32>
        %mul3A_827 = arith.mulf %get3A_826, %get3A_4 : vector<16xf32>
        %add3A_828 = arith.constant 32 : i32
        %add3A_829 = arith.addi %add3A_828, %scan3A_276 : i32
        %get3A_830 = arith.index_cast %add3A_829 : i32 to index
        %get3A_831 = arith.constant 208 : index
        %get3A_832 = tpu.vector_load %arg9[%get3A_830, %get3A_831] {strides = array<i32>} : memref<160x256xf32, #tpu.memory_space<vmem>>, vector<1x16xf32>,
        %get3A_833 = vector.shape_cast %get3A_832 : vector<1x16xf32> to vector<16xf32>
        %mul3A_834 = arith.mulf %get3A_833, %get3A_7 : vector<16xf32>
        %add3A_835 = arith.addf %mul3A_827, %mul3A_834 : vector<16xf32>
        %add3A_836 = arith.constant 64 : i32
        %add3A_837 = arith.addi %add3A_836, %scan3A_276 : i32
        %get3A_838 = arith.index_cast %add3A_837 : i32 to index
        %get3A_839 = arith.constant 208 : index
        %get3A_840 = tpu.vector_load %arg9[%get3A_838, %get3A_839] {strides = array<i32>} : memref<160x256xf32, #tpu.memory_space<vmem>>, vector<1x16xf32>,
        %get3A_841 = vector.shape_cast %get3A_840 : vector<1x16xf32> to vector<16xf32>
        %mul3A_842 = arith.mulf %get3A_841, %get3A_10 : vector<16xf32>
        %add3A_843 = arith.addf %add3A_835, %mul3A_842 : vector<16xf32>
        %add3A_844 = arith.constant 96 : i32
        %add3A_845 = arith.addi %add3A_844, %scan3A_276 : i32
        %get3A_846 = arith.index_cast %add3A_845 : i32 to index
        %get3A_847 = arith.constant 208 : index
        %get3A_848 = tpu.vector_load %arg9[%get3A_846, %get3A_847] {strides = array<i32>} : memref<160x256xf32, #tpu.memory_space<vmem>>, vector<1x16xf32>,
        %get3A_849 = vector.shape_cast %get3A_848 : vector<1x16xf32> to vector<16xf32>
        %mul3A_850 = arith.mulf %get3A_849, %get3A_13 : vector<16xf32>
        %add3A_851 = arith.addf %add3A_843, %mul3A_850 : vector<16xf32>
        %add3A_852 = arith.constant 128 : i32
        %add3A_853 = arith.addi %add3A_852, %scan3A_276 : i32
        %get3A_854 = arith.index_cast %add3A_853 : i32 to index
        %get3A_855 = arith.constant 208 : index
        %get3A_856 = tpu.vector_load %arg9[%get3A_854, %get3A_855] {strides = array<i32>} : memref<160x256xf32, #tpu.memory_space<vmem>>, vector<1x16xf32>,
        %get3A_857 = vector.shape_cast %get3A_856 : vector<1x16xf32> to vector<16xf32>
        %mul3A_858 = arith.mulf %get3A_857, %get3A_16 : vector<16xf32>
        %add3A_859 = arith.addf %add3A_851, %mul3A_858 : vector<16xf32>
        %swap3A_860 = arith.index_cast %scan3A_276 : i32 to index
        %swap3A_861 = arith.constant 208 : index
        %swap3A_862 = tpu.vector_load %arg11[%swap3A_860, %swap3A_861] {strides = array<i32>} : memref<32x256xf32, #tpu.memory_space<vmem>>, vector<1x16xf32>,
        %swap3A_863 = vector.shape_cast %swap3A_862 : vector<1x16xf32> to vector<16xf32>
        %swap3A_864 = vector.shape_cast %add3A_859 : vector<16xf32> to vector<1x16xf32>
        tpu.vector_store %arg11[%swap3A_860, %swap3A_861], %swap3A_864 {strides = array<i32>} : memref<32x256xf32, #tpu.memory_space<vmem>>, vector<1x16xf32>,
        %get3A_865 = arith.index_cast %scan3A_276 : i32 to index
        %get3A_866 = arith.constant 224 : index
        %get3A_867 = tpu.vector_load %arg9[%get3A_865, %get3A_866] {strides = array<i32>} : memref<160x256xf32, #tpu.memory_space<vmem>>, vector<1x16xf32>,
        %get3A_868 = vector.shape_cast %get3A_867 : vector<1x16xf32> to vector<16xf32>
        %mul3A_869 = arith.mulf %get3A_868, %get3A_4 : vector<16xf32>
        %add3A_870 = arith.constant 32 : i32
        %add3A_871 = arith.addi %add3A_870, %scan3A_276 : i32
        %get3A_872 = arith.index_cast %add3A_871 : i32 to index
        %get3A_873 = arith.constant 224 : index
        %get3A_874 = tpu.vector_load %arg9[%get3A_872, %get3A_873] {strides = array<i32>} : memref<160x256xf32, #tpu.memory_space<vmem>>, vector<1x16xf32>,
        %get3A_875 = vector.shape_cast %get3A_874 : vector<1x16xf32> to vector<16xf32>
        %mul3A_876 = arith.mulf %get3A_875, %get3A_7 : vector<16xf32>
        %add3A_877 = arith.addf %mul3A_869, %mul3A_876 : vector<16xf32>
        %add3A_878 = arith.constant 64 : i32
        %add3A_879 = arith.addi %add3A_878, %scan3A_276 : i32
        %get3A_880 = arith.index_cast %add3A_879 : i32 to index
        %get3A_881 = arith.constant 224 : index
        %get3A_882 = tpu.vector_load %arg9[%get3A_880, %get3A_881] {strides = array<i32>} : memref<160x256xf32, #tpu.memory_space<vmem>>, vector<1x16xf32>,
        %get3A_883 = vector.shape_cast %get3A_882 : vector<1x16xf32> to vector<16xf32>
        %mul3A_884 = arith.mulf %get3A_883, %get3A_10 : vector<16xf32>
        %add3A_885 = arith.addf %add3A_877, %mul3A_884 : vector<16xf32>
        %add3A_886 = arith.constant 96 : i32
        %add3A_887 = arith.addi %add3A_886, %scan3A_276 : i32
        %get3A_888 = arith.index_cast %add3A_887 : i32 to index
        %get3A_889 = arith.constant 224 : index
        %get3A_890 = tpu.vector_load %arg9[%get3A_888, %get3A_889] {strides = array<i32>} : memref<160x256xf32, #tpu.memory_space<vmem>>, vector<1x16xf32>,
        %get3A_891 = vector.shape_cast %get3A_890 : vector<1x16xf32> to vector<16xf32>
        %mul3A_892 = arith.mulf %get3A_891, %get3A_13 : vector<16xf32>
        %add3A_893 = arith.addf %add3A_885, %mul3A_892 : vector<16xf32>
        %add3A_894 = arith.constant 128 : i32
        %add3A_895 = arith.addi %add3A_894, %scan3A_276 : i32
        %get3A_896 = arith.index_cast %add3A_895 : i32 to index
        %get3A_897 = arith.constant 224 : index
        %get3A_898 = tpu.vector_load %arg9[%get3A_896, %get3A_897] {strides = array<i32>} : memref<160x256xf32, #tpu.memory_space<vmem>>, vector<1x16xf32>,
        %get3A_899 = vector.shape_cast %get3A_898 : vector<1x16xf32> to vector<16xf32>
        %mul3A_900 = arith.mulf %get3A_899, %get3A_16 : vector<16xf32>
        %add3A_901 = arith.addf %add3A_893, %mul3A_900 : vector<16xf32>
        %swap3A_902 = arith.index_cast %scan3A_276 : i32 to index
        %swap3A_903 = arith.constant 224 : index
        %swap3A_904 = tpu.vector_load %arg11[%swap3A_902, %swap3A_903] {strides = array<i32>} : memref<32x256xf32, #tpu.memory_space<vmem>>, vector<1x16xf32>,
        %swap3A_905 = vector.shape_cast %swap3A_904 : vector<1x16xf32> to vector<16xf32>
        %swap3A_906 = vector.shape_cast %add3A_901 : vector<16xf32> to vector<1x16xf32>
        tpu.vector_store %arg11[%swap3A_902, %swap3A_903], %swap3A_906 {strides = array<i32>} : memref<32x256xf32, #tpu.memory_space<vmem>>, vector<1x16xf32>,
        %get3A_907 = arith.index_cast %scan3A_276 : i32 to index
        %get3A_908 = arith.constant 240 : index
        %get3A_909 = tpu.vector_load %arg9[%get3A_907, %get3A_908] {strides = array<i32>} : memref<160x256xf32, #tpu.memory_space<vmem>>, vector<1x16xf32>,
        %get3A_910 = vector.shape_cast %get3A_909 : vector<1x16xf32> to vector<16xf32>
        %mul3A_911 = arith.mulf %get3A_910, %get3A_4 : vector<16xf32>
        %add3A_912 = arith.constant 32 : i32
        %add3A_913 = arith.addi %add3A_912, %scan3A_276 : i32
        %get3A_914 = arith.index_cast %add3A_913 : i32 to index
        %get3A_915 = arith.constant 240 : index
        %get3A_916 = tpu.vector_load %arg9[%get3A_914, %get3A_915] {strides = array<i32>} : memref<160x256xf32, #tpu.memory_space<vmem>>, vector<1x16xf32>,
        %get3A_917 = vector.shape_cast %get3A_916 : vector<1x16xf32> to vector<16xf32>
        %mul3A_918 = arith.mulf %get3A_917, %get3A_7 : vector<16xf32>
        %add3A_919 = arith.addf %mul3A_911, %mul3A_918 : vector<16xf32>
        %add3A_920 = arith.constant 64 : i32
        %add3A_921 = arith.addi %add3A_920, %scan3A_276 : i32
        %get3A_922 = arith.index_cast %add3A_921 : i32 to index
        %get3A_923 = arith.constant 240 : index
        %get3A_924 = tpu.vector_load %arg9[%get3A_922, %get3A_923] {strides = array<i32>} : memref<160x256xf32, #tpu.memory_space<vmem>>, vector<1x16xf32>,
        %get3A_925 = vector.shape_cast %get3A_924 : vector<1x16xf32> to vector<16xf32>
        %mul3A_926 = arith.mulf %get3A_925, %get3A_10 : vector<16xf32>
        %add3A_927 = arith.addf %add3A_919, %mul3A_926 : vector<16xf32>
        %add3A_928 = arith.constant 96 : i32
        %add3A_929 = arith.addi %add3A_928, %scan3A_276 : i32
        %get3A_930 = arith.index_cast %add3A_929 : i32 to index
        %get3A_931 = arith.constant 240 : index
        %get3A_932 = tpu.vector_load %arg9[%get3A_930, %get3A_931] {strides = array<i32>} : memref<160x256xf32, #tpu.memory_space<vmem>>, vector<1x16xf32>,
        %get3A_933 = vector.shape_cast %get3A_932 : vector<1x16xf32> to vector<16xf32>
        %mul3A_934 = arith.mulf %get3A_933, %get3A_13 : vector<16xf32>
        %add3A_935 = arith.addf %add3A_927, %mul3A_934 : vector<16xf32>
        %add3A_936 = arith.constant 128 : i32
        %add3A_937 = arith.addi %add3A_936, %scan3A_276 : i32
        %get3A_938 = arith.index_cast %add3A_937 : i32 to index
        %get3A_939 = arith.constant 240 : index
        %get3A_940 = tpu.vector_load %arg9[%get3A_938, %get3A_939] {strides = array<i32>} : memref<160x256xf32, #tpu.memory_space<vmem>>, vector<1x16xf32>,
        %get3A_941 = vector.shape_cast %get3A_940 : vector<1x16xf32> to vector<16xf32>
        %mul3A_942 = arith.mulf %get3A_941, %get3A_16 : vector<16xf32>
        %add3A_943 = arith.addf %add3A_935, %mul3A_942 : vector<16xf32>
        %swap3A_944 = arith.index_cast %scan3A_276 : i32 to index
        %swap3A_945 = arith.constant 240 : index
        %swap3A_946 = tpu.vector_load %arg11[%swap3A_944, %swap3A_945] {strides = array<i32>} : memref<32x256xf32, #tpu.memory_space<vmem>>, vector<1x16xf32>,
        %swap3A_947 = vector.shape_cast %swap3A_946 : vector<1x16xf32> to vector<16xf32>
        %swap3A_948 = vector.shape_cast %add3A_943 : vector<16xf32> to vector<1x16xf32>
        tpu.vector_store %arg11[%swap3A_944, %swap3A_945], %swap3A_948 {strides = array<i32>} : memref<32x256xf32, #tpu.memory_space<vmem>>, vector<1x16xf32>,
      }
      %scan3A_268 = arith.constant 32 : i32
      %mul3A_269 = arith.constant 32 : i32
      %mul3A_270 = arith.muli %add3A_227, %mul3A_269 : i32
      %add3A_271 = arith.addi %mul3A_2, %mul3A_270 : i32
      %dma_start3A_272 = arith.constant 0 : i32
      %dma_start3A_273 = tpu.memref_slice %arg5[%add3A_271, %dma_start3A_272] : memref<301056x256xf32, #tpu.memory_space<hbm>> -> memref<32x256xf32, #tpu.memory_space<hbm>>
      %dma_start3A_274 = arith.constant 0 : i32
      %dma_start3A_275 = tpu.memref_slice %arg5[%add3A_271, %dma_start3A_274] : memref<301056x256xf32, #tpu.memory_space<hbm>> -> memref<32x256xf32, #tpu.memory_space<hbm>>
      tpu.enqueue_dma source(%arg11 : memref<32x256xf32, #tpu.memory_space<vmem>>) target(%dma_start3A_275 : memref<32x256xf32, #tpu.memory_space<hbm>>) target_semaphore(%arg18 : memref<!tpu.dma_semaphore, #tpu.memory_space<semaphore_mem>>)
    }
    %scan3A_162 = arith.constant 147 : i32
    %add3A_163 = arith.constant 9344 : i32
    %add3A_164 = arith.addi %mul3A_2, %add3A_163 : i32
    %dma_wait3A_165 = arith.constant 0 : i32
    %dma_wait3A_166 = tpu.memref_slice %arg5[%add3A_164, %dma_wait3A_165] : memref<301056x256xf32, #tpu.memory_space<hbm>> -> memref<32x256xf32, #tpu.memory_space<hbm>>
    %dma_wait3A_167 = arith.constant 0 : i32
    %dma_wait3A_168 = tpu.memref_slice %arg5[%add3A_164, %dma_wait3A_167] : memref<301056x256xf32, #tpu.memory_space<hbm>> -> memref<32x256xf32, #tpu.memory_space<hbm>>
    tpu.wait_dma2 semaphore(%arg17 : memref<!tpu.dma_semaphore, #tpu.memory_space<semaphore_mem>>) src(%arg10 : memref<32x256xf32, #tpu.memory_space<vmem>>) dst(%dma_wait3A_168 : memref<32x256xf32, #tpu.memory_space<hbm>>)
    %add3A_169 = arith.constant 9376 : i32
    %add3A_170 = arith.addi %mul3A_2, %add3A_169 : i32
    %dma_wait3A_171 = arith.constant 0 : i32
    %dma_wait3A_172 = tpu.memref_slice %arg5[%add3A_170, %dma_wait3A_171] : memref<301056x256xf32, #tpu.memory_space<hbm>> -> memref<32x256xf32, #tpu.memory_space<hbm>>
    %dma_wait3A_173 = arith.constant 0 : i32
    %dma_wait3A_174 = tpu.memref_slice %arg5[%add3A_170, %dma_wait3A_173] : memref<301056x256xf32, #tpu.memory_space<hbm>> -> memref<32x256xf32, #tpu.memory_space<hbm>>
    tpu.wait_dma2 semaphore(%arg18 : memref<!tpu.dma_semaphore, #tpu.memory_space<semaphore_mem>>) src(%arg11 : memref<32x256xf32, #tpu.memory_space<vmem>>) dst(%dma_wait3A_174 : memref<32x256xf32, #tpu.memory_space<hbm>>)
    return
  }
}

module attributes {stable_mosaic.version = 14 : i64} {
  func.func @_k1_body(%arg0: i32, %arg1: memref<3x512x128xf32, #tpu.memory_space<vmem>>, %arg2: memref<3x128x256xf32, #tpu.memory_space<vmem>>, %arg3: memref<3x1x256xf32, #tpu.memory_space<vmem>>, %arg4: memref<256x256xf32, #tpu.memory_space<vmem>>, %arg5: memref<1x256xf32, #tpu.memory_space<vmem>>, %arg6: memref<256x256xf32, #tpu.memory_space<vmem>>, %arg7: memref<1x256xf32, #tpu.memory_space<vmem>>, %arg8: memref<256x256xf32, #tpu.memory_space<vmem>>, %arg9: memref<1x256xf32, #tpu.memory_space<vmem>>, %arg10: memref<3x512x256xf32, #tpu.memory_space<vmem>>, %arg11: memref<3x512x256xf32, #tpu.memory_space<vmem>>) attributes {dimension_semantics = [#tpu.dimension_semantics<arbitrary>], iteration_bounds = array<i64: 196>, scalar_prefetch = 0 : i64, scratch_operands = 0 : i64, tpu.core_type = #tpu.core_type<tc>, window_params = [{transform_indices = @transform_0, window_bounds = array<i64: 3, 512, 128>}, {pipeline_mode = #tpu.pipeline_mode<synchronous>, transform_indices = @transform_1, window_bounds = array<i64: 3, 128, 256>}, {pipeline_mode = #tpu.pipeline_mode<synchronous>, transform_indices = @transform_2, window_bounds = array<i64: 3, 1, 256>}, {pipeline_mode = #tpu.pipeline_mode<synchronous>, transform_indices = @transform_3, window_bounds = array<i64: 256, 256>}, {pipeline_mode = #tpu.pipeline_mode<synchronous>, transform_indices = @transform_4, window_bounds = array<i64: 1, 256>}, {pipeline_mode = #tpu.pipeline_mode<synchronous>, transform_indices = @transform_5, window_bounds = array<i64: 256, 256>}, {pipeline_mode = #tpu.pipeline_mode<synchronous>, transform_indices = @transform_6, window_bounds = array<i64: 1, 256>}, {pipeline_mode = #tpu.pipeline_mode<synchronous>, transform_indices = @transform_7, window_bounds = array<i64: 256, 256>}, {pipeline_mode = #tpu.pipeline_mode<synchronous>, transform_indices = @transform_8, window_bounds = array<i64: 1, 256>}, {transform_indices = @transform_9, window_bounds = array<i64: 3, 512, 256>}, {transform_indices = @transform_10, window_bounds = array<i64: 3, 512, 256>}]} {
    %get3A = arith.constant 0 : index
    %get3A_0 = arith.constant 0 : index
    %get3A_1 = arith.constant 0 : index
    %get3A_2 = vector.load %arg1[%get3A, %get3A_0, %get3A_1] : memref<3x512x128xf32, #tpu.memory_space<vmem>>, vector<3x512x128xf32>
    %get3A_3 = arith.constant 0 : index
    %get3A_4 = arith.constant 0 : index
    %get3A_5 = vector.load %arg4[%get3A_3, %get3A_4] : memref<256x256xf32, #tpu.memory_space<vmem>>, vector<256x256xf32>
    %get3A_6 = arith.constant 0 : index
    %get3A_7 = arith.constant 0 : index
    %get3A_8 = vector.load %arg6[%get3A_6, %get3A_7] : memref<256x256xf32, #tpu.memory_space<vmem>>, vector<256x256xf32>
    %get3A_9 = arith.constant 0 : index
    %get3A_10 = arith.constant 0 : index
    %get3A_11 = vector.load %arg8[%get3A_9, %get3A_10] : memref<256x256xf32, #tpu.memory_space<vmem>>, vector<256x256xf32>
    %get3A_12 = arith.constant 0 : index
    %get3A_13 = arith.constant 0 : index
    %get3A_14 = vector.load %arg5[%get3A_12, %get3A_13] : memref<1x256xf32, #tpu.memory_space<vmem>>, vector<1x256xf32>
    %get3A_15 = arith.constant 0 : index
    %get3A_16 = arith.constant 0 : index
    %get3A_17 = vector.load %arg7[%get3A_15, %get3A_16] : memref<1x256xf32, #tpu.memory_space<vmem>>, vector<1x256xf32>
    %get3A_18 = arith.constant 0 : index
    %get3A_19 = arith.constant 0 : index
    %get3A_20 = vector.load %arg9[%get3A_18, %get3A_19] : memref<1x256xf32, #tpu.memory_space<vmem>>, vector<1x256xf32>
    %convert_element_type3A = arith.truncf %get3A_5 : vector<256x256xf32> to vector<256x256xbf16>
    %convert_element_type3A_21 = arith.truncf %get3A_8 : vector<256x256xf32> to vector<256x256xbf16>
    %convert_element_type3A_22 = arith.truncf %get3A_11 : vector<256x256xf32> to vector<256x256xbf16>
    %slice3A = vector.extract_strided_slice %get3A_2 {offsets = [0, 0, 0], sizes = [1, 512, 128], strides = [1, 1, 1]} : vector<3x512x128xf32> to vector<1x512x128xf32>
    %squeeze3A = vector.shape_cast %slice3A : vector<1x512x128xf32> to vector<512x128xf32>
    %convert_element_type3A_23 = arith.truncf %squeeze3A : vector<512x128xf32> to vector<512x128xbf16>
    %get3A_24 = arith.constant 0 : index
    %get3A_25 = arith.constant 0 : index
    %get3A_26 = arith.constant 0 : index
    %get3A_27 = vector.load %arg2[%get3A_24, %get3A_25, %get3A_26] : memref<3x128x256xf32, #tpu.memory_space<vmem>>, vector<1x128x256xf32>
    %get3A_28 = vector.shape_cast %get3A_27 : vector<1x128x256xf32> to vector<128x256xf32>
    %convert_element_type3A_29 = arith.truncf %get3A_28 : vector<128x256xf32> to vector<128x256xbf16>
    %dot_general3A = arith.constant dense<0.000000e+00> : vector<512x256xf32>
    %dot_general3A_30 = tpu.matmul %convert_element_type3A_23, %convert_element_type3A_29, %dot_general3A {dimension_numbers = #tpu.dot_dimension_numbers<[1], [0], [0], [1], [0, 0, 1, 1], [], []>, transpose_lhs_hint = false} : vector<512x128xbf16>, vector<128x256xbf16>, vector<512x256xf32> -> vector<512x256xf32>
    %get3A_31 = arith.constant 0 : index
    %get3A_32 = arith.constant 0 : index
    %get3A_33 = arith.constant 0 : index
    %get3A_34 = vector.load %arg3[%get3A_31, %get3A_32, %get3A_33] : memref<3x1x256xf32, #tpu.memory_space<vmem>>, vector<1x1x256xf32>
    %get3A_35 = vector.shape_cast %get3A_34 : vector<1x1x256xf32> to vector<1x256xf32>
    %add3A = vector.broadcast %get3A_35 : vector<1x256xf32> to vector<512x256xf32>
    %add3A_36 = arith.addf %dot_general3A_30, %add3A : vector<512x256xf32>
    %slice3A_37 = vector.extract_strided_slice %get3A_2 {offsets = [1, 0, 0], sizes = [1, 512, 128], strides = [1, 1, 1]} : vector<3x512x128xf32> to vector<1x512x128xf32>
    %squeeze3A_38 = vector.shape_cast %slice3A_37 : vector<1x512x128xf32> to vector<512x128xf32>
    %convert_element_type3A_39 = arith.truncf %squeeze3A_38 : vector<512x128xf32> to vector<512x128xbf16>
    %get3A_40 = arith.constant 1 : index
    %get3A_41 = arith.constant 0 : index
    %get3A_42 = arith.constant 0 : index
    %get3A_43 = vector.load %arg2[%get3A_40, %get3A_41, %get3A_42] : memref<3x128x256xf32, #tpu.memory_space<vmem>>, vector<1x128x256xf32>
    %get3A_44 = vector.shape_cast %get3A_43 : vector<1x128x256xf32> to vector<128x256xf32>
    %convert_element_type3A_45 = arith.truncf %get3A_44 : vector<128x256xf32> to vector<128x256xbf16>
    %dot_general3A_46 = arith.constant dense<0.000000e+00> : vector<512x256xf32>
    %dot_general3A_47 = tpu.matmul %convert_element_type3A_39, %convert_element_type3A_45, %dot_general3A_46 {dimension_numbers = #tpu.dot_dimension_numbers<[1], [0], [0], [1], [0, 0, 1, 1], [], []>, transpose_lhs_hint = false} : vector<512x128xbf16>, vector<128x256xbf16>, vector<512x256xf32> -> vector<512x256xf32>
    %get3A_48 = arith.constant 1 : index
    %get3A_49 = arith.constant 0 : index
    %get3A_50 = arith.constant 0 : index
    %get3A_51 = vector.load %arg3[%get3A_48, %get3A_49, %get3A_50] : memref<3x1x256xf32, #tpu.memory_space<vmem>>, vector<1x1x256xf32>
    %get3A_52 = vector.shape_cast %get3A_51 : vector<1x1x256xf32> to vector<1x256xf32>
    %add3A_53 = vector.broadcast %get3A_52 : vector<1x256xf32> to vector<512x256xf32>
    %add3A_54 = arith.addf %dot_general3A_47, %add3A_53 : vector<512x256xf32>
    %slice3A_55 = vector.extract_strided_slice %get3A_2 {offsets = [2, 0, 0], sizes = [1, 512, 128], strides = [1, 1, 1]} : vector<3x512x128xf32> to vector<1x512x128xf32>
    %squeeze3A_56 = vector.shape_cast %slice3A_55 : vector<1x512x128xf32> to vector<512x128xf32>
    %convert_element_type3A_57 = arith.truncf %squeeze3A_56 : vector<512x128xf32> to vector<512x128xbf16>
    %get3A_58 = arith.constant 2 : index
    %get3A_59 = arith.constant 0 : index
    %get3A_60 = arith.constant 0 : index
    %get3A_61 = vector.load %arg2[%get3A_58, %get3A_59, %get3A_60] : memref<3x128x256xf32, #tpu.memory_space<vmem>>, vector<1x128x256xf32>
    %get3A_62 = vector.shape_cast %get3A_61 : vector<1x128x256xf32> to vector<128x256xf32>
    %convert_element_type3A_63 = arith.truncf %get3A_62 : vector<128x256xf32> to vector<128x256xbf16>
    %dot_general3A_64 = arith.constant dense<0.000000e+00> : vector<512x256xf32>
    %dot_general3A_65 = tpu.matmul %convert_element_type3A_57, %convert_element_type3A_63, %dot_general3A_64 {dimension_numbers = #tpu.dot_dimension_numbers<[1], [0], [0], [1], [0, 0, 1, 1], [], []>, transpose_lhs_hint = false} : vector<512x128xbf16>, vector<128x256xbf16>, vector<512x256xf32> -> vector<512x256xf32>
    %get3A_66 = arith.constant 2 : index
    %get3A_67 = arith.constant 0 : index
    %get3A_68 = arith.constant 0 : index
    %get3A_69 = vector.load %arg3[%get3A_66, %get3A_67, %get3A_68] : memref<3x1x256xf32, #tpu.memory_space<vmem>>, vector<1x1x256xf32>
    %get3A_70 = vector.shape_cast %get3A_69 : vector<1x1x256xf32> to vector<1x256xf32>
    %add3A_71 = vector.broadcast %get3A_70 : vector<1x256xf32> to vector<512x256xf32>
    %add3A_72 = arith.addf %dot_general3A_65, %add3A_71 : vector<512x256xf32>
    %add3A_73 = arith.addf %add3A_36, %add3A_54 : vector<512x256xf32>
    %add3A_74 = arith.addf %add3A_73, %add3A_72 : vector<512x256xf32>
    %convert_element_type3A_75 = arith.truncf %add3A_36 : vector<512x256xf32> to vector<512x256xbf16>
    %dot_general3A_76 = arith.constant dense<0.000000e+00> : vector<512x256xf32>
    %dot_general3A_77 = tpu.matmul %convert_element_type3A_75, %convert_element_type3A, %dot_general3A_76 {dimension_numbers = #tpu.dot_dimension_numbers<[1], [0], [0], [1], [0, 0, 1, 1], [], []>, transpose_lhs_hint = false} : vector<512x256xbf16>, vector<256x256xbf16>, vector<512x256xf32> -> vector<512x256xf32>
    %add3A_78 = vector.broadcast %get3A_14 : vector<1x256xf32> to vector<512x256xf32>
    %add3A_79 = arith.addf %dot_general3A_77, %add3A_78 : vector<512x256xf32>
    %convert_element_type3A_80 = arith.truncf %add3A_79 : vector<512x256xf32> to vector<512x256xbf16>
    %dot_general3A_81 = arith.constant dense<0.000000e+00> : vector<512x256xf32>
    %dot_general3A_82 = tpu.matmul %convert_element_type3A_80, %convert_element_type3A_21, %dot_general3A_81 {dimension_numbers = #tpu.dot_dimension_numbers<[1], [0], [0], [1], [0, 0, 1, 1], [], []>, transpose_lhs_hint = false} : vector<512x256xbf16>, vector<256x256xbf16>, vector<512x256xf32> -> vector<512x256xf32>
    %add3A_83 = vector.broadcast %get3A_17 : vector<1x256xf32> to vector<512x256xf32>
    %add3A_84 = arith.addf %dot_general3A_82, %add3A_83 : vector<512x256xf32>
    %swap3A = arith.constant 0 : index
    %swap3A_85 = arith.constant 0 : index
    %swap3A_86 = arith.constant 0 : index
    %swap3A_87 = vector.load %arg10[%swap3A, %swap3A_85, %swap3A_86] : memref<3x512x256xf32, #tpu.memory_space<vmem>>, vector<1x512x256xf32>
    %swap3A_88 = vector.shape_cast %swap3A_87 : vector<1x512x256xf32> to vector<512x256xf32>
    %swap3A_89 = vector.shape_cast %add3A_84 : vector<512x256xf32> to vector<1x512x256xf32>
    tpu.vector_store %arg10[%swap3A, %swap3A_85, %swap3A_86], %swap3A_89 {strides = array<i32>} : memref<3x512x256xf32, #tpu.memory_space<vmem>>, vector<1x512x256xf32>,
    %sub3A = arith.subf %add3A_74, %add3A_36 : vector<512x256xf32>
    %convert_element_type3A_90 = arith.truncf %sub3A : vector<512x256xf32> to vector<512x256xbf16>
    %dot_general3A_91 = arith.constant dense<0.000000e+00> : vector<512x256xf32>
    %dot_general3A_92 = tpu.matmul %convert_element_type3A_90, %convert_element_type3A_22, %dot_general3A_91 {dimension_numbers = #tpu.dot_dimension_numbers<[1], [0], [0], [1], [0, 0, 1, 1], [], []>, transpose_lhs_hint = false} : vector<512x256xbf16>, vector<256x256xbf16>, vector<512x256xf32> -> vector<512x256xf32>
    %mul3A = arith.constant 5.000000e-01 : f32
    %mul3A_93 = vector.broadcast %mul3A : f32 to vector<512x256xf32>
    %mul3A_94 = arith.mulf %dot_general3A_92, %mul3A_93 : vector<512x256xf32>
    %add3A_95 = arith.addf %add3A_79, %mul3A_94 : vector<512x256xf32>
    %add3A_96 = vector.broadcast %get3A_20 : vector<1x256xf32> to vector<512x256xf32>
    %add3A_97 = arith.addf %add3A_95, %add3A_96 : vector<512x256xf32>
    %swap3A_98 = arith.constant 0 : index
    %swap3A_99 = arith.constant 0 : index
    %swap3A_100 = arith.constant 0 : index
    %swap3A_101 = vector.load %arg11[%swap3A_98, %swap3A_99, %swap3A_100] : memref<3x512x256xf32, #tpu.memory_space<vmem>>, vector<1x512x256xf32>
    %swap3A_102 = vector.shape_cast %swap3A_101 : vector<1x512x256xf32> to vector<512x256xf32>
    %swap3A_103 = vector.shape_cast %add3A_97 : vector<512x256xf32> to vector<1x512x256xf32>
    tpu.vector_store %arg11[%swap3A_98, %swap3A_99, %swap3A_100], %swap3A_103 {strides = array<i32>} : memref<3x512x256xf32, #tpu.memory_space<vmem>>, vector<1x512x256xf32>,
    %convert_element_type3A_104 = arith.truncf %add3A_54 : vector<512x256xf32> to vector<512x256xbf16>
    %dot_general3A_105 = arith.constant dense<0.000000e+00> : vector<512x256xf32>
    %dot_general3A_106 = tpu.matmul %convert_element_type3A_104, %convert_element_type3A, %dot_general3A_105 {dimension_numbers = #tpu.dot_dimension_numbers<[1], [0], [0], [1], [0, 0, 1, 1], [], []>, transpose_lhs_hint = false} : vector<512x256xbf16>, vector<256x256xbf16>, vector<512x256xf32> -> vector<512x256xf32>
    %add3A_107 = vector.broadcast %get3A_14 : vector<1x256xf32> to vector<512x256xf32>
    %add3A_108 = arith.addf %dot_general3A_106, %add3A_107 : vector<512x256xf32>
    %convert_element_type3A_109 = arith.truncf %add3A_108 : vector<512x256xf32> to vector<512x256xbf16>
    %dot_general3A_110 = arith.constant dense<0.000000e+00> : vector<512x256xf32>
    %dot_general3A_111 = tpu.matmul %convert_element_type3A_109, %convert_element_type3A_21, %dot_general3A_110 {dimension_numbers = #tpu.dot_dimension_numbers<[1], [0], [0], [1], [0, 0, 1, 1], [], []>, transpose_lhs_hint = false} : vector<512x256xbf16>, vector<256x256xbf16>, vector<512x256xf32> -> vector<512x256xf32>
    %add3A_112 = vector.broadcast %get3A_17 : vector<1x256xf32> to vector<512x256xf32>
    %add3A_113 = arith.addf %dot_general3A_111, %add3A_112 : vector<512x256xf32>
    %swap3A_114 = arith.constant 1 : index
    %swap3A_115 = arith.constant 0 : index
    %swap3A_116 = arith.constant 0 : index
    %swap3A_117 = vector.load %arg10[%swap3A_114, %swap3A_115, %swap3A_116] : memref<3x512x256xf32, #tpu.memory_space<vmem>>, vector<1x512x256xf32>
    %swap3A_118 = vector.shape_cast %swap3A_117 : vector<1x512x256xf32> to vector<512x256xf32>
    %swap3A_119 = vector.shape_cast %add3A_113 : vector<512x256xf32> to vector<1x512x256xf32>
    tpu.vector_store %arg10[%swap3A_114, %swap3A_115, %swap3A_116], %swap3A_119 {strides = array<i32>} : memref<3x512x256xf32, #tpu.memory_space<vmem>>, vector<1x512x256xf32>,
    %sub3A_120 = arith.subf %add3A_74, %add3A_54 : vector<512x256xf32>
    %convert_element_type3A_121 = arith.truncf %sub3A_120 : vector<512x256xf32> to vector<512x256xbf16>
    %dot_general3A_122 = arith.constant dense<0.000000e+00> : vector<512x256xf32>
    %dot_general3A_123 = tpu.matmul %convert_element_type3A_121, %convert_element_type3A_22, %dot_general3A_122 {dimension_numbers = #tpu.dot_dimension_numbers<[1], [0], [0], [1], [0, 0, 1, 1], [], []>, transpose_lhs_hint = false} : vector<512x256xbf16>, vector<256x256xbf16>, vector<512x256xf32> -> vector<512x256xf32>
    %mul3A_124 = arith.constant 5.000000e-01 : f32
    %mul3A_125 = vector.broadcast %mul3A_124 : f32 to vector<512x256xf32>
    %mul3A_126 = arith.mulf %dot_general3A_123, %mul3A_125 : vector<512x256xf32>
    %add3A_127 = arith.addf %add3A_108, %mul3A_126 : vector<512x256xf32>
    %add3A_128 = vector.broadcast %get3A_20 : vector<1x256xf32> to vector<512x256xf32>
    %add3A_129 = arith.addf %add3A_127, %add3A_128 : vector<512x256xf32>
    %swap3A_130 = arith.constant 1 : index
    %swap3A_131 = arith.constant 0 : index
    %swap3A_132 = arith.constant 0 : index
    %swap3A_133 = vector.load %arg11[%swap3A_130, %swap3A_131, %swap3A_132] : memref<3x512x256xf32, #tpu.memory_space<vmem>>, vector<1x512x256xf32>
    %swap3A_134 = vector.shape_cast %swap3A_133 : vector<1x512x256xf32> to vector<512x256xf32>
    %swap3A_135 = vector.shape_cast %add3A_129 : vector<512x256xf32> to vector<1x512x256xf32>
    tpu.vector_store %arg11[%swap3A_130, %swap3A_131, %swap3A_132], %swap3A_135 {strides = array<i32>} : memref<3x512x256xf32, #tpu.memory_space<vmem>>, vector<1x512x256xf32>,
    %convert_element_type3A_136 = arith.truncf %add3A_72 : vector<512x256xf32> to vector<512x256xbf16>
    %dot_general3A_137 = arith.constant dense<0.000000e+00> : vector<512x256xf32>
    %dot_general3A_138 = tpu.matmul %convert_element_type3A_136, %convert_element_type3A, %dot_general3A_137 {dimension_numbers = #tpu.dot_dimension_numbers<[1], [0], [0], [1], [0, 0, 1, 1], [], []>, transpose_lhs_hint = false} : vector<512x256xbf16>, vector<256x256xbf16>, vector<512x256xf32> -> vector<512x256xf32>
    %add3A_139 = vector.broadcast %get3A_14 : vector<1x256xf32> to vector<512x256xf32>
    %add3A_140 = arith.addf %dot_general3A_138, %add3A_139 : vector<512x256xf32>
    %convert_element_type3A_141 = arith.truncf %add3A_140 : vector<512x256xf32> to vector<512x256xbf16>
    %dot_general3A_142 = arith.constant dense<0.000000e+00> : vector<512x256xf32>
    %dot_general3A_143 = tpu.matmul %convert_element_type3A_141, %convert_element_type3A_21, %dot_general3A_142 {dimension_numbers = #tpu.dot_dimension_numbers<[1], [0], [0], [1], [0, 0, 1, 1], [], []>, transpose_lhs_hint = false} : vector<512x256xbf16>, vector<256x256xbf16>, vector<512x256xf32> -> vector<512x256xf32>
    %add3A_144 = vector.broadcast %get3A_17 : vector<1x256xf32> to vector<512x256xf32>
    %add3A_145 = arith.addf %dot_general3A_143, %add3A_144 : vector<512x256xf32>
    %swap3A_146 = arith.constant 2 : index
    %swap3A_147 = arith.constant 0 : index
    %swap3A_148 = arith.constant 0 : index
    %swap3A_149 = vector.load %arg10[%swap3A_146, %swap3A_147, %swap3A_148] : memref<3x512x256xf32, #tpu.memory_space<vmem>>, vector<1x512x256xf32>
    %swap3A_150 = vector.shape_cast %swap3A_149 : vector<1x512x256xf32> to vector<512x256xf32>
    %swap3A_151 = vector.shape_cast %add3A_145 : vector<512x256xf32> to vector<1x512x256xf32>
    tpu.vector_store %arg10[%swap3A_146, %swap3A_147, %swap3A_148], %swap3A_151 {strides = array<i32>} : memref<3x512x256xf32, #tpu.memory_space<vmem>>, vector<1x512x256xf32>,
    %sub3A_152 = arith.subf %add3A_74, %add3A_72 : vector<512x256xf32>
    %convert_element_type3A_153 = arith.truncf %sub3A_152 : vector<512x256xf32> to vector<512x256xbf16>
    %dot_general3A_154 = arith.constant dense<0.000000e+00> : vector<512x256xf32>
    %dot_general3A_155 = tpu.matmul %convert_element_type3A_153, %convert_element_type3A_22, %dot_general3A_154 {dimension_numbers = #tpu.dot_dimension_numbers<[1], [0], [0], [1], [0, 0, 1, 1], [], []>, transpose_lhs_hint = false} : vector<512x256xbf16>, vector<256x256xbf16>, vector<512x256xf32> -> vector<512x256xf32>
    %mul3A_156 = arith.constant 5.000000e-01 : f32
    %mul3A_157 = vector.broadcast %mul3A_156 : f32 to vector<512x256xf32>
    %mul3A_158 = arith.mulf %dot_general3A_155, %mul3A_157 : vector<512x256xf32>
    %add3A_159 = arith.addf %add3A_140, %mul3A_158 : vector<512x256xf32>
    %add3A_160 = vector.broadcast %get3A_20 : vector<1x256xf32> to vector<512x256xf32>
    %add3A_161 = arith.addf %add3A_159, %add3A_160 : vector<512x256xf32>
    %swap3A_162 = arith.constant 2 : index
    %swap3A_163 = arith.constant 0 : index
    %swap3A_164 = arith.constant 0 : index
    %swap3A_165 = vector.load %arg11[%swap3A_162, %swap3A_163, %swap3A_164] : memref<3x512x256xf32, #tpu.memory_space<vmem>>, vector<1x512x256xf32>
    %swap3A_166 = vector.shape_cast %swap3A_165 : vector<1x512x256xf32> to vector<512x256xf32>
    %swap3A_167 = vector.shape_cast %add3A_161 : vector<512x256xf32> to vector<1x512x256xf32>
    tpu.vector_store %arg11[%swap3A_162, %swap3A_163, %swap3A_164], %swap3A_167 {strides = array<i32>} : memref<3x512x256xf32, #tpu.memory_space<vmem>>, vector<1x512x256xf32>,
    return
  }
  func.func @transform_0(%arg0: i32) -> (i32, i32, i32) {
    %c0_i32 = arith.constant 0 : i32
    %c0_i32_0 = arith.constant 0 : i32
    %c0_i32_1 = arith.constant 0 : i32
    return %c0_i32, %arg0, %c0_i32_0 : i32, i32, i32
  }
  func.func @transform_1(%arg0: i32) -> (i32, i32, i32) {
    %c0_i32 = arith.constant 0 : i32
    %c0_i32_0 = arith.constant 0 : i32
    %c0_i32_1 = arith.constant 0 : i32
    %c0_i32_2 = arith.constant 0 : i32
    return %c0_i32, %c0_i32_0, %c0_i32_1 : i32, i32, i32
  }
  func.func @transform_2(%arg0: i32) -> (i32, i32, i32) {
    %c0_i32 = arith.constant 0 : i32
    %c0_i32_0 = arith.constant 0 : i32
    %c0_i32_1 = arith.constant 0 : i32
    %c0_i32_2 = arith.constant 0 : i32
    return %c0_i32, %c0_i32_0, %c0_i32_1 : i32, i32, i32
  }
  func.func @transform_3(%arg0: i32) -> (i32, i32) {
    %c0_i32 = arith.constant 0 : i32
    %c0_i32_0 = arith.constant 0 : i32
    %c0_i32_1 = arith.constant 0 : i32
    return %c0_i32, %c0_i32_0 : i32, i32
  }
  func.func @transform_4(%arg0: i32) -> (i32, i32) {
    %c0_i32 = arith.constant 0 : i32
    %c0_i32_0 = arith.constant 0 : i32
    %c0_i32_1 = arith.constant 0 : i32
    return %c0_i32, %c0_i32_0 : i32, i32
  }
  func.func @transform_5(%arg0: i32) -> (i32, i32) {
    %c0_i32 = arith.constant 0 : i32
    %c0_i32_0 = arith.constant 0 : i32
    %c0_i32_1 = arith.constant 0 : i32
    return %c0_i32, %c0_i32_0 : i32, i32
  }
  func.func @transform_6(%arg0: i32) -> (i32, i32) {
    %c0_i32 = arith.constant 0 : i32
    %c0_i32_0 = arith.constant 0 : i32
    %c0_i32_1 = arith.constant 0 : i32
    return %c0_i32, %c0_i32_0 : i32, i32
  }
  func.func @transform_7(%arg0: i32) -> (i32, i32) {
    %c0_i32 = arith.constant 0 : i32
    %c0_i32_0 = arith.constant 0 : i32
    %c0_i32_1 = arith.constant 0 : i32
    return %c0_i32, %c0_i32_0 : i32, i32
  }
  func.func @transform_8(%arg0: i32) -> (i32, i32) {
    %c0_i32 = arith.constant 0 : i32
    %c0_i32_0 = arith.constant 0 : i32
    %c0_i32_1 = arith.constant 0 : i32
    return %c0_i32, %c0_i32_0 : i32, i32
  }
  func.func @transform_9(%arg0: i32) -> (i32, i32, i32) {
    %c0_i32 = arith.constant 0 : i32
    %c0_i32_0 = arith.constant 0 : i32
    %c0_i32_1 = arith.constant 0 : i32
    return %c0_i32, %arg0, %c0_i32_0 : i32, i32, i32
  }
  func.func @transform_10(%arg0: i32) -> (i32, i32, i32) {
    %c0_i32 = arith.constant 0 : i32
    %c0_i32_0 = arith.constant 0 : i32
    %c0_i32_1 = arith.constant 0 : i32
    return %c0_i32, %arg0, %c0_i32_0 : i32, i32, i32
  }
}

module attributes {stable_mosaic.version = 14 : i64} {
  func.func @_k3_body(%arg0: i32, %arg1: memref<3x512x256xf32, #tpu.memory_space<vmem>>, %arg2: memref<3x512x256xf32, #tpu.memory_space<vmem>>, %arg3: memref<1x256xf32, #tpu.memory_space<vmem>>, %arg4: memref<512x256xf32, #tpu.memory_space<vmem>>) attributes {dimension_semantics = [#tpu.dimension_semantics<arbitrary>], iteration_bounds = array<i64: 196>, scalar_prefetch = 0 : i64, scratch_operands = 0 : i64, tpu.core_type = #tpu.core_type<tc>, window_params = [{transform_indices = @transform_0, window_bounds = array<i64: 3, 512, 256>}, {transform_indices = @transform_1, window_bounds = array<i64: 3, 512, 256>}, {pipeline_mode = #tpu.pipeline_mode<synchronous>, transform_indices = @transform_2, window_bounds = array<i64: 1, 256>}, {transform_indices = @transform_3, window_bounds = array<i64: 512, 256>}]} {
    %get3A = arith.constant 0 : index
    %get3A_0 = arith.constant 0 : index
    %get3A_1 = arith.constant 0 : index
    %get3A_2 = vector.load %arg1[%get3A, %get3A_0, %get3A_1] : memref<3x512x256xf32, #tpu.memory_space<vmem>>, vector<1x512x256xf32>
    %get3A_3 = vector.shape_cast %get3A_2 : vector<1x512x256xf32> to vector<512x256xf32>
    %get3A_4 = arith.constant 0 : index
    %get3A_5 = arith.constant 0 : index
    %get3A_6 = arith.constant 0 : index
    %get3A_7 = vector.load %arg2[%get3A_4, %get3A_5, %get3A_6] : memref<3x512x256xf32, #tpu.memory_space<vmem>>, vector<1x512x256xf32>
    %get3A_8 = vector.shape_cast %get3A_7 : vector<1x512x256xf32> to vector<512x256xf32>
    %add3A = arith.addf %get3A_3, %get3A_8 : vector<512x256xf32>
    %max3A = arith.constant 0.000000e+00 : f32
    %max3A_9 = vector.broadcast %max3A : f32 to vector<512x256xf32>
    %max3A_10 = arith.maximumf %add3A, %max3A_9 : vector<512x256xf32>
    %get3A_11 = arith.constant 1 : index
    %get3A_12 = arith.constant 0 : index
    %get3A_13 = arith.constant 0 : index
    %get3A_14 = vector.load %arg1[%get3A_11, %get3A_12, %get3A_13] : memref<3x512x256xf32, #tpu.memory_space<vmem>>, vector<1x512x256xf32>
    %get3A_15 = vector.shape_cast %get3A_14 : vector<1x512x256xf32> to vector<512x256xf32>
    %get3A_16 = arith.constant 1 : index
    %get3A_17 = arith.constant 0 : index
    %get3A_18 = arith.constant 0 : index
    %get3A_19 = vector.load %arg2[%get3A_16, %get3A_17, %get3A_18] : memref<3x512x256xf32, #tpu.memory_space<vmem>>, vector<1x512x256xf32>
    %get3A_20 = vector.shape_cast %get3A_19 : vector<1x512x256xf32> to vector<512x256xf32>
    %add3A_21 = arith.addf %get3A_15, %get3A_20 : vector<512x256xf32>
    %max3A_22 = arith.constant 0.000000e+00 : f32
    %max3A_23 = vector.broadcast %max3A_22 : f32 to vector<512x256xf32>
    %max3A_24 = arith.maximumf %add3A_21, %max3A_23 : vector<512x256xf32>
    %add3A_25 = arith.addf %max3A_10, %max3A_24 : vector<512x256xf32>
    %get3A_26 = arith.constant 2 : index
    %get3A_27 = arith.constant 0 : index
    %get3A_28 = arith.constant 0 : index
    %get3A_29 = vector.load %arg1[%get3A_26, %get3A_27, %get3A_28] : memref<3x512x256xf32, #tpu.memory_space<vmem>>, vector<1x512x256xf32>
    %get3A_30 = vector.shape_cast %get3A_29 : vector<1x512x256xf32> to vector<512x256xf32>
    %get3A_31 = arith.constant 2 : index
    %get3A_32 = arith.constant 0 : index
    %get3A_33 = arith.constant 0 : index
    %get3A_34 = vector.load %arg2[%get3A_31, %get3A_32, %get3A_33] : memref<3x512x256xf32, #tpu.memory_space<vmem>>, vector<1x512x256xf32>
    %get3A_35 = vector.shape_cast %get3A_34 : vector<1x512x256xf32> to vector<512x256xf32>
    %add3A_36 = arith.addf %get3A_30, %get3A_35 : vector<512x256xf32>
    %max3A_37 = arith.constant 0.000000e+00 : f32
    %max3A_38 = vector.broadcast %max3A_37 : f32 to vector<512x256xf32>
    %max3A_39 = arith.maximumf %add3A_36, %max3A_38 : vector<512x256xf32>
    %add3A_40 = arith.addf %add3A_25, %max3A_39 : vector<512x256xf32>
    %get3A_41 = arith.constant 0 : index
    %get3A_42 = arith.constant 0 : index
    %get3A_43 = vector.load %arg3[%get3A_41, %get3A_42] : memref<1x256xf32, #tpu.memory_space<vmem>>, vector<1x256xf32>
    %mul3A = vector.broadcast %get3A_43 : vector<1x256xf32> to vector<512x256xf32>
    %mul3A_44 = arith.mulf %add3A_40, %mul3A : vector<512x256xf32>
    %swap3A = arith.constant 0 : index
    %swap3A_45 = arith.constant 0 : index
    %swap3A_46 = vector.load %arg4[%swap3A, %swap3A_45] : memref<512x256xf32, #tpu.memory_space<vmem>>, vector<512x256xf32>
    tpu.vector_store %arg4[%swap3A, %swap3A_45], %mul3A_44 {strides = array<i32>} : memref<512x256xf32, #tpu.memory_space<vmem>>, vector<512x256xf32>,
    return
  }
  func.func @transform_0(%arg0: i32) -> (i32, i32, i32) {
    %c0_i32 = arith.constant 0 : i32
    %c0_i32_0 = arith.constant 0 : i32
    %c0_i32_1 = arith.constant 0 : i32
    return %c0_i32, %arg0, %c0_i32_0 : i32, i32, i32
  }
  func.func @transform_1(%arg0: i32) -> (i32, i32, i32) {
    %c0_i32 = arith.constant 0 : i32
    %c0_i32_0 = arith.constant 0 : i32
    %c0_i32_1 = arith.constant 0 : i32
    return %c0_i32, %arg0, %c0_i32_0 : i32, i32, i32
  }
  func.func @transform_2(%arg0: i32) -> (i32, i32) {
    %c0_i32 = arith.constant 0 : i32
    %c0_i32_0 = arith.constant 0 : i32
    %c0_i32_1 = arith.constant 0 : i32
    return %c0_i32, %c0_i32_0 : i32, i32
  }
  func.func @transform_3(%arg0: i32) -> (i32, i32) {
    %c0_i32 = arith.constant 0 : i32
    %c0_i32_0 = arith.constant 0 : i32
    return %arg0, %c0_i32 : i32, i32
  }
}

</mosaic_0001>

<sc_bundles>
// kernel: kernel.5.cloned.1.call-start
scs
__scs_entry_jumppad:
0x0: {  	(pc) =	sbr.rel $0x88, $3  }
0x1: {  	(tag) =	ssettag $0x0;
	lr =	simm.s32 $0x1  }
0x2: {  	[smem:$0x3F95] =	sst lr;
	_ =	strace $0xD0000000  }
0x3: {  	_ = 	snop  }
0x4: {  	_ = 	snop  }
0x5: {  	_ = 	snop  }
0x6: {  	_ = 	snop  }
0x7: {  	_ = 	snop  }
__scs_overlays_trampoline_lowered:
0x8: {  	[smem:$0x3FA4] =	sst s0  }
0x9: {  	[smem:$0x3FA5] =	sst s1  }
0xa: {  	[smem:$0x3FA6] =	sst s2  }
0xb: {  	[smem:$0x3FA7] =	sst s3  }
0xc: {  	[smem:$0x3FA8] =	sst s4  }
0xd: {  	[smem:$0x3FA9] =	sst s5  }
0xe: {  	[smem:$0x3FAA] =	sst s6  }
0xf: {  	[smem:$0x3FAB] =	sst s7  }
0x10: {  	[smem:$0x3FAC] =	sst s8  }
0x11: {  	[smem:$0x3FAD] =	sst s9;
	s0 =	simm.s32 @!p0 $0x0  }
0x12: {  	s1 =	sld [smem:$0x3F93];
	s0 =	simm.s32 @p0 $0x1  }
0x13: {  	[smem:$0x3FAE] =	sst s0;
	s0 =	simm.s32 @!p1 $0x0  }
0x14: {  	s2 =	sld [smem:$0x3F92];
	s0 =	simm.s32 @p1 $0x1  }
0x15: {  	[smem:$0x3FAF] =	sst s0;
	s0 =	simm.s32 @!p2 $0x0  }
0x16: {  	s3 =	sld [smem:$0x3FDB];
	s0 =	simm.s32 @p2 $0x1  }
0x17: {  	s4 =	simm.s32 $0x1BF5;
	[smem:$0x3FB1] =	sst s0  }
0x18: {  	s0 =	sld [smem:$0x3F94];
	_ =	swait.ge [sflag:s4], $0x0  }
0x19: {  	s7 =	sld [smem:$0x3F95]  }
0x1a: {  	s8 =	sadd.s32 $0xFFFFE003, lr  }
0x1b: {  	s9 =	sadd.s32 $0xFFFFFEF7, lr;
	s5 =	simm.s32 $0xFFFFFFFF;
	p2 =	slt.u32 s8, $0xFFFFF086  }
0x1c: {  	p1 =	slt.u32 s9, $0xF7A;
	s5 =	simm.s32 @!p2 $0x0  }
0x1d: {  	s5 =	simm.s32 @p1 $0x1;
	p0 =	seq.s32 s7, s2  }
0x1e: {  	s7 =	smul.u32 @!p0 $0xF7A, s2;
	p2 =	seq.s32 @!p0 s5, $0x0  }
0x1f: {  	s9 =	smul.u32 $0xF7A, s1;
	s8 =	simm.s32 @!p0 $0x1BF5;
	p2 =	por !p2, p0  }
0x20: {  	[sflag:s8] =	ssyncset.s32 @!p0 $0xFFFFF086;
	s6 =	sadd.s32 @!p0 s3, s7;
	s7 =	simm.s32 @!p0 $0x108  }
0x21: {  	s3 =	sadd.s32 s3, s9;
	s6 =	sadd.s32 @!p0 $0x88, s6;
	s7 =	simm.s32 @p2 $0x1082  }
0x22: {  	[simem:s7], [sflag:s8] =	dma.local @!p0 [hbm:s6], $0xF7A  }
0x23: {  	s9 =	sor.u32 $0xD0000000, s2;
	s6 =	simm.s32 $0x108;
	_ =	swait.ge @!p0 [sflag:s8], $0x0  }
0x24: {  	s3 =	sadd.s32 $0x88, s3;
	s6 =	simm.s32 @!p1 $0x1082;
	[sflag:s4] =	ssyncset.s32 $0xFFFFF086  }
0x25: {  	[simem:s6], [sflag:s4] =	dma.local [hbm:s3], $0xF7A  }
0x26: {  	[smem:$0x3F95] =	sst s1;
	(tag) =	ssettag s2;
	_ =	strace s9  }
0x27: {  	s1 =	sld [smem:$0x3FA5]  }
0x28: {  	s2 =	sld [smem:$0x3FA6]  }
0x29: {  	s4 =	sld [smem:$0x3FA8]  }
0x2a: {  	p0 =	seq.s32 s5, $0x0;
	s5 =	sld [smem:$0x3FA9]  }
0x2b: {  	s6 =	sld [smem:$0x3FAA]  }
0x2c: {  	s7 =	sld [smem:$0x3FAB]  }
0x2d: {  	s3 =	simm.s32 $0x108;
	s8 =	sld [smem:$0x3FAC]  }
0x2e: {  	s3 =	simm.s32 @!p0 $0x1082;
	s9 =	sld [smem:$0x3FAD]  }
0x2f: {  	lr =	sadd.s32 s0, s3;
	s0 =	sld [smem:$0x3FA4]  }
0x30: {  	s3 =	sld [smem:$0x3FA7]  }
0x31: {  	[smem:$0x3FB0] =	sst s10  }
0x32: {  	s10 =	sld [smem:$0x3FAE];
	_ =	sdelay $0x3  }
0x33: {  	p0 =	seq.s32 s10, $0x1;
	s10 =	sld [smem:$0x3FB0];
	_ =	sdelay $0x3  }
0x34: {  	[smem:$0x3FB0] =	sst s10  }
0x35: {  	s10 =	sld [smem:$0x3FAF];
	_ =	sdelay $0x3  }
0x36: {  	p1 =	seq.s32 s10, $0x1;
	s10 =	sld [smem:$0x3FB0];
	_ =	sdelay $0x3  }
0x37: {  	[smem:$0x3FB0] =	sst s10  }
0x38: {  	s10 =	sld [smem:$0x3FB1]  }
0x39: {  	_ = 	snop;
	(pc) =	sbr.ind lr, $3  }
0x3a: {  	_ = 	snop  }
0x3b: {  	_ = 	snop  }
0x3c: {  	p2 =	seq.s32 s10, $0x1;
	s10 =	sld [smem:$0x3FB0]  }
0x3d: {  	_ =	shalt  }
0x3e: {  	_ =	shalt  }
0x3f: {  	_ =	shalt  }
0x40: {  	_ =	shalt  }
0x41: {  	_ =	shalt  }
0x42: {  	_ =	shalt  }
0x43: {  	_ =	shalt  }
0x44: {  	_ =	shalt  }
0x45: {  	_ =	shalt  }
0x46: {  	_ =	shalt  }
0x47: {  	_ =	shalt  }
0x48: {  	_ =	shalt  }
0x49: {  	_ =	shalt  }
0x4a: {  	_ =	shalt  }
0x4b: {  	_ =	shalt  }
0x4c: {  	_ =	shalt  }
0x4d: {  	_ =	shalt  }
0x4e: {  	_ =	shalt  }
0x4f: {  	_ =	shalt  }
0x50: {  	_ =	shalt  }
0x51: {  	_ =	shalt  }
0x52: {  	_ =	shalt  }
0x53: {  	_ =	shalt  }
0x54: {  	_ =	shalt  }
0x55: {  	_ =	shalt  }
0x56: {  	_ =	shalt  }
0x57: {  	_ =	shalt  }
0x58: {  	_ =	shalt  }
0x59: {  	_ =	shalt  }
0x5a: {  	_ =	shalt  }
0x5b: {  	_ =	shalt  }
0x5c: {  	_ =	shalt  }
0x5d: {  	_ =	shalt  }
0x5e: {  	_ =	shalt  }
0x5f: {  	_ =	shalt  }
0x60: {  	_ =	shalt  }
0x61: {  	_ =	shalt  }
0x62: {  	_ =	shalt  }
0x63: {  	_ =	shalt  }
0x64: {  	_ =	shalt  }
0x65: {  	_ =	shalt  }
0x66: {  	_ =	shalt  }
0x67: {  	_ =	shalt  }
0x68: {  	_ =	shalt  }
0x69: {  	_ =	shalt  }
0x6a: {  	_ =	shalt  }
0x6b: {  	_ =	shalt  }
0x6c: {  	_ =	shalt  }
0x6d: {  	_ =	shalt  }
0x6e: {  	_ =	shalt  }
0x6f: {  	_ =	shalt  }
0x70: {  	_ =	shalt  }
0x71: {  	_ =	shalt  }
0x72: {  	_ =	shalt  }
0x73: {  	_ =	shalt  }
0x74: {  	_ =	shalt  }
0x75: {  	_ =	shalt  }
0x76: {  	_ =	shalt  }
0x77: {  	_ =	shalt  }
0x78: {  	_ =	shalt  }
0x79: {  	_ =	shalt  }
0x7a: {  	_ =	shalt  }
0x7b: {  	_ =	shalt  }
0x7c: {  	_ =	shalt  }
0x7d: {  	_ =	shalt  }
0x7e: {  	_ =	shalt  }
0x7f: {  	_ =	shalt  }
0x80: {  	_ =	shalt  }
0x81: {  	_ =	shalt  }
0x82: {  	_ =	shalt  }
0x83: {  	_ =	shalt  }
0x84: {  	_ =	shalt  }
0x85: {  	_ =	shalt  }
0x86: {  	_ =	shalt  }
0x87: {  	_ =	shalt  }
.Lfunc_end0:
.L_simem_size_0:
called_computation_lowered:
.L_overlay_start_0:
0x88: {  	s2 =	sld [smem:$0x3FD9]  }
0x89: {  	s3 =	sld [smem:$0x3FFE];
	_ =	sdelay $0x1  }
0x8a: {  	s1 =	srdreg.scid  }
0x8b: {  	s0 =	sand.u32 $0x1, s1  }
0x8c: {  	s17 =	sshll.u32 s0, $0xA;
	s2 =	sadd.s32 s3, s2  }
0x8d: {  	s2 =	sadd.s32 s2, s17  }
0x8e: {  	[smem:$0x3FBC] =	sst s2  }
0x8f: {  	_ = 	snop  }
0x90: {  	s2 =	sld [smem:$0x3FD0];
	(tm) =	ssettm $0x1  }
0x91: {  	s18 =	sld [smem:$0x3FFB];
	_ =	sdelay $0x3  }
0x92: {  	_ =	strace s18  }
0x93: {  	s3 =	sld [smem:$0x3FFC];
	_ =	sdelay $0x3  }
0x94: {  	_ =	strace s3  }
0x95: {  	s3 =	sld [smem:$0x3FFD];
	_ =	sdelay $0x3  }
0x96: {  	_ =	strace s3  }
0x97: {  	_ =	strace $0x8FFFFFFF  }
0x98: {  	s19 =	sld [smem:$0x3FDB];
	_ =	sdelay $0x1  }
0x99: {  	s4 =	simm.s32 $_scs_section_size  }
0x9a: {  	s5 =	simm.s32 $_size__tile_overlayer_lowered;
	s6 =	simm.s32 $_tile_overlayer_lowered  }
0x9b: {  	s22 =	simm.s32 $0x1BFF;
	s21 =	sshll.u32 s6, $0x1;
	s3 =	sadd.s32 s4, s19  }
0x9c: {  	s7 =	simm.s32 $0x0;
	s20 =	sshll.u32 s5, $0x1;
	s5 =	sadd.s32 s21, s3  }
0x9d: {  	[timem:s7], [sflag:s22] =	dma.local [hbm:s5], s20  }
0x9e: {  	_ =	swait.ge [sflag:s22], s20  }
0x9f: {  	s4 =	ssub.s32 $0x0, s20;
	[sflag:s22] =	ssyncset.done $0x0  }
0xa0: {  	[sflag:s22] =	ssyncadd.s32 s4;
	_ =	sdelay $0x1  }
0xa1: {  	s23 =	simm.s32 $0x1B8B  }
0xa2: {  	_ =	swait.ge [sflag:s23], $0x1  }
0xa3: {  	[sflag:s23] =	ssyncset.done $0x0  }
0xa4: {  	s25 =	simm.s32 $0x1B8E;
	s24 =	sld [smem:$0x3FFE];
	[sflag:s23] =	ssyncadd.s32 $0xFFFFFFFF  }
0xa5: {  	s26 =	simm.s32 $execute0_lowered;
	[smem:$0x3FD2] =	sst s25  }
0xa6: {  	s5 =	sshll.u32 s26, $0x1;
	_ =	strace $0x80000046;
	[dreg:$0x1] =	wrdreg $0xFFFFFFFF  }
0xa7: {  	s28 =	simm.s32 $_size_execute0_lowered;
	s3 =	sadd.s32 s3, s5;
	[dreg:$0x0] =	wrdreg $0x0  }
0xa8: {  	s5 =	sshll.u32 s28, $0x1;
	[dreg:$0x2] =	wrdreg s3  }
0xa9: {  	[dreg:$0x3] =	wrdreg s5  }
0xaa: {  	[dreg:$0x4] =	wrdreg $0xC0  }
0xab: {  	_ =	task [dreg:s7], $0x5FFFF  }
0xac: {  	[dreg:$0x1] =	wrdreg $0xFFFFFFFF  }
0xad: {  	[dreg:$0x0] =	wrdreg $0x60  }
0xae: {  	[dreg:$0x2] =	wrdreg s24  }
0xaf: {  	[dreg:$0x3] =	wrdreg s2  }
0xb0: {  	[dreg:$0x4] =	wrdreg $0x9  }
0xb1: {  	_ =	task.clear_ibuf [dreg:s7], $0x5FFFF;
	_ =	strace $0x90000046  }
0xb2: {  	s29 =	simm.s32 $0x9;
	_ =	strace $0x80000048  }
0xb3: {  	_ =	swait.ge [sflag:s29], $0x1  }
0xb4: {  	[sflag:s29] =	ssyncadd.s32 $0xFFFFFFFF  }
0xb5: {  	_ =	strace $0x90000048  }
0xb6: {  	_ =	sfence  }
0xb7: {  	s30 =	sld [smem:$0x0];
	_ =	sdelay $0x2  }
0xb8: {  	s31 =	sshll.u32 s1, $0xD;
	s1 =	sshrl.u32 s1, $0x2  }
0xb9: {  	s3 =	sand.u32 $0x4000, s31;
	s1 =	sadd.s32 s1, s30  }
0xba: {  	s0 =	sor.u32 s3, s0;
	s1 =	sshll.u32 s1, $0x11  }
0xbb: {  	s0 =	sor.u32 s1, s0  }
0xbc: {  	s0 =	sadd.s32 $0x8F2B, s0  }
0xbd: {  	[sflag:s0] =	ssyncadd.remote.s32 $0x1  }
0xbe: {  	_ =	sfence.sel $0xFFFF  }
0xbf: {  	[dreg:$0x0] =	wrdreg $0xFFFFFFFF;
	(pc) =	sbr.abs _section_cstart, $3  }
0xc0: {  	[dreg:$0x1] =	wrdreg $0xFFFFFFFF  }
0xc1: {  	_ =	task.clear_ibuf [dreg:s7], $0x2FFFF;
	_ =	strace $0x9FFFFFFF  }
0xc2: {  	(tm) =	ssettm $0x7FFFFFFF  }
0xc3: {  	_ =	shalt  }
tec
execute0_lowered:
.L_overlay_start_1:
0x0: {  	(tag) =	ssettag $0x1  }
0x1: {  	s0 =	srdreg.scid  }
0x2: {  	s2 =	stileid.u32;
	s1 =	rddreg [dreg:$0x0]  }
0x3: {  	s3 =	simm.s32 $0x0;
	s18 =	simm.s32 $0x3;
	s19 =	simm.s32 $0x2  }
0x4: {  	s13 =	simm.s32 $0x11200;
	s16 =	simm.s32 $0x11A00;
	s17 =	simm.s32 $0x12200  }
0x5: {  	s12 =	simm.s32 $0x13A00;
	s15 =	simm.s32 $0x4;
	s20 =	simm.s32 $0x16200  }
0x6: {  	s21 =	simm.s32 $0x5;
	s0 =	sand.u32 $0x1, s0;
	s2 =	sshll.u32 s2, $0x1  }
0x7: {  	s22 =	simm.s32 $0x6;
	s24 =	simm.s32 $0x0;
	s2 =	sor.u32 s0, s2  }
0x8: {  	[smem:$0x7FF] =	sst s3;
	s5 =	sadd.s32 $0x2F400, s1;
	s4 =	smul.u32 $0x24C0, s2  }
0x9: {  	s6 =	sadd.s32 $0x1400, s1;
	s0 =	ssub.s32 $0x2, s0;
	s9 =	smul.u32 $0xB7C0, s2  }
0xa: {  	s7 =	sadd.s32 $0x127EC00, s1;
	s29 =	sshrl.u32 s0, $0x1;
	s10 =	smul.u32 $0x16F8, s2  }
0xb: {  	_ =	strace $0x80000047;
	s0 =	ssub.s32 s0, s29;
	s8 =	smulhi.u32 $0xA72F1, s4  }
0xc: {  	s9 =	sshrl.u32 s9, $0x3;
	s31 =	sadd.s32 s6, s10;
	s10 =	smul.u32 $0x24C000, s2  }
0xd: {  	s11 =	sadd.s32 $0x60, s4;
	s0 =	smax.u32 s0, $0x1;
	s2 =	simm.s32 $0x10A00  }
0xe: {  	s30 =	sadd.s32 s6, s9;
	[dreg:$0x3] =	wrdreg s31;
	s8 =	sshrl.u32 s8, $0x4  }
0xf: {  	v3 =	vlaneseq.u32;
	[dreg:$0x5] =	wrdreg s0;
	s1 =	sadd.s32 $0x14, s30;
	s14 =	smul.u32 $0x186A0, s8  }
0x10: {  	vm0 =	vmmov $0xffff;
	v1 =	vand.u32 $0x7, v3;
	v2 =	vshrl.u32 v3, $0x3;
	s0 =	simm.s32 $0x10200;
	s9 =	simm.s32 $0x13200;
	[dreg:$0x4] =	wrdreg s1  }
0x11: {  	v3 =	vor.u32 $0x8, v3;
	v2 =	vmul.u32 $0x8, v2;
	s1 =	simm.s32 $0xFA00;
	s8 =	simm.s32 $0x12A00;
	v0 =	vmov s14;
	s14 =	simm.s32 $0x14200  }
.LBB2_1:
0x12: {  	[dreg:$0x6] =	wrdreg s24  }
0x13: {  	s23 =	rddreg [dreg:$0x1];
	s26 =	simm.s32 $0x18200;
	s28 =	simm.s32 $0x7  }
0x14: {  	[tilespmem:s26], [sflag:$0x7] =	stream.linear.gather [hbm4b:s23+s3], $0x80, $0x38;
	[tilespmem:$0x18280] =	vst v63  }
0x15: {  	_ =	swait.ge [sflag:s28], $0x80  }
0x16: {  	[sflag:s28] =	ssyncset.done $0x0  }
0x17: {  	[sflag:s28] =	ssyncadd.s32 $0xFFFFFF80  }
0x18: {  	v4 =	vld [tilespmem:$0x18200]  }
0x19: {  	v5 =	vld [tilespmem:$0x18210]  }
0x1a: {  	v6 =	vld [tilespmem:$0x18220]  }
0x1b: {  	s30 =	simm.s32 $0x1;
	s29 =	rddreg [dreg:$0x3];
	v7 =	vld [tilespmem:$0x18230]  }
0x1c: {  	v8 =	vld [tilespmem:$0x18240];
	[tilespmem:s3], [sflag:$0x1] =	stream.linear.gather [hbm4b:s29+s3], $0xA0, $0x38  }
0x1d: {  	_ =	swait.ge [sflag:s30], $0xA0  }
0x1e: {  	[sflag:s30] =	ssyncset.done $0x0  }
0x1f: {  	[sflag:s30] =	ssyncadd.s32 $0xFFFFFF60  }
0x20: {  	v9 =	vld [tilespmem:$0x0]  }
0x21: {  	v10 =	vld [tilespmem:$0x10]  }
0x22: {  	v11 =	vld [tilespmem:$0x20]  }
0x23: {  	v12 =	vld [tilespmem:$0x30]  }
0x24: {  	v13 =	vld [tilespmem:$0x40]  }
0x25: {  	v15 =	vld [tilespmem:$0x50];
	v14 =	vadd.s32 v0, v9  }
0x26: {  	v16 =	vld [tilespmem:$0x60];
	v10 =	vadd.s32 v0, v10;
	[tilespmem:$0x0] =	vst v14;
	v14 =	vshll.u32 v14, $0x1  }
0x27: {  	v9 =	vand.u32 $0x7, v9;
	[tilespmem:$0x10] =	vst v10;
	v10 =	vadd.s32 v0, v11;
	v11 =	vld [tilespmem:$0x70];
	v14 =	vand.u32 $0xFFFFFFF0, v14  }
0x28: {  	v62 =	vld [tilespmem:$0x80];
	[tilespmem:$0x20] =	vst v10;
	v10 =	vadd.s32 v0, v12;
	v9 =	vor.u32 v9, v14  }
0x29: {  	v63 =	vld [tilespmem:$0x90];
	[tilespmem:$0x30] =	vst v10;
	v10 =	vadd.s32 v0, v13;
	v14 =	vperm.xlane v9, v1  }
0x2a: {  	[tilespmem:$0x40] =	vst v10;
	v10 =	vadd.s32 v0, v15  }
0x2b: {  	v9 =	vperm.xlane v9, v3;
	[tilespmem:$0x50] =	vst v10;
	v10 =	vadd.s32 v0, v16;
	v14 =	vadd.s32 v2, v14  }
0x2c: {  	[tilespmem:$0x60] =	vst v10;
	v10 =	vadd.s32 v0, v11  }
0x2d: {  	v9 =	vadd.s32 v2, v9;
	[tilespmem:$0x70] =	vst v10;
	v10 =	vadd.s32 v0, v62  }
0x2e: {  	[tilespmem:$0x80] =	vst v10;
	v10 =	vadd.s32 v0, v63  }
0x2f: {  	s31 =	simm.s32 $0x200;
	[tilespmem:$0x90] =	vst v10  }
0x30: {  	[tilespmem:s31], [sflag:$0x3] =	stream.indirect_vreg.gather [hbm4b:s5+s3], $0x80, v14, vm0, $0xb8;
	[tilespmem:$0x18280] =	vst v63  }
0x31: {  	s24 =	simm.s32 $0xA00  }
0x32: {  	[tilespmem:s24], [sflag:$0x3] =	stream.indirect_vreg.gather [hbm4b:s5+s3], $0x80, v9, vm0, $0xb8;
	[tilespmem:$0x18280] =	vst v63  }
0x33: {  	v9 =	vld [tilespmem:$0x10];
	_ =	sdelay $0x4  }
0x34: {  	v10 =	vshll.u32 v9, $0x1  }
0x35: {  	v9 =	vand.u32 $0x7, v9;
	v10 =	vand.u32 $0xFFFFFFF0, v10  }
0x36: {  	v9 =	vor.u32 v9, v10  }
0x37: {  	v10 =	vperm.xlane v9, v1;
	_ =	sdelay $0x1  }
0x38: {  	v9 =	vperm.xlane v9, v3;
	v10 =	vadd.s32 v2, v10;
	_ =	sdelay $0x1  }
0x39: {  	v9 =	vadd.s32 v2, v9;
	_ =	sdelay $0x1  }
0x3a: {  	s25 =	simm.s32 $0x1200  }
0x3b: {  	[tilespmem:s25], [sflag:$0x3] =	stream.indirect_vreg.gather [hbm4b:s5+s3], $0x80, v10, vm0, $0xb8;
	[tilespmem:$0x18280] =	vst v63  }
0x3c: {  	s26 =	simm.s32 $0x1A00  }
0x3d: {  	[tilespmem:s26], [sflag:$0x3] =	stream.indirect_vreg.gather [hbm4b:s5+s3], $0x80, v9, vm0, $0xb8;
	[tilespmem:$0x18280] =	vst v63  }
0x3e: {  	v9 =	vld [tilespmem:$0x20];
	_ =	sdelay $0x4  }
0x3f: {  	v10 =	vshll.u32 v9, $0x1  }
0x40: {  	v9 =	vand.u32 $0x7, v9;
	v10 =	vand.u32 $0xFFFFFFF0, v10  }
0x41: {  	v9 =	vor.u32 v9, v10  }
0x42: {  	v10 =	vperm.xlane v9, v1;
	_ =	sdelay $0x1  }
0x43: {  	v9 =	vperm.xlane v9, v3;
	v10 =	vadd.s32 v2, v10;
	_ =	sdelay $0x1  }
0x44: {  	v9 =	vadd.s32 v2, v9;
	_ =	sdelay $0x1  }
0x45: {  	s28 =	simm.s32 $0x2200  }
0x46: {  	[tilespmem:s28], [sflag:$0x3] =	stream.indirect_vreg.gather [hbm4b:s5+s3], $0x80, v10, vm0, $0xb8;
	[tilespmem:$0x18280] =	vst v63  }
0x47: {  	s29 =	simm.s32 $0x2A00  }
0x48: {  	[tilespmem:s29], [sflag:$0x3] =	stream.indirect_vreg.gather [hbm4b:s5+s3], $0x80, v9, vm0, $0xb8;
	[tilespmem:$0x18280] =	vst v63  }
0x49: {  	v9 =	vld [tilespmem:$0x30];
	_ =	sdelay $0x4  }
0x4a: {  	v10 =	vshll.u32 v9, $0x1  }
0x4b: {  	v9 =	vand.u32 $0x7, v9;
	v10 =	vand.u32 $0xFFFFFFF0, v10  }
0x4c: {  	v9 =	vor.u32 v9, v10  }
0x4d: {  	v10 =	vperm.xlane v9, v1;
	_ =	sdelay $0x1  }
0x4e: {  	v9 =	vperm.xlane v9, v3;
	v10 =	vadd.s32 v2, v10;
	_ =	sdelay $0x1  }
0x4f: {  	v9 =	vadd.s32 v2, v9;
	_ =	sdelay $0x1  }
0x50: {  	s30 =	simm.s32 $0x3200  }
0x51: {  	[tilespmem:s30], [sflag:$0x3] =	stream.indirect_vreg.gather [hbm4b:s5+s3], $0x80, v10, vm0, $0xb8;
	[tilespmem:$0x18280] =	vst v63  }
0x52: {  	s31 =	simm.s32 $0x3A00  }
0x53: {  	[tilespmem:s31], [sflag:$0x3] =	stream.indirect_vreg.gather [hbm4b:s5+s3], $0x80, v9, vm0, $0xb8;
	[tilespmem:$0x18280] =	vst v63  }
0x54: {  	v9 =	vld [tilespmem:$0x40];
	_ =	sdelay $0x4  }
0x55: {  	v10 =	vshll.u32 v9, $0x1  }
0x56: {  	v9 =	vand.u32 $0x7, v9;
	v10 =	vand.u32 $0xFFFFFFF0, v10  }
0x57: {  	v9 =	vor.u32 v9, v10  }
0x58: {  	v10 =	vperm.xlane v9, v1;
	_ =	sdelay $0x1  }
0x59: {  	v9 =	vperm.xlane v9, v3;
	v10 =	vadd.s32 v2, v10;
	_ =	sdelay $0x1  }
0x5a: {  	v9 =	vadd.s32 v2, v9;
	_ =	sdelay $0x1  }
0x5b: {  	s24 =	simm.s32 $0x4200  }
0x5c: {  	[tilespmem:s24], [sflag:$0x3] =	stream.indirect_vreg.gather [hbm4b:s5+s3], $0x80, v10, vm0, $0xb8;
	[tilespmem:$0x18280] =	vst v63  }
0x5d: {  	s25 =	simm.s32 $0x4A00  }
0x5e: {  	[tilespmem:s25], [sflag:$0x3] =	stream.indirect_vreg.gather [hbm4b:s5+s3], $0x80, v9, vm0, $0xb8;
	[tilespmem:$0x18280] =	vst v63  }
0x5f: {  	v9 =	vld [tilespmem:$0x50];
	_ =	sdelay $0x4  }
0x60: {  	v10 =	vshll.u32 v9, $0x1  }
0x61: {  	v9 =	vand.u32 $0x7, v9;
	v10 =	vand.u32 $0xFFFFFFF0, v10  }
0x62: {  	v9 =	vor.u32 v9, v10  }
0x63: {  	v10 =	vperm.xlane v9, v1;
	_ =	sdelay $0x1  }
0x64: {  	v9 =	vperm.xlane v9, v3;
	v10 =	vadd.s32 v2, v10;
	_ =	sdelay $0x1  }
0x65: {  	v9 =	vadd.s32 v2, v9;
	_ =	sdelay $0x1  }
0x66: {  	s26 =	simm.s32 $0x5200  }
0x67: {  	[tilespmem:s26], [sflag:$0x3] =	stream.indirect_vreg.gather [hbm4b:s5+s3], $0x80, v10, vm0, $0xb8;
	[tilespmem:$0x18280] =	vst v63  }
0x68: {  	s28 =	simm.s32 $0x5A00  }
0x69: {  	[tilespmem:s28], [sflag:$0x3] =	stream.indirect_vreg.gather [hbm4b:s5+s3], $0x80, v9, vm0, $0xb8;
	[tilespmem:$0x18280] =	vst v63  }
0x6a: {  	v9 =	vld [tilespmem:$0x60];
	_ =	sdelay $0x4  }
0x6b: {  	v10 =	vshll.u32 v9, $0x1  }
0x6c: {  	v9 =	vand.u32 $0x7, v9;
	v10 =	vand.u32 $0xFFFFFFF0, v10  }
0x6d: {  	v9 =	vor.u32 v9, v10  }
0x6e: {  	v10 =	vperm.xlane v9, v1;
	_ =	sdelay $0x1  }
0x6f: {  	v9 =	vperm.xlane v9, v3;
	v10 =	vadd.s32 v2, v10;
	_ =	sdelay $0x1  }
0x70: {  	v9 =	vadd.s32 v2, v9;
	_ =	sdelay $0x1  }
0x71: {  	s29 =	simm.s32 $0x6200  }
0x72: {  	[tilespmem:s29], [sflag:$0x3] =	stream.indirect_vreg.gather [hbm4b:s5+s3], $0x80, v10, vm0, $0xb8;
	[tilespmem:$0x18280] =	vst v63  }
0x73: {  	s30 =	simm.s32 $0x6A00  }
0x74: {  	[tilespmem:s30], [sflag:$0x3] =	stream.indirect_vreg.gather [hbm4b:s5+s3], $0x80, v9, vm0, $0xb8;
	[tilespmem:$0x18280] =	vst v63  }
0x75: {  	v9 =	vld [tilespmem:$0x70];
	_ =	sdelay $0x4  }
0x76: {  	v10 =	vshll.u32 v9, $0x1  }
0x77: {  	v9 =	vand.u32 $0x7, v9;
	v10 =	vand.u32 $0xFFFFFFF0, v10  }
0x78: {  	v9 =	vor.u32 v9, v10  }
0x79: {  	v10 =	vperm.xlane v9, v1;
	_ =	sdelay $0x1  }
0x7a: {  	v9 =	vperm.xlane v9, v3;
	v10 =	vadd.s32 v2, v10;
	_ =	sdelay $0x1  }
0x7b: {  	v9 =	vadd.s32 v2, v9;
	_ =	sdelay $0x1  }
0x7c: {  	s31 =	simm.s32 $0x7200  }
0x7d: {  	[tilespmem:s31], [sflag:$0x3] =	stream.indirect_vreg.gather [hbm4b:s5+s3], $0x80, v10, vm0, $0xb8;
	[tilespmem:$0x18280] =	vst v63  }
0x7e: {  	s24 =	simm.s32 $0x7A00  }
0x7f: {  	[tilespmem:s24], [sflag:$0x3] =	stream.indirect_vreg.gather [hbm4b:s5+s3], $0x80, v9, vm0, $0xb8;
	[tilespmem:$0x18280] =	vst v63  }
0x80: {  	v9 =	vld [tilespmem:$0x80];
	_ =	sdelay $0x4  }
0x81: {  	v10 =	vshll.u32 v9, $0x1  }
0x82: {  	v9 =	vand.u32 $0x7, v9;
	v10 =	vand.u32 $0xFFFFFFF0, v10  }
0x83: {  	v9 =	vor.u32 v9, v10  }
0x84: {  	v10 =	vperm.xlane v9, v1;
	_ =	sdelay $0x1  }
0x85: {  	v9 =	vperm.xlane v9, v3;
	v10 =	vadd.s32 v2, v10;
	_ =	sdelay $0x1  }
0x86: {  	v9 =	vadd.s32 v2, v9;
	_ =	sdelay $0x1  }
0x87: {  	s25 =	simm.s32 $0x8200  }
0x88: {  	[tilespmem:s25], [sflag:$0x3] =	stream.indirect_vreg.gather [hbm4b:s5+s3], $0x80, v10, vm0, $0xb8;
	[tilespmem:$0x18280] =	vst v63  }
0x89: {  	s26 =	simm.s32 $0x8A00  }
0x8a: {  	[tilespmem:s26], [sflag:$0x3] =	stream.indirect_vreg.gather [hbm4b:s5+s3], $0x80, v9, vm0, $0xb8;
	[tilespmem:$0x18280] =	vst v63  }
0x8b: {  	v9 =	vld [tilespmem:$0x90];
	_ =	sdelay $0x4  }
0x8c: {  	v10 =	vshll.u32 v9, $0x1  }
0x8d: {  	v9 =	vand.u32 $0x7, v9;
	v10 =	vand.u32 $0xFFFFFFF0, v10  }
0x8e: {  	v9 =	vor.u32 v9, v10  }
0x8f: {  	v10 =	vperm.xlane v9, v1;
	_ =	sdelay $0x1  }
0x90: {  	v9 =	vperm.xlane v9, v3;
	v10 =	vadd.s32 v2, v10;
	_ =	sdelay $0x1  }
0x91: {  	v9 =	vadd.s32 v2, v9;
	_ =	sdelay $0x1  }
0x92: {  	s28 =	simm.s32 $0x9200  }
0x93: {  	[tilespmem:s28], [sflag:$0x3] =	stream.indirect_vreg.gather [hbm4b:s5+s3], $0x80, v10, vm0, $0xb8;
	[tilespmem:$0x18280] =	vst v63  }
0x94: {  	s29 =	simm.s32 $0x9A00  }
0x95: {  	[tilespmem:s29], [sflag:$0x3] =	stream.indirect_vreg.gather [hbm4b:s5+s3], $0x80, v9, vm0, $0xb8;
	[tilespmem:$0x18280] =	vst v63  }
0x96: {  	s23 =	simm.s32 $0x0;
	s30 =	rddreg [dreg:$0x4];
	s31 =	simm.s32 $0x100  }
0x97: {  	[tilespmem:s31], [sflag:$0x2] =	stream.linear.gather [hbm4b:s30+s3], $0xA0, $0x38;
	[tilespmem:$0x18280] =	vst v63  }
.LBB2_2:
0x98: {  	_ =	swait.ge [sflag:s18], $0x5000  }
0x99: {  	[sflag:s18] =	ssyncset.done $0x0  }
0x9a: {  	[sflag:s18] =	ssyncadd.s32 $0xFFFFB000  }
0x9b: {  	_ =	swait.ge [sflag:s18], $0x5000  }
0x9c: {  	[sflag:s18] =	ssyncset.done $0x0  }
0x9d: {  	[sflag:s18] =	ssyncadd.s32 $0xFFFFB000  }
0x9e: {  	_ =	swait.ge [sflag:s19], $0xA0  }
0x9f: {  	s24 =	sshll.u32 s23, $0x6;
	[sflag:s19] =	ssyncset.done $0x0  }
0xa0: {  	s25 =	sadd.s32 s4, s24;
	[sflag:s19] =	ssyncadd.s32 $0xFFFFFF60  }
0xa1: {  	s25 =	smulhi.u32 $0x5397829D, s25;
	v9 =	vld [tilespmem:$0x100]  }
0xa2: {  	v10 =	vld [tilespmem:$0x110]  }
0xa3: {  	s25 =	sshrl.u32 s25, $0xF;
	v11 =	vld [tilespmem:$0x120]  }
0xa4: {  	s25 =	smul.u32 $0x186A0, s25;
	v12 =	vld [tilespmem:$0x130]  }
0xa5: {  	v13 =	vld [tilespmem:$0x140]  }
0xa6: {  	v15 =	vld [tilespmem:$0x150];
	v14 =	vadd.s32 s25, v9  }
0xa7: {  	v16 =	vld [tilespmem:$0x160];
	v10 =	vadd.s32 s25, v10;
	[tilespmem:$0x100] =	vst v14;
	v14 =	vshll.u32 v14, $0x1  }
0xa8: {  	v9 =	vand.u32 $0x7, v9;
	[tilespmem:$0x110] =	vst v10;
	v10 =	vadd.s32 s25, v11;
	v11 =	vld [tilespmem:$0x170];
	v14 =	vand.u32 $0xFFFFFFF0, v14  }
0xa9: {  	v62 =	vld [tilespmem:$0x180];
	[tilespmem:$0x120] =	vst v10;
	v10 =	vadd.s32 s25, v12;
	v9 =	vor.u32 v9, v14  }
0xaa: {  	v63 =	vld [tilespmem:$0x190];
	[tilespmem:$0x130] =	vst v10;
	v10 =	vadd.s32 s25, v13;
	v14 =	vperm.xlane v9, v1  }
0xab: {  	[tilespmem:$0x140] =	vst v10;
	v10 =	vadd.s32 s25, v15  }
0xac: {  	v9 =	vperm.xlane v9, v3;
	[tilespmem:$0x150] =	vst v10;
	v10 =	vadd.s32 s25, v16;
	v14 =	vadd.s32 v2, v14  }
0xad: {  	[tilespmem:$0x160] =	vst v10;
	v10 =	vadd.s32 s25, v11  }
0xae: {  	v9 =	vadd.s32 v2, v9;
	[tilespmem:$0x170] =	vst v10;
	v10 =	vadd.s32 s25, v62  }
0xaf: {  	[tilespmem:$0x180] =	vst v10;
	v10 =	vadd.s32 s25, v63  }
0xb0: {  	s30 =	simm.s32 $0xA200;
	[tilespmem:$0x190] =	vst v10  }
0xb1: {  	[tilespmem:s30], [sflag:$0x4] =	stream.indirect_vreg.gather [hbm4b:s5+s3], $0x80, v14, vm0, $0xb8;
	[tilespmem:$0x18280] =	vst v63  }
0xb2: {  	s31 =	simm.s32 $0xAA00  }
0xb3: {  	[tilespmem:s31], [sflag:$0x4] =	stream.indirect_vreg.gather [hbm4b:s5+s3], $0x80, v9, vm0, $0xb8;
	[tilespmem:$0x18280] =	vst v63  }
0xb4: {  	v9 =	vld [tilespmem:$0x110];
	_ =	sdelay $0x4  }
0xb5: {  	v10 =	vshll.u32 v9, $0x1  }
0xb6: {  	v9 =	vand.u32 $0x7, v9;
	v10 =	vand.u32 $0xFFFFFFF0, v10  }
0xb7: {  	v9 =	vor.u32 v9, v10  }
0xb8: {  	v10 =	vperm.xlane v9, v1;
	_ =	sdelay $0x1  }
0xb9: {  	v9 =	vperm.xlane v9, v3;
	v10 =	vadd.s32 v2, v10;
	_ =	sdelay $0x1  }
0xba: {  	v9 =	vadd.s32 v2, v9;
	_ =	sdelay $0x1  }
0xbb: {  	s26 =	simm.s32 $0xB200  }
0xbc: {  	[tilespmem:s26], [sflag:$0x4] =	stream.indirect_vreg.gather [hbm4b:s5+s3], $0x80, v10, vm0, $0xb8;
	[tilespmem:$0x18280] =	vst v63  }
0xbd: {  	s28 =	simm.s32 $0xBA00  }
0xbe: {  	[tilespmem:s28], [sflag:$0x4] =	stream.indirect_vreg.gather [hbm4b:s5+s3], $0x80, v9, vm0, $0xb8;
	[tilespmem:$0x18280] =	vst v63  }
0xbf: {  	v9 =	vld [tilespmem:$0x120];
	_ =	sdelay $0x4  }
0xc0: {  	v10 =	vshll.u32 v9, $0x1  }
0xc1: {  	v9 =	vand.u32 $0x7, v9;
	v10 =	vand.u32 $0xFFFFFFF0, v10  }
0xc2: {  	v9 =	vor.u32 v9, v10  }
0xc3: {  	v10 =	vperm.xlane v9, v1;
	_ =	sdelay $0x1  }
0xc4: {  	v9 =	vperm.xlane v9, v3;
	v10 =	vadd.s32 v2, v10;
	_ =	sdelay $0x1  }
0xc5: {  	v9 =	vadd.s32 v2, v9;
	_ =	sdelay $0x1  }
0xc6: {  	s29 =	simm.s32 $0xC200  }
0xc7: {  	[tilespmem:s29], [sflag:$0x4] =	stream.indirect_vreg.gather [hbm4b:s5+s3], $0x80, v10, vm0, $0xb8;
	[tilespmem:$0x18280] =	vst v63  }
0xc8: {  	s30 =	simm.s32 $0xCA00  }
0xc9: {  	[tilespmem:s30], [sflag:$0x4] =	stream.indirect_vreg.gather [hbm4b:s5+s3], $0x80, v9, vm0, $0xb8;
	[tilespmem:$0x18280] =	vst v63  }
0xca: {  	v9 =	vld [tilespmem:$0x130];
	_ =	sdelay $0x4  }
0xcb: {  	v10 =	vshll.u32 v9, $0x1  }
0xcc: {  	v9 =	vand.u32 $0x7, v9;
	v10 =	vand.u32 $0xFFFFFFF0, v10  }
0xcd: {  	v9 =	vor.u32 v9, v10  }
0xce: {  	v10 =	vperm.xlane v9, v1;
	_ =	sdelay $0x1  }
0xcf: {  	v9 =	vperm.xlane v9, v3;
	v10 =	vadd.s32 v2, v10;
	_ =	sdelay $0x1  }
0xd0: {  	v9 =	vadd.s32 v2, v9;
	_ =	sdelay $0x1  }
0xd1: {  	s31 =	simm.s32 $0xD200  }
0xd2: {  	[tilespmem:s31], [sflag:$0x4] =	stream.indirect_vreg.gather [hbm4b:s5+s3], $0x80, v10, vm0, $0xb8;
	[tilespmem:$0x18280] =	vst v63  }
0xd3: {  	s26 =	simm.s32 $0xDA00  }
0xd4: {  	[tilespmem:s26], [sflag:$0x4] =	stream.indirect_vreg.gather [hbm4b:s5+s3], $0x80, v9, vm0, $0xb8;
	[tilespmem:$0x18280] =	vst v63  }
0xd5: {  	v9 =	vld [tilespmem:$0x140];
	_ =	sdelay $0x4  }
0xd6: {  	v10 =	vshll.u32 v9, $0x1  }
0xd7: {  	v9 =	vand.u32 $0x7, v9;
	v10 =	vand.u32 $0xFFFFFFF0, v10  }
0xd8: {  	v9 =	vor.u32 v9, v10  }
0xd9: {  	v10 =	vperm.xlane v9, v1;
	_ =	sdelay $0x1  }
0xda: {  	v9 =	vperm.xlane v9, v3;
	v10 =	vadd.s32 v2, v10;
	_ =	sdelay $0x1  }
0xdb: {  	v9 =	vadd.s32 v2, v9;
	_ =	sdelay $0x1  }
0xdc: {  	s28 =	simm.s32 $0xE200  }
0xdd: {  	[tilespmem:s28], [sflag:$0x4] =	stream.indirect_vreg.gather [hbm4b:s5+s3], $0x80, v10, vm0, $0xb8;
	[tilespmem:$0x18280] =	vst v63  }
0xde: {  	s29 =	simm.s32 $0xEA00  }
0xdf: {  	[tilespmem:s29], [sflag:$0x4] =	stream.indirect_vreg.gather [hbm4b:s5+s3], $0x80, v9, vm0, $0xb8;
	[tilespmem:$0x18280] =	vst v63  }
0xe0: {  	v9 =	vld [tilespmem:$0x150];
	_ =	sdelay $0x4  }
0xe1: {  	v10 =	vshll.u32 v9, $0x1  }
0xe2: {  	v9 =	vand.u32 $0x7, v9;
	v10 =	vand.u32 $0xFFFFFFF0, v10  }
0xe3: {  	v9 =	vor.u32 v9, v10  }
0xe4: {  	v10 =	vperm.xlane v9, v1;
	_ =	sdelay $0x1  }
0xe5: {  	v9 =	vperm.xlane v9, v3;
	v10 =	vadd.s32 v2, v10;
	_ =	sdelay $0x1  }
0xe6: {  	v9 =	vadd.s32 v2, v9;
	_ =	sdelay $0x1  }
0xe7: {  	s30 =	simm.s32 $0xF200  }
0xe8: {  	[tilespmem:s30], [sflag:$0x4] =	stream.indirect_vreg.gather [hbm4b:s5+s3], $0x80, v10, vm0, $0xb8;
	[tilespmem:$0x18280] =	vst v63  }
0xe9: {  	_ = 	snop  }
0xea: {  	[tilespmem:s1], [sflag:$0x4] =	stream.indirect_vreg.gather [hbm4b:s5+s3], $0x80, v9, vm0, $0xb8;
	[tilespmem:$0x18280] =	vst v63  }
0xeb: {  	v9 =	vld [tilespmem:$0x160];
	_ =	sdelay $0x4  }
0xec: {  	v10 =	vshll.u32 v9, $0x1  }
0xed: {  	v9 =	vand.u32 $0x7, v9;
	v10 =	vand.u32 $0xFFFFFFF0, v10  }
0xee: {  	v9 =	vor.u32 v9, v10  }
0xef: {  	v10 =	vperm.xlane v9, v1;
	_ =	sdelay $0x1  }
0xf0: {  	v9 =	vperm.xlane v9, v3;
	v10 =	vadd.s32 v2, v10;
	_ =	sdelay $0x1  }
0xf1: {  	v9 =	vadd.s32 v2, v9;
	_ =	sdelay $0x2  }
0xf2: {  	[tilespmem:s0], [sflag:$0x4] =	stream.indirect_vreg.gather [hbm4b:s5+s3], $0x80, v10, vm0, $0xb8;
	[tilespmem:$0x18280] =	vst v63  }
0xf3: {  	_ = 	snop  }
0xf4: {  	[tilespmem:s2], [sflag:$0x4] =	stream.indirect_vreg.gather [hbm4b:s5+s3], $0x80, v9, vm0, $0xb8;
	[tilespmem:$0x18280] =	vst v63  }
0xf5: {  	v9 =	vld [tilespmem:$0x170];
	_ =	sdelay $0x4  }
0xf6: {  	v10 =	vshll.u32 v9, $0x1  }
0xf7: {  	v9 =	vand.u32 $0x7, v9;
	v10 =	vand.u32 $0xFFFFFFF0, v10  }
0xf8: {  	v9 =	vor.u32 v9, v10  }
0xf9: {  	v10 =	vperm.xlane v9, v1;
	_ =	sdelay $0x1  }
0xfa: {  	v9 =	vperm.xlane v9, v3;
	v10 =	vadd.s32 v2, v10;
	_ =	sdelay $0x1  }
0xfb: {  	v9 =	vadd.s32 v2, v9;
	_ =	sdelay $0x2  }
0xfc: {  	[tilespmem:s13], [sflag:$0x4] =	stream.indirect_vreg.gather [hbm4b:s5+s3], $0x80, v10, vm0, $0xb8;
	[tilespmem:$0x18280] =	vst v63  }
0xfd: {  	_ = 	snop  }
0xfe: {  	[tilespmem:s16], [sflag:$0x4] =	stream.indirect_vreg.gather [hbm4b:s5+s3], $0x80, v9, vm0, $0xb8;
	[tilespmem:$0x18280] =	vst v63  }
0xff: {  	v9 =	vld [tilespmem:$0x180];
	_ =	sdelay $0x4  }
0x100: {  	v10 =	vshll.u32 v9, $0x1  }
0x101: {  	v9 =	vand.u32 $0x7, v9;
	v10 =	vand.u32 $0xFFFFFFF0, v10  }
0x102: {  	v9 =	vor.u32 v9, v10  }
0x103: {  	v10 =	vperm.xlane v9, v1;
	_ =	sdelay $0x1  }
0x104: {  	v9 =	vperm.xlane v9, v3;
	v10 =	vadd.s32 v2, v10;
	_ =	sdelay $0x1  }
0x105: {  	v9 =	vadd.s32 v2, v9;
	_ =	sdelay $0x2  }
0x106: {  	[tilespmem:s17], [sflag:$0x4] =	stream.indirect_vreg.gather [hbm4b:s5+s3], $0x80, v10, vm0, $0xb8;
	[tilespmem:$0x18280] =	vst v63  }
0x107: {  	_ = 	snop  }
0x108: {  	[tilespmem:s8], [sflag:$0x4] =	stream.indirect_vreg.gather [hbm4b:s5+s3], $0x80, v9, vm0, $0xb8;
	[tilespmem:$0x18280] =	vst v63  }
0x109: {  	v9 =	vld [tilespmem:$0x190];
	_ =	sdelay $0x4  }
0x10a: {  	v10 =	vshll.u32 v9, $0x1  }
0x10b: {  	v9 =	vand.u32 $0x7, v9;
	v10 =	vand.u32 $0xFFFFFFF0, v10  }
0x10c: {  	v9 =	vor.u32 v9, v10  }
0x10d: {  	v10 =	vperm.xlane v9, v1;
	_ =	sdelay $0x1  }
0x10e: {  	s31 =	sshll.u32 s23, $0x1;
	v10 =	vadd.s32 v2, v10  }
0x10f: {  	p0 =	seq.s32 s23, $0x92;
	s25 =	sadd.s32 $0x2, s31;
	v9 =	vperm.xlane v9, v3  }
0x110: {  	s25 =	sshll.u32 @!p0 s25, $0x5  }
0x111: {  	p1 =	seq.s32 @!p0 s23, $0x0;
	s26 =	sadd.s32 @!p0 s4, s25;
	v9 =	vadd.s32 v2, v9  }
0x112: {  	p1 =	por p0, !p1;
	s25 =	smul.u32 @!p0 $0x5, s26  }
0x113: {  	[tilespmem:s9], [sflag:$0x4] =	stream.indirect_vreg.gather [hbm4b:s5+s3], $0x80, v10, vm0, $0xb8;
	[tilespmem:$0x18280] =	vst v63  }
.Ltmp0:
0x114: {  	_ = 	snop;
	(pc) =	sbr.rel @!p1 .LBB2_3-.Ltmp0, $4  }
0x115: {  	s25 =	sshrl.u32 @!p0 s25, $0x3  }
0x116: {  	[tilespmem:s12], [sflag:$0x4] =	stream.indirect_vreg.gather [hbm4b:s5+s3], $0x80, v9, vm0, $0xb8;
	[tilespmem:$0x18280] =	vst v63  }
0x117: {  	s25 =	sadd.s32 @!p0 s6, s25;
	s28 =	simm.s32 @!p0 $0x0  }
0x118: {  	[tilespmem:s28], [sflag:$0x1] =	stream.linear.gather @!p0 [hbm4b:s25+s28], $0xA0, $0x38;
	[tilespmem:$0x18280] =	vst v63  }
.Ltmp1:
0x119: {  	(pc) =	sbr.rel .LBB2_5-.Ltmp1, $4  }
0x11a: {  	_ = 	snop  }
0x11b: {  	_ =	swait.ge [sflag:s21], $0x2000  }
0x11c: {  	[sflag:s21] =	ssyncset.done $0x0  }
0x11d: {  	p1 =	por $0x0, $0x0;
	[sflag:s21] =	ssyncadd.s32 $0xFFFFE000  }
.LBB2_3:
0x11e: {  	p1 =	por @!p0 $0x1, $0x1  }
.LBB2_5:
0x11f: {  	s25 =	simm.s32 $0x0  }
0x120: {  	s28 =	sand.u32 $0x1800, s25;
	s25 =	sand.u32 $0x380, s25  }
0x121: {  	s25 =	sor.u32 s25, s28  }
0x122: {  	v9 =	vld [tilespmem:s25+$0x670]  }
0x123: {  	v10 =	vld [tilespmem:s25+$0x2670]  }
0x124: {  	v11 =	vld [tilespmem:s25+$0x200]  }
0x125: {  	v12 =	vld [tilespmem:s25+$0x4670]  }
0x126: {  	v13 =	vld [tilespmem:s25+$0x2200]  }
0x127: {  	v14 =	vld [tilespmem:s25+$0x6670]  }
0x128: {  	v15 =	vld [tilespmem:s25+$0x210]  }
0x129: {  	v16 =	vld [tilespmem:s25+$0x8670]  }
0x12a: {  	v17 =	vld [tilespmem:s25+$0x2210]  }
0x12b: {  	v18 =	vld [tilespmem:s25+$0x2220]  }
0x12c: {  	v19 =	vld [tilespmem:s25+$0x2230]  }
0x12d: {  	v20 =	vld [tilespmem:s25+$0x2240]  }
0x12e: {  	v21 =	vld [tilespmem:s25+$0x2250]  }
0x12f: {  	v22 =	vld [tilespmem:s25+$0x2260]  }
0x130: {  	v23 =	vld [tilespmem:s25+$0x270]  }
0x131: {  	v24 =	vld [tilespmem:s25+$0x2270]  }
0x132: {  	v25 =	vld [tilespmem:s25+$0x600]  }
0x133: {  	v26 =	vld [tilespmem:s25+$0x2600]  }
0x134: {  	v27 =	vld [tilespmem:s25+$0x610]  }
0x135: {  	v28 =	vld [tilespmem:s25+$0x2610]  }
0x136: {  	v29 =	vld [tilespmem:s25+$0x620]  }
0x137: {  	v30 =	vld [tilespmem:s25+$0x2620]  }
0x138: {  	v31 =	vld [tilespmem:s25+$0x630]  }
0x139: {  	v32 =	vld [tilespmem:s25+$0x2630]  }
0x13a: {  	v33 =	vld [tilespmem:s25+$0x640]  }
0x13b: {  	v34 =	vld [tilespmem:s25+$0x2640]  }
0x13c: {  	v35 =	vld [tilespmem:s25+$0x650]  }
0x13d: {  	v36 =	vld [tilespmem:s25+$0x2650]  }
0x13e: {  	v37 =	vld [tilespmem:s25+$0x660]  }
0x13f: {  	v38 =	vld [tilespmem:s25+$0x2660]  }
0x140: {  	v39 =	vld [tilespmem:s25+$0x4200]  }
0x141: {  	v40 =	vld [tilespmem:s25+$0x4210]  }
0x142: {  	v41 =	vld [tilespmem:s25+$0x4220]  }
0x143: {  	v42 =	vld [tilespmem:s25+$0x4230];
	v9 =	vmul.f32 v9, v4;
	v10 =	vmul.f32 v10, v5  }
0x144: {  	v43 =	vld [tilespmem:s25+$0x4240];
	v11 =	vmul.f32 v11, v4;
	v13 =	vmul.f32 v13, v5  }
0x145: {  	v44 =	vld [tilespmem:s25+$0x4250];
	v15 =	vmul.f32 v15, v4;
	v17 =	vmul.f32 v17, v5  }
0x146: {  	v45 =	vld [tilespmem:s25+$0x4260];
	v18 =	vmul.f32 v18, v5;
	v61 =	vmul.f32 v29, v4  }
0x147: {  	v46 =	vld [tilespmem:s25+$0x4270];
	v62 =	vmul.f32 v31, v4;
	v63 =	vmul.f32 v33, v4  }
0x148: {  	v47 =	vld [tilespmem:s25+$0x4600];
	v51 =	vmul.f32 v35, v4;
	v52 =	vmul.f32 v36, v5  }
0x149: {  	v53 =	vmul.f32 v37, v4;
	v9 =	vadd.f32 v10, v9;
	v10 =	vmul.f32 v12, v6;
	v12 =	vld [tilespmem:s25+$0x220]  }
0x14a: {  	v11 =	vadd.f32 v13, v11;
	v13 =	vmul.f32 v19, v5;
	v19 =	vld [tilespmem:s25+$0x4640];
	v15 =	vadd.f32 v17, v15  }
0x14b: {  	v17 =	vmul.f32 v20, v5;
	v20 =	vld [tilespmem:s25+$0x4650];
	v9 =	vadd.f32 v10, v9;
	v10 =	vmul.f32 v14, v7  }
0x14c: {  	v54 =	vmul.f32 v38, v5;
	v55 =	vmul.f32 v39, v6;
	v14 =	vld [tilespmem:s25+$0x230]  }
0x14d: {  	v56 =	vmul.f32 v40, v6;
	v9 =	vadd.f32 v10, v9;
	v10 =	vmul.f32 v16, v8;
	v16 =	vld [tilespmem:s25+$0x240]  }
0x14e: {  	v48 =	vld [tilespmem:s25+$0x4610];
	v57 =	vmul.f32 v41, v6;
	v12 =	vmul.f32 v12, v4  }
0x14f: {  	v58 =	vmul.f32 v42, v6;
	v59 =	vmul.f32 v43, v6;
	v9 =	vadd.f32 v10, v9;
	v10 =	vld [tilespmem:s25+$0x250]  }
0x150: {  	v60 =	vmul.f32 v44, v6;
	v12 =	vadd.f32 v18, v12;
	v18 =	vmul.f32 v21, v5;
	v21 =	vld [tilespmem:s25+$0x4660]  }
0x151: {  	v11 =	vadd.f32 v55, v11;
	v19 =	vmul.f32 v19, v6;
	v14 =	vmul.f32 v14, v4;
	[tilespmem:s25+$0x14670] =	vst v9;
	v9 =	vld [tilespmem:s25+$0x260]  }
0x152: {  	v49 =	vld [tilespmem:s25+$0x4620];
	v15 =	vadd.f32 v56, v15;
	v20 =	vmul.f32 v20, v6;
	v16 =	vmul.f32 v16, v4  }
0x153: {  	v50 =	vld [tilespmem:s25+$0x4630];
	v13 =	vadd.f32 v13, v14;
	v14 =	vmul.f32 v22, v5;
	v22 =	vmul.f32 v23, v4  }
0x154: {  	v23 =	vld [tilespmem:s25+$0x6200];
	v12 =	vadd.f32 v57, v12;
	v10 =	vmul.f32 v10, v4;
	v16 =	vadd.f32 v17, v16  }
0x155: {  	v29 =	vld [tilespmem:s25+$0x6230];
	v17 =	vmul.f32 v24, v5;
	v24 =	vmul.f32 v25, v4;
	v13 =	vadd.f32 v58, v13  }
0x156: {  	v31 =	vld [tilespmem:s25+$0x6240];
	v21 =	vmul.f32 v21, v6;
	v9 =	vmul.f32 v9, v4;
	v10 =	vadd.f32 v18, v10  }
0x157: {  	v33 =	vld [tilespmem:s25+$0x6250];
	v18 =	vmul.f32 v26, v5;
	v26 =	vmul.f32 v27, v4;
	v17 =	vadd.f32 v17, v22  }
0x158: {  	v35 =	vld [tilespmem:s25+$0x6260];
	v22 =	vmul.f32 v30, v5;
	v30 =	vadd.f32 v54, v53;
	v16 =	vadd.f32 v59, v16  }
0x159: {  	v25 =	vld [tilespmem:s25+$0x6210];
	v54 =	vmul.f32 v50, v6;
	v23 =	vmul.f32 v23, v7;
	v9 =	vadd.f32 v14, v9  }
0x15a: {  	v37 =	vld [tilespmem:s25+$0x6270];
	v14 =	vmul.f32 v28, v5;
	v18 =	vadd.f32 v18, v24;
	v24 =	vmul.f32 v32, v5  }
0x15b: {  	v27 =	vld [tilespmem:s25+$0x6220];
	v22 =	vadd.f32 v22, v61;
	v28 =	vadd.f32 v52, v51;
	v61 =	vmul.f32 v45, v6  }
0x15c: {  	v53 =	vld [tilespmem:s25+$0x8200];
	v10 =	vadd.f32 v60, v10;
	v51 =	vmul.f32 v48, v6;
	v52 =	vmul.f32 v49, v6  }
0x15d: {  	v39 =	vld [tilespmem:s25+$0x6600];
	v21 =	vadd.f32 v21, v30;
	v60 =	vmul.f32 v31, v7;
	v11 =	vadd.f32 v23, v11  }
0x15e: {  	v38 =	vld [tilespmem:s25+$0x6620];
	v25 =	vmul.f32 v25, v7;
	v14 =	vadd.f32 v14, v26;
	v24 =	vadd.f32 v24, v62  }
0x15f: {  	v55 =	vld [tilespmem:s25+$0x8210];
	v26 =	vmul.f32 v34, v5;
	v9 =	vadd.f32 v61, v9;
	v22 =	vadd.f32 v52, v22  }
0x160: {  	v41 =	vld [tilespmem:s25+$0x6630];
	v62 =	vmul.f32 v46, v6;
	v20 =	vadd.f32 v20, v28;
	v30 =	vadd.f32 v60, v16  }
0x161: {  	v56 =	vld [tilespmem:s25+$0x8220];
	v23 =	vmul.f32 v27, v7;
	v27 =	vmul.f32 v53, v8;
	v15 =	vadd.f32 v25, v15  }
0x162: {  	v43 =	vld [tilespmem:s25+$0x6640];
	v25 =	vmul.f32 v29, v7;
	v26 =	vadd.f32 v26, v63;
	v17 =	vadd.f32 v62, v17  }
0x163: {  	v34 =	vld [tilespmem:s25+$0x6610];
	v63 =	vmul.f32 v47, v6;
	v14 =	vadd.f32 v51, v14;
	v12 =	vadd.f32 v23, v12  }
0x164: {  	v23 =	vmul.f32 v55, v8;
	v11 =	vadd.f32 v27, v11;
	v19 =	vadd.f32 v19, v26;
	v26 =	vld [tilespmem:s25+$0x8230]  }
0x165: {  	v57 =	vld [tilespmem:s25+$0x8240];
	v24 =	vadd.f32 v54, v24;
	v13 =	vadd.f32 v25, v13;
	v25 =	vmul.f32 v33, v7  }
0x166: {  	v40 =	vld [tilespmem:s25+$0x6650];
	v15 =	vadd.f32 v23, v15;
	[tilespmem:s25+$0x14200] =	vst v11;
	v11 =	vmul.f32 v35, v7;
	v23 =	vmul.f32 v56, v8  }
0x167: {  	v58 =	vld [tilespmem:s25+$0x8250];
	v18 =	vadd.f32 v63, v18;
	v25 =	vadd.f32 v25, v10;
	v10 =	vmul.f32 v37, v7  }
0x168: {  	v42 =	vld [tilespmem:s25+$0x6660];
	v63 =	vadd.f32 v11, v9;
	v9 =	vadd.f32 v23, v12;
	v12 =	vmul.f32 v39, v7  }
0x169: {  	v59 =	vld [tilespmem:s25+$0x8260];
	[tilespmem:s25+$0x14210] =	vst v15;
	v23 =	vadd.f32 v10, v17;
	v10 =	vmul.f32 v34, v7;
	v11 =	vmul.f32 v26, v8  }
0x16a: {  	v27 =	vld [tilespmem:s25+$0x8270];
	[tilespmem:s25+$0x14220] =	vst v9;
	v9 =	vmul.f32 v38, v7;
	v26 =	vmul.f32 v57, v8;
	v15 =	vadd.f32 v12, v18  }
0x16b: {  	v61 =	vld [tilespmem:s25+$0x8600];
	v12 =	vmul.f32 v41, v7;
	v11 =	vadd.f32 v11, v13;
	v13 =	vadd.f32 v10, v14  }
0x16c: {  	v62 =	vld [tilespmem:s25+$0x8610];
	v10 =	vadd.f32 v9, v22;
	v9 =	vadd.f32 v26, v30;
	v14 =	vmul.f32 v58, v8  }
0x16d: {  	v16 =	vld [tilespmem:s25+$0x8620];
	v22 =	vmul.f32 v43, v7;
	[tilespmem:s25+$0x14230] =	vst v11;
	v11 =	vadd.f32 v12, v24;
	v12 =	vmul.f32 v40, v7  }
0x16e: {  	v17 =	vld [tilespmem:s25+$0x8630];
	v26 =	vmul.f32 v59, v8;
	v24 =	vmul.f32 v42, v7;
	v25 =	vadd.f32 v14, v25  }
0x16f: {  	s29 =	simm.s32 $0x100;
	s28 =	simm.s32 $0x80;
	v18 =	vld [tilespmem:s25+$0x8640];
	v14 =	vadd.f32 v22, v19;
	v12 =	vadd.f32 v12, v20;
	v20 =	vmul.f32 v27, v8  }
0x170: {  	s29 =	sand.u32 $0x1800, s29;
	s30 =	sand.u32 $0x380, s28;
	[tilespmem:s25+$0x14240] =	vst v9;
	v19 =	vld [tilespmem:s25+$0x8650];
	v22 =	vmul.f32 v61, v8;
	v9 =	vadd.f32 v24, v21;
	v21 =	vadd.f32 v26, v63  }
0x171: {  	s30 =	sor.u32 s30, s29;
	s29 =	simm.s32 $0x200;
	[tilespmem:s25+$0x14250] =	vst v25;
	v24 =	vadd.f32 v20, v23;
	v23 =	vmul.f32 v62, v8;
	v20 =	vld [tilespmem:s25+$0x8660]  }
.LBB2_6:
0x172: {  	p2 =	sne.s32 s29, $0x1F00;
	v25 =	vld [tilespmem:s30+$0x670];
	[tilespmem:s25+$0x14260] =	vst v21;
	v15 =	vadd.f32 v22, v15;
	v16 =	vmul.f32 v16, v8  }
0x173: {  	v21 =	vld [tilespmem:s30+$0x2670];
	[tilespmem:s25+$0x14270] =	vst v24;
	v13 =	vadd.f32 v23, v13;
	v17 =	vmul.f32 v17, v8  }
0x174: {  	v22 =	vld [tilespmem:s30+$0x200];
	[tilespmem:s25+$0x14600] =	vst v15;
	v10 =	vadd.f32 v16, v10;
	v15 =	vmul.f32 v18, v8  }
0x175: {  	v16 =	vld [tilespmem:s30+$0x4670];
	[tilespmem:s25+$0x14610] =	vst v13;
	v11 =	vadd.f32 v17, v11;
	v13 =	vmul.f32 v19, v8  }
0x176: {  	v17 =	vld [tilespmem:s30+$0x2200];
	[tilespmem:s25+$0x14620] =	vst v10;
	v10 =	vadd.f32 v15, v14;
	v14 =	vmul.f32 v20, v8  }
0x177: {  	v15 =	vld [tilespmem:s30+$0x6670];
	[tilespmem:s25+$0x14630] =	vst v11;
	v11 =	vadd.f32 v13, v12  }
0x178: {  	v13 =	vmul.f32 v25, v4;
	v12 =	vld [tilespmem:s30+$0x210];
	v18 =	vmul.f32 v21, v5;
	[tilespmem:s25+$0x14640] =	vst v10;
	v9 =	vadd.f32 v14, v9  }
0x179: {  	v10 =	vmul.f32 v22, v4;
	v14 =	vld [tilespmem:s30+$0x8670];
	[tilespmem:s25+$0x14650] =	vst v11  }
0x17a: {  	v11 =	vld [tilespmem:s30+$0x2210];
	v13 =	vadd.f32 v18, v13;
	v16 =	vmul.f32 v16, v6;
	[tilespmem:s25+$0x14660] =	vst v9;
	s25 =	smov.u32 s30  }
0x17b: {  	v9 =	vmul.f32 v17, v5;
	v17 =	vld [tilespmem:s25+$0x220]  }
0x17c: {  	v18 =	vld [tilespmem:s25+$0x2220];
	v13 =	vadd.f32 v16, v13;
	v15 =	vmul.f32 v15, v7  }
0x17d: {  	v9 =	vadd.f32 v9, v10;
	v10 =	vmul.f32 v12, v4;
	v12 =	vld [tilespmem:s25+$0x230]  }
0x17e: {  	v16 =	vld [tilespmem:s25+$0x2230];
	v13 =	vadd.f32 v15, v13;
	v14 =	vmul.f32 v14, v8  }
0x17f: {  	v11 =	vmul.f32 v11, v5;
	v15 =	vld [tilespmem:s25+$0x240]  }
0x180: {  	v17 =	vmul.f32 v17, v4;
	v19 =	vld [tilespmem:s25+$0x2240];
	v13 =	vadd.f32 v14, v13  }
0x181: {  	v10 =	vadd.f32 v11, v10;
	v11 =	vmul.f32 v18, v5;
	v14 =	vld [tilespmem:s25+$0x250]  }
0x182: {  	v12 =	vmul.f32 v12, v4;
	v18 =	vld [tilespmem:s25+$0x2250];
	[tilespmem:s25+$0x14670] =	vst v13  }
0x183: {  	v11 =	vadd.f32 v11, v17;
	v13 =	vmul.f32 v16, v5;
	v16 =	vld [tilespmem:s25+$0x260]  }
0x184: {  	v15 =	vmul.f32 v15, v4;
	v17 =	vld [tilespmem:s25+$0x2260]  }
0x185: {  	v12 =	vadd.f32 v13, v12;
	v13 =	vmul.f32 v19, v5;
	v19 =	vld [tilespmem:s25+$0x270]  }
0x186: {  	v14 =	vmul.f32 v14, v4;
	v20 =	vld [tilespmem:s25+$0x2270]  }
0x187: {  	v13 =	vadd.f32 v13, v15;
	v15 =	vmul.f32 v18, v5;
	v18 =	vld [tilespmem:s25+$0x600]  }
0x188: {  	v16 =	vmul.f32 v16, v4;
	v21 =	vld [tilespmem:s25+$0x2600]  }
0x189: {  	v14 =	vadd.f32 v15, v14;
	v15 =	vmul.f32 v17, v5;
	v17 =	vld [tilespmem:s25+$0x610]  }
0x18a: {  	v19 =	vmul.f32 v19, v4;
	v22 =	vld [tilespmem:s25+$0x2610]  }
0x18b: {  	v15 =	vadd.f32 v15, v16;
	v16 =	vmul.f32 v20, v5;
	v20 =	vld [tilespmem:s25+$0x620]  }
0x18c: {  	v18 =	vmul.f32 v18, v4;
	v23 =	vld [tilespmem:s25+$0x2620]  }
0x18d: {  	v16 =	vadd.f32 v16, v19;
	v19 =	vmul.f32 v21, v5;
	v21 =	vld [tilespmem:s25+$0x630]  }
0x18e: {  	v17 =	vmul.f32 v17, v4;
	v24 =	vld [tilespmem:s25+$0x2630]  }
0x18f: {  	v18 =	vadd.f32 v19, v18;
	v19 =	vmul.f32 v22, v5;
	v22 =	vld [tilespmem:s25+$0x640]  }
0x190: {  	v20 =	vmul.f32 v20, v4;
	v25 =	vld [tilespmem:s25+$0x2640]  }
0x191: {  	v17 =	vadd.f32 v19, v17;
	v19 =	vmul.f32 v23, v5;
	v23 =	vld [tilespmem:s25+$0x650]  }
0x192: {  	v21 =	vmul.f32 v21, v4;
	v26 =	vld [tilespmem:s25+$0x2650]  }
0x193: {  	v19 =	vadd.f32 v19, v20;
	v20 =	vmul.f32 v24, v5;
	v24 =	vld [tilespmem:s25+$0x660]  }
0x194: {  	v22 =	vmul.f32 v22, v4;
	v27 =	vld [tilespmem:s25+$0x2660]  }
0x195: {  	v28 =	vld [tilespmem:s25+$0x4200];
	v20 =	vadd.f32 v20, v21;
	v21 =	vmul.f32 v25, v5  }
0x196: {  	v25 =	vld [tilespmem:s25+$0x4210];
	v23 =	vmul.f32 v23, v4  }
0x197: {  	v29 =	vld [tilespmem:s25+$0x4220];
	v21 =	vadd.f32 v21, v22;
	v22 =	vmul.f32 v26, v5  }
0x198: {  	v26 =	vld [tilespmem:s25+$0x4230];
	v24 =	vmul.f32 v24, v4  }
0x199: {  	v30 =	vld [tilespmem:s25+$0x4240];
	v22 =	vadd.f32 v22, v23;
	v23 =	vmul.f32 v27, v5  }
0x19a: {  	v27 =	vmul.f32 v28, v6;
	v28 =	vld [tilespmem:s25+$0x4250]  }
0x19b: {  	v25 =	vmul.f32 v25, v6;
	v31 =	vld [tilespmem:s25+$0x4260];
	v23 =	vadd.f32 v23, v24  }
0x19c: {  	v9 =	vadd.f32 v27, v9;
	v24 =	vmul.f32 v29, v6;
	v27 =	vld [tilespmem:s25+$0x4270]  }
0x19d: {  	v10 =	vadd.f32 v25, v10;
	v25 =	vmul.f32 v26, v6;
	v26 =	vld [tilespmem:s25+$0x4600]  }
0x19e: {  	v11 =	vadd.f32 v24, v11;
	v24 =	vmul.f32 v30, v6;
	v29 =	vld [tilespmem:s25+$0x4610]  }
0x19f: {  	v12 =	vadd.f32 v25, v12;
	v25 =	vmul.f32 v28, v6;
	v28 =	vld [tilespmem:s25+$0x4620]  }
0x1a0: {  	v13 =	vadd.f32 v24, v13;
	v24 =	vmul.f32 v31, v6;
	v30 =	vld [tilespmem:s25+$0x4630]  }
0x1a1: {  	v14 =	vadd.f32 v25, v14;
	v25 =	vmul.f32 v27, v6;
	v27 =	vld [tilespmem:s25+$0x4640]  }
0x1a2: {  	v15 =	vadd.f32 v24, v15;
	v24 =	vmul.f32 v26, v6;
	v26 =	vld [tilespmem:s25+$0x4650]  }
0x1a3: {  	v16 =	vadd.f32 v25, v16;
	v25 =	vmul.f32 v29, v6;
	v29 =	vld [tilespmem:s25+$0x4660]  }
0x1a4: {  	v31 =	vld [tilespmem:s25+$0x6200];
	v18 =	vadd.f32 v24, v18;
	v24 =	vmul.f32 v28, v6  }
0x1a5: {  	v28 =	vld [tilespmem:s25+$0x6210];
	v17 =	vadd.f32 v25, v17;
	v25 =	vmul.f32 v30, v6  }
0x1a6: {  	v30 =	vld [tilespmem:s25+$0x6220];
	v19 =	vadd.f32 v24, v19;
	v24 =	vmul.f32 v27, v6  }
0x1a7: {  	v27 =	vld [tilespmem:s25+$0x6230];
	v20 =	vadd.f32 v25, v20;
	v25 =	vmul.f32 v26, v6  }
0x1a8: {  	v26 =	vld [tilespmem:s25+$0x6240];
	v21 =	vadd.f32 v24, v21;
	v24 =	vmul.f32 v29, v6  }
0x1a9: {  	v29 =	vmul.f32 v31, v7;
	v31 =	vld [tilespmem:s25+$0x6250];
	v22 =	vadd.f32 v25, v22  }
0x1aa: {  	v25 =	vmul.f32 v28, v7;
	v28 =	vld [tilespmem:s25+$0x6260];
	v23 =	vadd.f32 v24, v23  }
0x1ab: {  	v24 =	vadd.f32 v29, v9;
	v9 =	vmul.f32 v30, v7;
	v29 =	vld [tilespmem:s25+$0x6270]  }
0x1ac: {  	v25 =	vadd.f32 v25, v10;
	v10 =	vmul.f32 v27, v7;
	v27 =	vld [tilespmem:s25+$0x6600]  }
0x1ad: {  	v30 =	vadd.f32 v9, v11;
	v9 =	vmul.f32 v26, v7;
	v11 =	vld [tilespmem:s25+$0x6610]  }
0x1ae: {  	v26 =	vadd.f32 v10, v12;
	v10 =	vmul.f32 v31, v7;
	v12 =	vld [tilespmem:s25+$0x6620]  }
0x1af: {  	v31 =	vadd.f32 v9, v13;
	v9 =	vmul.f32 v28, v7;
	v28 =	vld [tilespmem:s25+$0x6630]  }
0x1b0: {  	v32 =	vadd.f32 v10, v14;
	v10 =	vmul.f32 v29, v7;
	v14 =	vld [tilespmem:s25+$0x6640]  }
0x1b1: {  	v29 =	vadd.f32 v9, v15;
	v9 =	vmul.f32 v27, v7;
	v27 =	vld [tilespmem:s25+$0x6650]  }
0x1b2: {  	v33 =	vadd.f32 v10, v16;
	v10 =	vmul.f32 v11, v7;
	v16 =	vld [tilespmem:s25+$0x6660]  }
0x1b3: {  	v34 =	vld [tilespmem:s25+$0x8200];
	v15 =	vadd.f32 v9, v18;
	v9 =	vmul.f32 v12, v7  }
0x1b4: {  	v18 =	vld [tilespmem:s25+$0x8210];
	v13 =	vadd.f32 v10, v17;
	v11 =	vmul.f32 v28, v7  }
0x1b5: {  	v17 =	vld [tilespmem:s25+$0x8220];
	v10 =	vadd.f32 v9, v19;
	v9 =	vmul.f32 v14, v7  }
0x1b6: {  	v19 =	vld [tilespmem:s25+$0x8230];
	v11 =	vadd.f32 v11, v20;
	v12 =	vmul.f32 v27, v7  }
0x1b7: {  	v20 =	vld [tilespmem:s25+$0x8240];
	v14 =	vadd.f32 v9, v21;
	v9 =	vmul.f32 v16, v7  }
0x1b8: {  	v16 =	vmul.f32 v34, v8;
	v21 =	vld [tilespmem:s25+$0x8250];
	v12 =	vadd.f32 v12, v22  }
0x1b9: {  	v18 =	vmul.f32 v18, v8;
	v22 =	vld [tilespmem:s25+$0x8260];
	v9 =	vadd.f32 v9, v23  }
0x1ba: {  	v16 =	vadd.f32 v16, v24;
	v17 =	vmul.f32 v17, v8;
	v23 =	vld [tilespmem:s25+$0x8270]  }
0x1bb: {  	v18 =	vadd.f32 v18, v25;
	v19 =	vmul.f32 v19, v8;
	v24 =	vld [tilespmem:s25+$0x8600]  }
0x1bc: {  	[tilespmem:s25+$0x14200] =	vst v16;
	v17 =	vadd.f32 v17, v30;
	v20 =	vmul.f32 v20, v8;
	v25 =	vld [tilespmem:s25+$0x8610]  }
.Ltmp2:
0x1bd: {  	[tilespmem:s25+$0x14210] =	vst v18;
	v18 =	vadd.f32 v19, v26;
	v19 =	vmul.f32 v21, v8;
	v16 =	vld [tilespmem:s25+$0x8620];
	(pc) =	sbr.rel @p2 .LBB2_6-.Ltmp2, $4  }
0x1be: {  	[tilespmem:s25+$0x14220] =	vst v17;
	v20 =	vadd.f32 v20, v31;
	v21 =	vmul.f32 v22, v8;
	v17 =	vld [tilespmem:s25+$0x8630]  }
0x1bf: {  	s28 =	sadd.s32 $0x80, s28;
	[tilespmem:s25+$0x14230] =	vst v18;
	v26 =	vadd.f32 v19, v32;
	v23 =	vmul.f32 v23, v8;
	v18 =	vld [tilespmem:s25+$0x8640]  }
0x1c0: {  	s31 =	sand.u32 $0x380, s28;
	s30 =	sand.u32 $0x1800, s29;
	[tilespmem:s25+$0x14240] =	vst v20;
	v21 =	vadd.f32 v21, v29;
	v22 =	vmul.f32 v24, v8;
	v19 =	vld [tilespmem:s25+$0x8650]  }
0x1c1: {  	s29 =	sadd.s32 $0x100, s29;
	s30 =	sor.u32 s31, s30;
	[tilespmem:s25+$0x14250] =	vst v26;
	v24 =	vadd.f32 v23, v33;
	v23 =	vmul.f32 v25, v8;
	v20 =	vld [tilespmem:s25+$0x8660]  }
0x1c2: {  	v25 =	vld [tilespmem:s30+$0x670];
	[tilespmem:s25+$0x14260] =	vst v21;
	v15 =	vadd.f32 v22, v15;
	v16 =	vmul.f32 v16, v8  }
0x1c3: {  	v21 =	vld [tilespmem:s30+$0x2670];
	[tilespmem:s25+$0x14270] =	vst v24;
	v13 =	vadd.f32 v23, v13;
	v17 =	vmul.f32 v17, v8  }
0x1c4: {  	v22 =	vld [tilespmem:s30+$0x200];
	[tilespmem:s25+$0x14600] =	vst v15;
	v10 =	vadd.f32 v16, v10;
	v16 =	vmul.f32 v18, v8  }
0x1c5: {  	v15 =	vld [tilespmem:s30+$0x4670];
	[tilespmem:s25+$0x14610] =	vst v13;
	v11 =	vadd.f32 v17, v11;
	v17 =	vmul.f32 v19, v8  }
0x1c6: {  	v13 =	vld [tilespmem:s30+$0x2200];
	[tilespmem:s25+$0x14620] =	vst v10;
	v14 =	vadd.f32 v16, v14;
	v16 =	vmul.f32 v20, v8  }
0x1c7: {  	v10 =	vld [tilespmem:s30+$0x6670];
	[tilespmem:s25+$0x14630] =	vst v11;
	v12 =	vadd.f32 v17, v12  }
0x1c8: {  	v11 =	vld [tilespmem:s30+$0x210];
	[tilespmem:s25+$0x14640] =	vst v14;
	v9 =	vadd.f32 v16, v9  }
0x1c9: {  	v16 =	vmul.f32 v21, v5;
	v14 =	vld [tilespmem:s30+$0x8670];
	[tilespmem:s25+$0x14650] =	vst v12;
	v12 =	vmul.f32 v25, v4  }
0x1ca: {  	v17 =	vld [tilespmem:s30+$0x2210];
	[tilespmem:s25+$0x14660] =	vst v9  }
0x1cb: {  	v9 =	vadd.f32 v16, v12;
	v12 =	vmul.f32 v15, v6;
	v15 =	vld [tilespmem:s30+$0x220]  }
0x1cc: {  	v16 =	vld [tilespmem:s30+$0x2220]  }
0x1cd: {  	v18 =	vld [tilespmem:s30+$0x2230]  }
0x1ce: {  	v19 =	vld [tilespmem:s30+$0x2240]  }
0x1cf: {  	v20 =	vld [tilespmem:s30+$0x2250]  }
0x1d0: {  	v21 =	vld [tilespmem:s30+$0x2260]  }
0x1d1: {  	v23 =	vld [tilespmem:s30+$0x270]  }
0x1d2: {  	v24 =	vld [tilespmem:s30+$0x2270]  }
0x1d3: {  	v25 =	vld [tilespmem:s30+$0x600]  }
0x1d4: {  	v26 =	vld [tilespmem:s30+$0x2600]  }
0x1d5: {  	v27 =	vld [tilespmem:s30+$0x610]  }
0x1d6: {  	v28 =	vld [tilespmem:s30+$0x2610]  }
0x1d7: {  	v29 =	vld [tilespmem:s30+$0x620]  }
0x1d8: {  	v30 =	vld [tilespmem:s30+$0x2620]  }
0x1d9: {  	v31 =	vld [tilespmem:s30+$0x630]  }
0x1da: {  	v32 =	vld [tilespmem:s30+$0x2630]  }
0x1db: {  	v33 =	vld [tilespmem:s30+$0x640]  }
0x1dc: {  	v34 =	vld [tilespmem:s30+$0x2640]  }
0x1dd: {  	v35 =	vld [tilespmem:s30+$0x650]  }
0x1de: {  	v36 =	vld [tilespmem:s30+$0x2650]  }
0x1df: {  	v37 =	vld [tilespmem:s30+$0x660]  }
0x1e0: {  	v38 =	vld [tilespmem:s30+$0x2660]  }
0x1e1: {  	v39 =	vld [tilespmem:s30+$0x4200]  }
0x1e2: {  	v40 =	vld [tilespmem:s30+$0x4210]  }
0x1e3: {  	v41 =	vld [tilespmem:s30+$0x4220]  }
0x1e4: {  	v42 =	vld [tilespmem:s30+$0x4230]  }
0x1e5: {  	v43 =	vld [tilespmem:s30+$0x4240]  }
0x1e6: {  	v44 =	vld [tilespmem:s30+$0x4250]  }
0x1e7: {  	v22 =	vmul.f32 v22, v4;
	v45 =	vld [tilespmem:s30+$0x4260];
	v10 =	vmul.f32 v10, v7;
	v9 =	vadd.f32 v12, v9  }
0x1e8: {  	v46 =	vld [tilespmem:s30+$0x4270];
	v13 =	vmul.f32 v13, v5;
	v11 =	vmul.f32 v11, v4  }
0x1e9: {  	v47 =	vld [tilespmem:s30+$0x4600];
	v9 =	vadd.f32 v10, v9;
	v10 =	vmul.f32 v14, v8;
	v17 =	vmul.f32 v17, v5  }
0x1ea: {  	v48 =	vld [tilespmem:s30+$0x4610];
	v15 =	vmul.f32 v15, v4;
	v16 =	vmul.f32 v16, v5  }
0x1eb: {  	v49 =	vld [tilespmem:s30+$0x4620];
	v18 =	vmul.f32 v18, v5;
	v57 =	vmul.f32 v29, v4  }
0x1ec: {  	v50 =	vld [tilespmem:s30+$0x4630];
	v58 =	vmul.f32 v31, v4;
	v59 =	vmul.f32 v33, v4  }
0x1ed: {  	v12 =	vld [tilespmem:s30+$0x230];
	v60 =	vmul.f32 v35, v4;
	v61 =	vmul.f32 v36, v5  }
0x1ee: {  	v13 =	vadd.f32 v13, v22;
	v22 =	vld [tilespmem:s30+$0x4660];
	v62 =	vmul.f32 v37, v4;
	v63 =	vmul.f32 v38, v5  }
0x1ef: {  	v14 =	vld [tilespmem:s30+$0x240];
	v53 =	vmul.f32 v39, v6;
	v54 =	vmul.f32 v40, v6  }
0x1f0: {  	v55 =	vmul.f32 v41, v6;
	v56 =	vmul.f32 v42, v6;
	v9 =	vadd.f32 v10, v9;
	v10 =	vld [tilespmem:s30+$0x250]  }
0x1f1: {  	v48 =	vmul.f32 v48, v6;
	v11 =	vadd.f32 v17, v11;
	v17 =	vmul.f32 v19, v5;
	v19 =	vld [tilespmem:s30+$0x6200]  }
0x1f2: {  	v49 =	vmul.f32 v49, v6;
	v15 =	vadd.f32 v16, v15;
	v16 =	vmul.f32 v20, v5;
	v20 =	vld [tilespmem:s30+$0x6210]  }
0x1f3: {  	v12 =	vmul.f32 v12, v4;
	v13 =	vadd.f32 v53, v13;
	v22 =	vmul.f32 v22, v6;
	[tilespmem:s30+$0x14670] =	vst v9;
	v9 =	vld [tilespmem:s30+$0x260]  }
0x1f4: {  	v51 =	vld [tilespmem:s30+$0x4640];
	v11 =	vadd.f32 v54, v11;
	v54 =	vmul.f32 v50, v6;
	v14 =	vmul.f32 v14, v4  }
0x1f5: {  	v52 =	vld [tilespmem:s30+$0x4650];
	v12 =	vadd.f32 v18, v12;
	v18 =	vmul.f32 v21, v5;
	v21 =	vmul.f32 v23, v4  }
0x1f6: {  	v29 =	vld [tilespmem:s30+$0x6250];
	v10 =	vmul.f32 v10, v4;
	v14 =	vadd.f32 v17, v14;
	v17 =	vmul.f32 v24, v5  }
0x1f7: {  	v23 =	vld [tilespmem:s30+$0x6220];
	v15 =	vadd.f32 v55, v15;
	v24 =	vmul.f32 v25, v4;
	v19 =	vmul.f32 v19, v7  }
0x1f8: {  	v31 =	vld [tilespmem:s30+$0x6260];
	v12 =	vadd.f32 v56, v12;
	v20 =	vmul.f32 v20, v7;
	v9 =	vmul.f32 v9, v4  }
0x1f9: {  	v33 =	vld [tilespmem:s30+$0x6270];
	v10 =	vadd.f32 v16, v10;
	v16 =	vmul.f32 v26, v5;
	v26 =	vmul.f32 v27, v4  }
0x1fa: {  	v25 =	vld [tilespmem:s30+$0x6230];
	v17 =	vadd.f32 v17, v21;
	v21 =	vmul.f32 v30, v5;
	v30 =	vadd.f32 v63, v62  }
0x1fb: {  	v35 =	vld [tilespmem:s30+$0x6600];
	v62 =	vmul.f32 v47, v6;
	v13 =	vadd.f32 v19, v13;
	v11 =	vadd.f32 v20, v11  }
0x1fc: {  	v37 =	vld [tilespmem:s30+$0x6610];
	v23 =	vmul.f32 v23, v7;
	v9 =	vadd.f32 v18, v9;
	v18 =	vmul.f32 v28, v5  }
0x1fd: {  	v16 =	vadd.f32 v16, v24;
	v24 =	vmul.f32 v32, v5;
	v28 =	vadd.f32 v61, v60;
	v61 =	vld [tilespmem:s30+$0x8200]  }
0x1fe: {  	v63 =	vld [tilespmem:s30+$0x8210];
	v21 =	vadd.f32 v21, v57;
	v57 =	vmul.f32 v43, v6;
	v60 =	vmul.f32 v46, v6  }
0x1ff: {  	v27 =	vld [tilespmem:s30+$0x6240];
	v22 =	vadd.f32 v22, v30;
	v25 =	vmul.f32 v25, v7;
	v15 =	vadd.f32 v23, v15  }
0x200: {  	v39 =	vld [tilespmem:s30+$0x6620];
	v18 =	vadd.f32 v18, v26;
	v26 =	vmul.f32 v34, v5;
	v24 =	vadd.f32 v24, v58  }
0x201: {  	v53 =	vld [tilespmem:s30+$0x8220];
	v58 =	vmul.f32 v44, v6;
	v14 =	vadd.f32 v57, v14;
	v17 =	vadd.f32 v60, v17  }
0x202: {  	v38 =	vld [tilespmem:s30+$0x6640];
	v16 =	vadd.f32 v62, v16;
	v21 =	vadd.f32 v49, v21;
	v19 =	vmul.f32 v61, v8  }
0x203: {  	v55 =	vld [tilespmem:s30+$0x8230];
	v42 =	vmul.f32 v63, v8;
	v12 =	vadd.f32 v25, v12;
	v26 =	vadd.f32 v26, v59  }
0x204: {  	v41 =	vld [tilespmem:s30+$0x6650];
	v23 =	vmul.f32 v27, v7;
	v10 =	vadd.f32 v58, v10;
	v13 =	vadd.f32 v19, v13  }
0x205: {  	v56 =	vld [tilespmem:s30+$0x8240];
	v59 =	vmul.f32 v45, v6;
	v18 =	vadd.f32 v48, v18;
	v24 =	vadd.f32 v54, v24  }
0x206: {  	v20 =	vld [tilespmem:s30+$0x8260];
	v58 =	vmul.f32 v51, v6;
	v11 =	vadd.f32 v42, v11;
	[tilespmem:s30+$0x14200] =	vst v13;
	v13 =	vmul.f32 v53, v8  }
0x207: {  	v57 =	vld [tilespmem:s30+$0x8250];
	v14 =	vadd.f32 v23, v14;
	v9 =	vadd.f32 v59, v9;
	v59 =	vmul.f32 v52, v6  }
0x208: {  	v43 =	vld [tilespmem:s30+$0x6660];
	[tilespmem:s30+$0x14210] =	vst v11;
	v11 =	vmul.f32 v29, v7;
	v13 =	vadd.f32 v13, v15;
	v15 =	vmul.f32 v55, v8  }
0x209: {  	v34 =	vld [tilespmem:s30+$0x6630];
	v23 =	vmul.f32 v31, v7;
	v26 =	vadd.f32 v58, v26;
	v28 =	vadd.f32 v59, v28  }
0x20a: {  	v19 =	vld [tilespmem:s30+$0x8270];
	v10 =	vadd.f32 v11, v10;
	v11 =	vadd.f32 v15, v12;
	v12 =	vmul.f32 v56, v8  }
0x20b: {  	v60 =	vld [tilespmem:s30+$0x8600];
	v9 =	vadd.f32 v23, v9;
	[tilespmem:s30+$0x14220] =	vst v13;
	v13 =	vmul.f32 v33, v7;
	v15 =	vmul.f32 v35, v7  }
0x20c: {  	v25 =	vld [tilespmem:s30+$0x8610];
	v12 =	vadd.f32 v12, v14;
	[tilespmem:s30+$0x14230] =	vst v11;
	v11 =	vmul.f32 v37, v7;
	v14 =	vmul.f32 v57, v8  }
0x20d: {  	v27 =	vld [tilespmem:s30+$0x8620];
	v13 =	vadd.f32 v13, v17;
	v15 =	vadd.f32 v15, v16;
	v16 =	vmul.f32 v39, v7  }
0x20e: {  	v23 =	vld [tilespmem:s30+$0x8630];
	v11 =	vadd.f32 v11, v18;
	v10 =	vadd.f32 v14, v10;
	v14 =	vmul.f32 v20, v8  }
0x20f: {  	v17 =	vld [tilespmem:s30+$0x8640];
	[tilespmem:s30+$0x14240] =	vst v12;
	v12 =	vmul.f32 v34, v7;
	v16 =	vadd.f32 v16, v21;
	v18 =	vmul.f32 v19, v8  }
0x210: {  	v19 =	vld [tilespmem:s30+$0x8650];
	v20 =	vmul.f32 v38, v7;
	v9 =	vadd.f32 v14, v9;
	v14 =	vmul.f32 v60, v8  }
0x211: {  	[tilespmem:s30+$0x14250] =	vst v10;
	v10 =	vadd.f32 v12, v24;
	v12 =	vadd.f32 v18, v13;
	v13 =	vmul.f32 v25, v8;
	v18 =	vld [tilespmem:s30+$0x8660]  }
0x212: {  	v21 =	vmul.f32 v41, v7;
	[tilespmem:s30+$0x14260] =	vst v9;
	v9 =	vadd.f32 v14, v15;
	v14 =	vmul.f32 v27, v8  }
0x213: {  	v15 =	vadd.f32 v20, v26;
	[tilespmem:s30+$0x14270] =	vst v12;
	v11 =	vadd.f32 v13, v11;
	v12 =	vmul.f32 v23, v8  }
0x214: {  	v13 =	vmul.f32 v43, v7;
	[tilespmem:s30+$0x14600] =	vst v9;
	v9 =	vadd.f32 v14, v16;
	v14 =	vmul.f32 v17, v8  }
0x215: {  	v16 =	vadd.f32 v21, v28;
	[tilespmem:s30+$0x14610] =	vst v11;
	v10 =	vadd.f32 v12, v10;
	v11 =	vmul.f32 v19, v8  }
0x216: {  	v12 =	vadd.f32 v13, v22;
	v13 =	vmul.f32 v18, v8;
	[tilespmem:s30+$0x14620] =	vst v9;
	v9 =	vadd.f32 v14, v15  }
0x217: {  	s25 =	sshll.u32 s23, $0xE;
	[tilespmem:s30+$0x14630] =	vst v10;
	v10 =	vadd.f32 v11, v16  }
0x218: {  	s28 =	sadd.s32 s10, s25;
	[tilespmem:s30+$0x14640] =	vst v9;
	v9 =	vadd.f32 v13, v12  }
0x219: {  	s28 =	sshrl.u32 s28, $0x3;
	[tilespmem:s30+$0x14650] =	vst v10  }
0x21a: {  	s28 =	sadd.s32 s7, s28;
	[tilespmem:s30+$0x14660] =	vst v9  }
0x21b: {  	[hbm4b:s28+s3] =	stream.linear.scatter [tilespmem:s14], [sflag:$0x5], $0x2000, $0x38;
	[tilespmem:$0x18280] =	vst v63  }
0x21c: {  	_ =	swait.ge [sflag:s15], $0x5000  }
0x21d: {  	[sflag:s15] =	ssyncset.done $0x0  }
0x21e: {  	[sflag:s15] =	ssyncadd.s32 $0xFFFFB000  }
0x21f: {  	_ =	swait.ge [sflag:s15], $0x5000  }
0x220: {  	[sflag:s15] =	ssyncset.done $0x0  }
0x221: {  	s28 =	simm.s32 @!p0 $0x1;
	[sflag:s15] =	ssyncadd.s32 $0xFFFFB000  }
0x222: {  	_ =	swait.ge @!p0 [sflag:s28], $0xA0  }
0x223: {  	[sflag:s28] =	ssyncset.done @!p0 $0x0  }
0x224: {  	[sflag:s28] =	ssyncadd.s32 @!p0 $0xFFFFFF60  }
0x225: {  	v9 =	vld @!p0 [tilespmem:$0x0]  }
0x226: {  	v10 =	vld @!p0 [tilespmem:$0x10]  }
0x227: {  	s26 =	smulhi.u32 @!p0 $0x5397829D, s26;
	v11 =	vld @!p0 [tilespmem:$0x20]  }
0x228: {  	v12 =	vld @!p0 [tilespmem:$0x30]  }
0x229: {  	s26 =	sshrl.u32 @!p0 s26, $0xF  }
0x22a: {  	s26 =	smul.u32 @!p0 $0x186A0, s26  }
0x22b: {  	v13 =	vld @!p0 [tilespmem:$0x40]  }
0x22c: {  	v15 =	vld @!p0 [tilespmem:$0x50];
	v14 =	vadd.s32 @!p0 s26, v9;
	v10 =	vadd.s32 @!p0 s26, v10  }
0x22d: {  	v16 =	vld @!p0 [tilespmem:$0x60];
	v11 =	vadd.s32 @!p0 s26, v11;
	v12 =	vadd.s32 @!p0 s26, v12;
	[tilespmem:$0x0] =	vst @!p0 v14;
	v14 =	vshll.u32 @!p0 v14, $0x1  }
0x22e: {  	v17 =	vld @!p0 [tilespmem:$0x70];
	v9 =	vand.u32 @!p0 $0x7, v9;
	[tilespmem:$0x10] =	vst @!p0 v10;
	v10 =	vand.u32 @!p0 $0xFFFFFFF0, v14;
	v14 =	vlaneseq.u32 @!p0  }
0x22f: {  	v18 =	vld @!p0 [tilespmem:$0x80];
	[tilespmem:$0x20] =	vst @!p0 v11;
	v19 =	vor.u32 @!p0 v9, v10;
	v9 =	vand.u32 @!p0 $0x7, v14;
	v10 =	vshrl.u32 @!p0 v14, $0x3  }
0x230: {  	[tilespmem:$0x30] =	vst @!p0 v12;
	v11 =	vadd.s32 @!p0 s26, v13;
	v12 =	vld @!p0 [tilespmem:$0x90];
	v13 =	vperm.xlane @!p0 v19, v9;
	v10 =	vmul.u32 @!p0 $0x8, v10  }
0x231: {  	v15 =	vadd.s32 @!p0 s26, v15;
	[tilespmem:$0x40] =	vst @!p0 v11;
	v11 =	vor.u32 @!p0 $0x8, v14  }
0x232: {  	[tilespmem:$0x50] =	vst @!p0 v15;
	v14 =	vadd.s32 @!p0 s26, v16;
	v15 =	vperm.xlane @!p0 v19, v11;
	v13 =	vadd.s32 @!p0 v10, v13  }
0x233: {  	[tilespmem:$0x60] =	vst @!p0 v14;
	v14 =	vadd.s32 @!p0 s26, v17  }
0x234: {  	[tilespmem:$0x70] =	vst @!p0 v14;
	v14 =	vadd.s32 @!p0 s26, v18;
	v15 =	vadd.s32 @!p0 v10, v15  }
0x235: {  	[tilespmem:$0x80] =	vst @!p0 v14;
	v12 =	vadd.s32 @!p0 s26, v12  }
0x236: {  	vm1 =	vmmov @!p0 $0xffff;
	s28 =	simm.s32 @!p0 $0x200;
	s26 =	simm.s32 @!p0 $0x0;
	[tilespmem:$0x90] =	vst @!p0 v12  }
0x237: {  	[tilespmem:s28], [sflag:$0x3] =	stream.indirect_vreg.gather @!p0 [hbm4b:s5+s26], $0x80, v13, vm1, $0xb8;
	[tilespmem:$0x18280] =	vst v63  }
0x238: {  	s28 =	simm.s32 @!p0 $0xA00  }
0x239: {  	[tilespmem:s28], [sflag:$0x3] =	stream.indirect_vreg.gather @!p0 [hbm4b:s5+s26], $0x80, v15, vm1, $0xb8;
	[tilespmem:$0x18280] =	vst v63  }
0x23a: {  	v12 =	vld @!p0 [tilespmem:$0x10];
	_ =	sdelay $0x4  }
0x23b: {  	v13 =	vshll.u32 @!p0 v12, $0x1  }
0x23c: {  	v12 =	vand.u32 @!p0 $0x7, v12;
	v13 =	vand.u32 @!p0 $0xFFFFFFF0, v13  }
0x23d: {  	v12 =	vor.u32 @!p0 v12, v13  }
0x23e: {  	v13 =	vperm.xlane @!p0 v12, v9;
	_ =	sdelay $0x1  }
0x23f: {  	v12 =	vperm.xlane @!p0 v12, v11;
	v13 =	vadd.s32 @!p0 v10, v13;
	_ =	sdelay $0x1  }
0x240: {  	v12 =	vadd.s32 @!p0 v10, v12;
	_ =	sdelay $0x1  }
0x241: {  	s28 =	simm.s32 @!p0 $0x1200  }
0x242: {  	[tilespmem:s28], [sflag:$0x3] =	stream.indirect_vreg.gather @!p0 [hbm4b:s5+s26], $0x80, v13, vm1, $0xb8;
	[tilespmem:$0x18280] =	vst v63  }
0x243: {  	s28 =	simm.s32 @!p0 $0x1A00  }
0x244: {  	[tilespmem:s28], [sflag:$0x3] =	stream.indirect_vreg.gather @!p0 [hbm4b:s5+s26], $0x80, v12, vm1, $0xb8;
	[tilespmem:$0x18280] =	vst v63  }
0x245: {  	v12 =	vld @!p0 [tilespmem:$0x20];
	_ =	sdelay $0x4  }
0x246: {  	v13 =	vshll.u32 @!p0 v12, $0x1  }
0x247: {  	v12 =	vand.u32 @!p0 $0x7, v12;
	v13 =	vand.u32 @!p0 $0xFFFFFFF0, v13  }
0x248: {  	v12 =	vor.u32 @!p0 v12, v13  }
0x249: {  	v13 =	vperm.xlane @!p0 v12, v9;
	_ =	sdelay $0x1  }
0x24a: {  	v12 =	vperm.xlane @!p0 v12, v11;
	v13 =	vadd.s32 @!p0 v10, v13;
	_ =	sdelay $0x1  }
0x24b: {  	v12 =	vadd.s32 @!p0 v10, v12;
	_ =	sdelay $0x1  }
0x24c: {  	s28 =	simm.s32 @!p0 $0x2200  }
0x24d: {  	[tilespmem:s28], [sflag:$0x3] =	stream.indirect_vreg.gather @!p0 [hbm4b:s5+s26], $0x80, v13, vm1, $0xb8;
	[tilespmem:$0x18280] =	vst v63  }
0x24e: {  	s28 =	simm.s32 @!p0 $0x2A00  }
0x24f: {  	[tilespmem:s28], [sflag:$0x3] =	stream.indirect_vreg.gather @!p0 [hbm4b:s5+s26], $0x80, v12, vm1, $0xb8;
	[tilespmem:$0x18280] =	vst v63  }
0x250: {  	v12 =	vld @!p0 [tilespmem:$0x30];
	_ =	sdelay $0x4  }
0x251: {  	v13 =	vshll.u32 @!p0 v12, $0x1  }
0x252: {  	v12 =	vand.u32 @!p0 $0x7, v12;
	v13 =	vand.u32 @!p0 $0xFFFFFFF0, v13  }
0x253: {  	v12 =	vor.u32 @!p0 v12, v13  }
0x254: {  	v13 =	vperm.xlane @!p0 v12, v9;
	_ =	sdelay $0x1  }
0x255: {  	v12 =	vperm.xlane @!p0 v12, v11;
	v13 =	vadd.s32 @!p0 v10, v13;
	_ =	sdelay $0x1  }
0x256: {  	v12 =	vadd.s32 @!p0 v10, v12;
	_ =	sdelay $0x1  }
0x257: {  	s28 =	simm.s32 @!p0 $0x3200  }
0x258: {  	[tilespmem:s28], [sflag:$0x3] =	stream.indirect_vreg.gather @!p0 [hbm4b:s5+s26], $0x80, v13, vm1, $0xb8;
	[tilespmem:$0x18280] =	vst v63  }
0x259: {  	s28 =	simm.s32 @!p0 $0x3A00  }
0x25a: {  	[tilespmem:s28], [sflag:$0x3] =	stream.indirect_vreg.gather @!p0 [hbm4b:s5+s26], $0x80, v12, vm1, $0xb8;
	[tilespmem:$0x18280] =	vst v63  }
0x25b: {  	v12 =	vld @!p0 [tilespmem:$0x40];
	_ =	sdelay $0x4  }
0x25c: {  	v13 =	vshll.u32 @!p0 v12, $0x1  }
0x25d: {  	v12 =	vand.u32 @!p0 $0x7, v12;
	v13 =	vand.u32 @!p0 $0xFFFFFFF0, v13  }
0x25e: {  	v12 =	vor.u32 @!p0 v12, v13  }
0x25f: {  	v13 =	vperm.xlane @!p0 v12, v9;
	_ =	sdelay $0x1  }
0x260: {  	v12 =	vperm.xlane @!p0 v12, v11;
	v13 =	vadd.s32 @!p0 v10, v13;
	_ =	sdelay $0x1  }
0x261: {  	v12 =	vadd.s32 @!p0 v10, v12;
	_ =	sdelay $0x1  }
0x262: {  	s28 =	simm.s32 @!p0 $0x4200  }
0x263: {  	[tilespmem:s28], [sflag:$0x3] =	stream.indirect_vreg.gather @!p0 [hbm4b:s5+s26], $0x80, v13, vm1, $0xb8;
	[tilespmem:$0x18280] =	vst v63  }
0x264: {  	s28 =	simm.s32 @!p0 $0x4A00  }
0x265: {  	[tilespmem:s28], [sflag:$0x3] =	stream.indirect_vreg.gather @!p0 [hbm4b:s5+s26], $0x80, v12, vm1, $0xb8;
	[tilespmem:$0x18280] =	vst v63  }
0x266: {  	v12 =	vld @!p0 [tilespmem:$0x50];
	_ =	sdelay $0x4  }
0x267: {  	v13 =	vshll.u32 @!p0 v12, $0x1  }
0x268: {  	v12 =	vand.u32 @!p0 $0x7, v12;
	v13 =	vand.u32 @!p0 $0xFFFFFFF0, v13  }
0x269: {  	v12 =	vor.u32 @!p0 v12, v13  }
0x26a: {  	v13 =	vperm.xlane @!p0 v12, v9;
	_ =	sdelay $0x1  }
0x26b: {  	v12 =	vperm.xlane @!p0 v12, v11;
	v13 =	vadd.s32 @!p0 v10, v13;
	_ =	sdelay $0x1  }
0x26c: {  	v12 =	vadd.s32 @!p0 v10, v12;
	_ =	sdelay $0x1  }
0x26d: {  	s28 =	simm.s32 @!p0 $0x5200  }
0x26e: {  	[tilespmem:s28], [sflag:$0x3] =	stream.indirect_vreg.gather @!p0 [hbm4b:s5+s26], $0x80, v13, vm1, $0xb8;
	[tilespmem:$0x18280] =	vst v63  }
0x26f: {  	s28 =	simm.s32 @!p0 $0x5A00  }
0x270: {  	[tilespmem:s28], [sflag:$0x3] =	stream.indirect_vreg.gather @!p0 [hbm4b:s5+s26], $0x80, v12, vm1, $0xb8;
	[tilespmem:$0x18280] =	vst v63  }
0x271: {  	v12 =	vld @!p0 [tilespmem:$0x60];
	_ =	sdelay $0x4  }
0x272: {  	v13 =	vshll.u32 @!p0 v12, $0x1  }
0x273: {  	v12 =	vand.u32 @!p0 $0x7, v12;
	v13 =	vand.u32 @!p0 $0xFFFFFFF0, v13  }
0x274: {  	v12 =	vor.u32 @!p0 v12, v13  }
0x275: {  	v13 =	vperm.xlane @!p0 v12, v9;
	_ =	sdelay $0x1  }
0x276: {  	v12 =	vperm.xlane @!p0 v12, v11;
	v13 =	vadd.s32 @!p0 v10, v13;
	_ =	sdelay $0x1  }
0x277: {  	v12 =	vadd.s32 @!p0 v10, v12;
	_ =	sdelay $0x1  }
0x278: {  	s28 =	simm.s32 @!p0 $0x6200  }
0x279: {  	[tilespmem:s28], [sflag:$0x3] =	stream.indirect_vreg.gather @!p0 [hbm4b:s5+s26], $0x80, v13, vm1, $0xb8;
	[tilespmem:$0x18280] =	vst v63  }
0x27a: {  	s28 =	simm.s32 @!p0 $0x6A00  }
0x27b: {  	[tilespmem:s28], [sflag:$0x3] =	stream.indirect_vreg.gather @!p0 [hbm4b:s5+s26], $0x80, v12, vm1, $0xb8;
	[tilespmem:$0x18280] =	vst v63  }
0x27c: {  	v12 =	vld @!p0 [tilespmem:$0x70];
	_ =	sdelay $0x4  }
0x27d: {  	v13 =	vshll.u32 @!p0 v12, $0x1  }
0x27e: {  	v12 =	vand.u32 @!p0 $0x7, v12;
	v13 =	vand.u32 @!p0 $0xFFFFFFF0, v13  }
0x27f: {  	v12 =	vor.u32 @!p0 v12, v13  }
0x280: {  	v13 =	vperm.xlane @!p0 v12, v9;
	_ =	sdelay $0x1  }
0x281: {  	v12 =	vperm.xlane @!p0 v12, v11;
	v13 =	vadd.s32 @!p0 v10, v13;
	_ =	sdelay $0x1  }
0x282: {  	v12 =	vadd.s32 @!p0 v10, v12;
	_ =	sdelay $0x1  }
0x283: {  	s28 =	simm.s32 @!p0 $0x7200  }
0x284: {  	[tilespmem:s28], [sflag:$0x3] =	stream.indirect_vreg.gather @!p0 [hbm4b:s5+s26], $0x80, v13, vm1, $0xb8;
	[tilespmem:$0x18280] =	vst v63  }
0x285: {  	s28 =	simm.s32 @!p0 $0x7A00  }
0x286: {  	[tilespmem:s28], [sflag:$0x3] =	stream.indirect_vreg.gather @!p0 [hbm4b:s5+s26], $0x80, v12, vm1, $0xb8;
	[tilespmem:$0x18280] =	vst v63  }
0x287: {  	v12 =	vld @!p0 [tilespmem:$0x80];
	_ =	sdelay $0x4  }
0x288: {  	v13 =	vshll.u32 @!p0 v12, $0x1  }
0x289: {  	v12 =	vand.u32 @!p0 $0x7, v12;
	v13 =	vand.u32 @!p0 $0xFFFFFFF0, v13  }
0x28a: {  	v12 =	vor.u32 @!p0 v12, v13  }
0x28b: {  	v13 =	vperm.xlane @!p0 v12, v9;
	_ =	sdelay $0x1  }
0x28c: {  	v12 =	vperm.xlane @!p0 v12, v11;
	v13 =	vadd.s32 @!p0 v10, v13;
	_ =	sdelay $0x1  }
0x28d: {  	v12 =	vadd.s32 @!p0 v10, v12;
	_ =	sdelay $0x1  }
0x28e: {  	s28 =	simm.s32 @!p0 $0x8200  }
0x28f: {  	[tilespmem:s28], [sflag:$0x3] =	stream.indirect_vreg.gather @!p0 [hbm4b:s5+s26], $0x80, v13, vm1, $0xb8;
	[tilespmem:$0x18280] =	vst v63  }
0x290: {  	s28 =	simm.s32 @!p0 $0x8A00  }
0x291: {  	[tilespmem:s28], [sflag:$0x3] =	stream.indirect_vreg.gather @!p0 [hbm4b:s5+s26], $0x80, v12, vm1, $0xb8;
	[tilespmem:$0x18280] =	vst v63  }
0x292: {  	v12 =	vld @!p0 [tilespmem:$0x90];
	_ =	sdelay $0x4  }
0x293: {  	v13 =	vshll.u32 @!p0 v12, $0x1  }
0x294: {  	v12 =	vand.u32 @!p0 $0x7, v12;
	v13 =	vand.u32 @!p0 $0xFFFFFFF0, v13  }
0x295: {  	v12 =	vor.u32 @!p0 v12, v13  }
0x296: {  	v9 =	vperm.xlane @!p0 v12, v9;
	_ =	sdelay $0x1  }
0x297: {  	v11 =	vperm.xlane @!p0 v12, v11;
	v9 =	vadd.s32 @!p0 v10, v9;
	_ =	sdelay $0x1  }
0x298: {  	v10 =	vadd.s32 @!p0 v10, v11  }
0x299: {  	s24 =	sadd.s32 @!p0 s24, s11  }
0x29a: {  	s24 =	smul.u32 @!p0 $0x5, s24;
	s28 =	simm.s32 @!p0 $0x9200  }
0x29b: {  	[tilespmem:s28], [sflag:$0x3] =	stream.indirect_vreg.gather @!p0 [hbm4b:s5+s26], $0x80, v9, vm1, $0xb8;
	[tilespmem:$0x18280] =	vst v63  }
0x29c: {  	s24 =	sshrl.u32 @!p0 s24, $0x3;
	s28 =	simm.s32 @!p0 $0x9A00  }
0x29d: {  	[tilespmem:s28], [sflag:$0x3] =	stream.indirect_vreg.gather @!p0 [hbm4b:s5+s26], $0x80, v10, vm1, $0xb8;
	[tilespmem:$0x18280] =	vst v63  }
0x29e: {  	s24 =	sadd.s32 @!p0 s6, s24;
	s28 =	simm.s32 @!p0 $0x100  }
0x29f: {  	[tilespmem:s28], [sflag:$0x2] =	stream.linear.gather @!p0 [hbm4b:s24+s26], $0xA0, $0x38;
	[tilespmem:$0x18280] =	vst v63  }
0x2a0: {  	p0 =	por p0, !p1  }
0x2a1: {  	s30 =	simm.s32 $0x0;
	_ =	swait.ge @p0 [sflag:s22], $0x2000  }
0x2a2: {  	s31 =	sand.u32 $0x1800, s30;
	s24 =	sand.u32 $0x380, s30;
	[sflag:s22] =	ssyncset.done @p0 $0x0  }
0x2a3: {  	s24 =	sor.u32 s24, s31;
	[sflag:s22] =	ssyncadd.s32 @p0 $0xFFFFE000  }
0x2a4: {  	v9 =	vld [tilespmem:s24+$0xA670]  }
0x2a5: {  	v10 =	vld [tilespmem:s24+$0xC670]  }
0x2a6: {  	v11 =	vld [tilespmem:s24+$0xA200]  }
0x2a7: {  	v12 =	vld [tilespmem:s24+$0xE670]  }
0x2a8: {  	v13 =	vld [tilespmem:s24+$0xC200]  }
0x2a9: {  	v14 =	vld [tilespmem:s24+$0x10670]  }
0x2aa: {  	v15 =	vld [tilespmem:s24+$0xA210]  }
0x2ab: {  	v16 =	vld [tilespmem:s24+$0x12670]  }
0x2ac: {  	v17 =	vld [tilespmem:s24+$0xC210]  }
0x2ad: {  	v18 =	vld [tilespmem:s24+$0xC220]  }
0x2ae: {  	v19 =	vld [tilespmem:s24+$0xC230]  }
0x2af: {  	v20 =	vld [tilespmem:s24+$0xC240]  }
0x2b0: {  	v21 =	vld [tilespmem:s24+$0xC250]  }
0x2b1: {  	v22 =	vld [tilespmem:s24+$0xC260]  }
0x2b2: {  	v23 =	vld [tilespmem:s24+$0xA270]  }
0x2b3: {  	v24 =	vld [tilespmem:s24+$0xC270]  }
0x2b4: {  	v25 =	vld [tilespmem:s24+$0xA600]  }
0x2b5: {  	v26 =	vld [tilespmem:s24+$0xC600]  }
0x2b6: {  	v27 =	vld [tilespmem:s24+$0xA610]  }
0x2b7: {  	v28 =	vld [tilespmem:s24+$0xC610]  }
0x2b8: {  	v61 =	vld [tilespmem:s24+$0xA620]  }
0x2b9: {  	v30 =	vld [tilespmem:s24+$0xC620]  }
0x2ba: {  	v62 =	vld [tilespmem:s24+$0xA630]  }
0x2bb: {  	v32 =	vld [tilespmem:s24+$0xC630]  }
0x2bc: {  	v63 =	vld [tilespmem:s24+$0xA640]  }
0x2bd: {  	v34 =	vld [tilespmem:s24+$0xC640]  }
0x2be: {  	v35 =	vld [tilespmem:s24+$0xA650]  }
0x2bf: {  	v52 =	vld [tilespmem:s24+$0xC650]  }
0x2c0: {  	v53 =	vld [tilespmem:s24+$0xA660]  }
0x2c1: {  	v54 =	vld [tilespmem:s24+$0xC660]  }
0x2c2: {  	v55 =	vld [tilespmem:s24+$0xE200]  }
0x2c3: {  	v56 =	vld [tilespmem:s24+$0xE210]  }
0x2c4: {  	v57 =	vld [tilespmem:s24+$0xE220]  }
0x2c5: {  	v58 =	vld [tilespmem:s24+$0xE230];
	v9 =	vmul.f32 v9, v4;
	v10 =	vmul.f32 v10, v5  }
0x2c6: {  	v59 =	vld [tilespmem:s24+$0xE240];
	v11 =	vmul.f32 v11, v4;
	v13 =	vmul.f32 v13, v5  }
0x2c7: {  	v60 =	vld [tilespmem:s24+$0xE250];
	v15 =	vmul.f32 v15, v4;
	v17 =	vmul.f32 v17, v5  }
0x2c8: {  	v45 =	vld [tilespmem:s24+$0xE260];
	v18 =	vmul.f32 v18, v5;
	v61 =	vmul.f32 v61, v4  }
0x2c9: {  	v46 =	vld [tilespmem:s24+$0xE270];
	v62 =	vmul.f32 v62, v4;
	v63 =	vmul.f32 v63, v4  }
0x2ca: {  	v47 =	vld [tilespmem:s24+$0xE600];
	v51 =	vmul.f32 v35, v4;
	v52 =	vmul.f32 v52, v5  }
0x2cb: {  	v53 =	vmul.f32 v53, v4;
	v9 =	vadd.f32 v10, v9;
	v10 =	vmul.f32 v12, v6;
	v12 =	vld [tilespmem:s24+$0xA220]  }
0x2cc: {  	v11 =	vadd.f32 v13, v11;
	v13 =	vmul.f32 v19, v5;
	v19 =	vld [tilespmem:s24+$0xE640];
	v15 =	vadd.f32 v17, v15  }
0x2cd: {  	v17 =	vmul.f32 v20, v5;
	v20 =	vld [tilespmem:s24+$0xE650];
	v9 =	vadd.f32 v10, v9;
	v10 =	vmul.f32 v14, v7  }
0x2ce: {  	v54 =	vmul.f32 v54, v5;
	v55 =	vmul.f32 v55, v6;
	v14 =	vld [tilespmem:s24+$0xA230]  }
0x2cf: {  	v56 =	vmul.f32 v56, v6;
	v9 =	vadd.f32 v10, v9;
	v10 =	vmul.f32 v16, v8;
	v16 =	vld [tilespmem:s24+$0xA240]  }
0x2d0: {  	v48 =	vld [tilespmem:s24+$0xE610];
	v57 =	vmul.f32 v57, v6;
	v12 =	vmul.f32 v12, v4  }
0x2d1: {  	v58 =	vmul.f32 v58, v6;
	v59 =	vmul.f32 v59, v6;
	v9 =	vadd.f32 v10, v9;
	v10 =	vld [tilespmem:s24+$0xA250]  }
0x2d2: {  	v60 =	vmul.f32 v60, v6;
	v12 =	vadd.f32 v18, v12;
	v18 =	vmul.f32 v21, v5;
	v21 =	vld [tilespmem:s24+$0xE660]  }
0x2d3: {  	v11 =	vadd.f32 v55, v11;
	v19 =	vmul.f32 v19, v6;
	v14 =	vmul.f32 v14, v4;
	[tilespmem:s24+$0x16670] =	vst v9;
	v9 =	vld [tilespmem:s24+$0xA260]  }
0x2d4: {  	v49 =	vld [tilespmem:s24+$0xE620];
	v15 =	vadd.f32 v56, v15;
	v20 =	vmul.f32 v20, v6;
	v16 =	vmul.f32 v16, v4  }
0x2d5: {  	v50 =	vld [tilespmem:s24+$0xE630];
	v13 =	vadd.f32 v13, v14;
	v14 =	vmul.f32 v22, v5;
	v22 =	vmul.f32 v23, v4  }
0x2d6: {  	v23 =	vld [tilespmem:s24+$0x10200];
	v12 =	vadd.f32 v57, v12;
	v10 =	vmul.f32 v10, v4;
	v16 =	vadd.f32 v17, v16  }
0x2d7: {  	v29 =	vld [tilespmem:s24+$0x10230];
	v17 =	vmul.f32 v24, v5;
	v24 =	vmul.f32 v25, v4;
	v13 =	vadd.f32 v58, v13  }
0x2d8: {  	v31 =	vld [tilespmem:s24+$0x10240];
	v21 =	vmul.f32 v21, v6;
	v9 =	vmul.f32 v9, v4;
	v10 =	vadd.f32 v18, v10  }
0x2d9: {  	v33 =	vld [tilespmem:s24+$0x10250];
	v18 =	vmul.f32 v26, v5;
	v26 =	vmul.f32 v27, v4;
	v17 =	vadd.f32 v17, v22  }
0x2da: {  	v37 =	vld [tilespmem:s24+$0x10270];
	v22 =	vmul.f32 v30, v5;
	v30 =	vadd.f32 v54, v53;
	v16 =	vadd.f32 v59, v16  }
0x2db: {  	v25 =	vld [tilespmem:s24+$0x10210];
	v54 =	vmul.f32 v50, v6;
	v23 =	vmul.f32 v23, v7;
	v9 =	vadd.f32 v14, v9  }
0x2dc: {  	v39 =	vld [tilespmem:s24+$0x10600];
	v14 =	vmul.f32 v28, v5;
	v18 =	vadd.f32 v18, v24;
	v24 =	vmul.f32 v32, v5  }
0x2dd: {  	v27 =	vld [tilespmem:s24+$0x10220];
	v22 =	vadd.f32 v22, v61;
	v28 =	vadd.f32 v52, v51;
	v61 =	vmul.f32 v45, v6  }
0x2de: {  	v53 =	vld [tilespmem:s24+$0x12200];
	v10 =	vadd.f32 v60, v10;
	v51 =	vmul.f32 v48, v6;
	v52 =	vmul.f32 v49, v6  }
0x2df: {  	v38 =	vld [tilespmem:s24+$0x10620];
	v21 =	vadd.f32 v21, v30;
	v60 =	vmul.f32 v31, v7;
	v11 =	vadd.f32 v23, v11  }
0x2e0: {  	v41 =	vld [tilespmem:s24+$0x10630];
	v25 =	vmul.f32 v25, v7;
	v14 =	vadd.f32 v14, v26;
	v24 =	vadd.f32 v24, v62  }
0x2e1: {  	v55 =	vld [tilespmem:s24+$0x12210];
	v26 =	vmul.f32 v34, v5;
	v9 =	vadd.f32 v61, v9;
	v22 =	vadd.f32 v52, v22  }
0x2e2: {  	v35 =	vld [tilespmem:s24+$0x10260];
	v62 =	vmul.f32 v46, v6;
	v20 =	vadd.f32 v20, v28;
	v30 =	vadd.f32 v60, v16  }
0x2e3: {  	v56 =	vld [tilespmem:s24+$0x12220];
	v23 =	vmul.f32 v27, v7;
	v27 =	vmul.f32 v53, v8;
	v15 =	vadd.f32 v25, v15  }
0x2e4: {  	v43 =	vld [tilespmem:s24+$0x10640];
	v25 =	vmul.f32 v29, v7;
	v26 =	vadd.f32 v26, v63;
	v17 =	vadd.f32 v62, v17  }
0x2e5: {  	v34 =	vld [tilespmem:s24+$0x10610];
	v63 =	vmul.f32 v47, v6;
	v14 =	vadd.f32 v51, v14;
	v12 =	vadd.f32 v23, v12  }
0x2e6: {  	v23 =	vmul.f32 v55, v8;
	v11 =	vadd.f32 v27, v11;
	v19 =	vadd.f32 v19, v26;
	v26 =	vld [tilespmem:s24+$0x12230]  }
0x2e7: {  	v57 =	vld [tilespmem:s24+$0x12240];
	v24 =	vadd.f32 v54, v24;
	v13 =	vadd.f32 v25, v13;
	v25 =	vmul.f32 v33, v7  }
0x2e8: {  	v40 =	vld [tilespmem:s24+$0x10650];
	v15 =	vadd.f32 v23, v15;
	[tilespmem:s24+$0x16200] =	vst v11;
	v11 =	vmul.f32 v35, v7;
	v23 =	vmul.f32 v56, v8  }
0x2e9: {  	v58 =	vld [tilespmem:s24+$0x12250];
	v18 =	vadd.f32 v63, v18;
	v25 =	vadd.f32 v25, v10;
	v10 =	vmul.f32 v37, v7  }
0x2ea: {  	v42 =	vld [tilespmem:s24+$0x10660];
	v63 =	vadd.f32 v11, v9;
	v9 =	vadd.f32 v23, v12;
	v12 =	vmul.f32 v39, v7  }
0x2eb: {  	v59 =	vld [tilespmem:s24+$0x12260];
	[tilespmem:s24+$0x16210] =	vst v15;
	v23 =	vadd.f32 v10, v17;
	v10 =	vmul.f32 v34, v7;
	v11 =	vmul.f32 v26, v8  }
0x2ec: {  	v27 =	vld [tilespmem:s24+$0x12270];
	[tilespmem:s24+$0x16220] =	vst v9;
	v9 =	vmul.f32 v38, v7;
	v26 =	vmul.f32 v57, v8;
	v15 =	vadd.f32 v12, v18  }
0x2ed: {  	v61 =	vld [tilespmem:s24+$0x12600];
	v12 =	vmul.f32 v41, v7;
	v11 =	vadd.f32 v11, v13;
	v13 =	vadd.f32 v10, v14  }
0x2ee: {  	v62 =	vld [tilespmem:s24+$0x12610];
	v10 =	vadd.f32 v9, v22;
	v9 =	vadd.f32 v26, v30;
	v14 =	vmul.f32 v58, v8  }
0x2ef: {  	v16 =	vld [tilespmem:s24+$0x12620];
	v22 =	vmul.f32 v43, v7;
	[tilespmem:s24+$0x16230] =	vst v11;
	v11 =	vadd.f32 v12, v24;
	v12 =	vmul.f32 v40, v7  }
0x2f0: {  	v17 =	vld [tilespmem:s24+$0x12630];
	v26 =	vmul.f32 v59, v8;
	v24 =	vmul.f32 v42, v7;
	v25 =	vadd.f32 v14, v25  }
0x2f1: {  	s28 =	simm.s32 $0x100;
	s26 =	simm.s32 $0x80;
	v18 =	vld [tilespmem:s24+$0x12640];
	v14 =	vadd.f32 v22, v19;
	v12 =	vadd.f32 v12, v20;
	v20 =	vmul.f32 v27, v8  }
0x2f2: {  	s28 =	sand.u32 $0x1800, s28;
	s29 =	sand.u32 $0x380, s26;
	[tilespmem:s24+$0x16240] =	vst v9;
	v19 =	vld [tilespmem:s24+$0x12650];
	v22 =	vmul.f32 v61, v8;
	v9 =	vadd.f32 v24, v21;
	v21 =	vadd.f32 v26, v63  }
0x2f3: {  	s29 =	sor.u32 s29, s28;
	s28 =	simm.s32 $0x200;
	[tilespmem:s24+$0x16250] =	vst v25;
	v24 =	vadd.f32 v20, v23;
	v23 =	vmul.f32 v62, v8;
	v20 =	vld [tilespmem:s24+$0x12660]  }
.LBB2_8:
0x2f4: {  	p0 =	sne.s32 s28, $0x1F00;
	v25 =	vld [tilespmem:s29+$0xA670];
	[tilespmem:s24+$0x16260] =	vst v21;
	v15 =	vadd.f32 v22, v15;
	v16 =	vmul.f32 v16, v8  }
0x2f5: {  	v21 =	vld [tilespmem:s29+$0xC670];
	[tilespmem:s24+$0x16270] =	vst v24;
	v13 =	vadd.f32 v23, v13;
	v17 =	vmul.f32 v17, v8  }
0x2f6: {  	v22 =	vld [tilespmem:s29+$0xA200];
	[tilespmem:s24+$0x16600] =	vst v15;
	v10 =	vadd.f32 v16, v10;
	v15 =	vmul.f32 v18, v8  }
0x2f7: {  	v16 =	vld [tilespmem:s29+$0xE670];
	[tilespmem:s24+$0x16610] =	vst v13;
	v11 =	vadd.f32 v17, v11;
	v13 =	vmul.f32 v19, v8  }
0x2f8: {  	v17 =	vld [tilespmem:s29+$0xC200];
	[tilespmem:s24+$0x16620] =	vst v10;
	v10 =	vadd.f32 v15, v14;
	v14 =	vmul.f32 v20, v8  }
0x2f9: {  	v15 =	vld [tilespmem:s29+$0x10670];
	[tilespmem:s24+$0x16630] =	vst v11;
	v11 =	vadd.f32 v13, v12  }
0x2fa: {  	v13 =	vmul.f32 v25, v4;
	v12 =	vld [tilespmem:s29+$0xA210];
	v18 =	vmul.f32 v21, v5;
	[tilespmem:s24+$0x16640] =	vst v10;
	v9 =	vadd.f32 v14, v9  }
0x2fb: {  	v10 =	vmul.f32 v22, v4;
	v14 =	vld [tilespmem:s29+$0x12670];
	[tilespmem:s24+$0x16650] =	vst v11  }
0x2fc: {  	v11 =	vld [tilespmem:s29+$0xC210];
	v13 =	vadd.f32 v18, v13;
	v16 =	vmul.f32 v16, v6;
	[tilespmem:s24+$0x16660] =	vst v9;
	s24 =	smov.u32 s29  }
0x2fd: {  	v9 =	vmul.f32 v17, v5;
	v17 =	vld [tilespmem:s24+$0xA220]  }
0x2fe: {  	v18 =	vld [tilespmem:s24+$0xC220];
	v13 =	vadd.f32 v16, v13;
	v15 =	vmul.f32 v15, v7  }
0x2ff: {  	v9 =	vadd.f32 v9, v10;
	v10 =	vmul.f32 v12, v4;
	v12 =	vld [tilespmem:s24+$0xA230]  }
0x300: {  	v16 =	vld [tilespmem:s24+$0xC230];
	v13 =	vadd.f32 v15, v13;
	v14 =	vmul.f32 v14, v8  }
0x301: {  	v11 =	vmul.f32 v11, v5;
	v15 =	vld [tilespmem:s24+$0xA240]  }
0x302: {  	v17 =	vmul.f32 v17, v4;
	v19 =	vld [tilespmem:s24+$0xC240];
	v13 =	vadd.f32 v14, v13  }
0x303: {  	v10 =	vadd.f32 v11, v10;
	v11 =	vmul.f32 v18, v5;
	v14 =	vld [tilespmem:s24+$0xA250]  }
0x304: {  	v12 =	vmul.f32 v12, v4;
	v18 =	vld [tilespmem:s24+$0xC250];
	[tilespmem:s24+$0x16670] =	vst v13  }
0x305: {  	v11 =	vadd.f32 v11, v17;
	v13 =	vmul.f32 v16, v5;
	v16 =	vld [tilespmem:s24+$0xA260]  }
0x306: {  	v15 =	vmul.f32 v15, v4;
	v17 =	vld [tilespmem:s24+$0xC260]  }
0x307: {  	v12 =	vadd.f32 v13, v12;
	v13 =	vmul.f32 v19, v5;
	v19 =	vld [tilespmem:s24+$0xA270]  }
0x308: {  	v14 =	vmul.f32 v14, v4;
	v20 =	vld [tilespmem:s24+$0xC270]  }
0x309: {  	v13 =	vadd.f32 v13, v15;
	v15 =	vmul.f32 v18, v5;
	v18 =	vld [tilespmem:s24+$0xA600]  }
0x30a: {  	v16 =	vmul.f32 v16, v4;
	v21 =	vld [tilespmem:s24+$0xC600]  }
0x30b: {  	v14 =	vadd.f32 v15, v14;
	v15 =	vmul.f32 v17, v5;
	v17 =	vld [tilespmem:s24+$0xA610]  }
0x30c: {  	v19 =	vmul.f32 v19, v4;
	v22 =	vld [tilespmem:s24+$0xC610]  }
0x30d: {  	v15 =	vadd.f32 v15, v16;
	v16 =	vmul.f32 v20, v5;
	v20 =	vld [tilespmem:s24+$0xA620]  }
0x30e: {  	v18 =	vmul.f32 v18, v4;
	v23 =	vld [tilespmem:s24+$0xC620]  }
0x30f: {  	v16 =	vadd.f32 v16, v19;
	v19 =	vmul.f32 v21, v5;
	v21 =	vld [tilespmem:s24+$0xA630]  }
0x310: {  	v17 =	vmul.f32 v17, v4;
	v24 =	vld [tilespmem:s24+$0xC630]  }
0x311: {  	v18 =	vadd.f32 v19, v18;
	v19 =	vmul.f32 v22, v5;
	v22 =	vld [tilespmem:s24+$0xA640]  }
0x312: {  	v20 =	vmul.f32 v20, v4;
	v25 =	vld [tilespmem:s24+$0xC640]  }
0x313: {  	v17 =	vadd.f32 v19, v17;
	v19 =	vmul.f32 v23, v5;
	v23 =	vld [tilespmem:s24+$0xA650]  }
0x314: {  	v21 =	vmul.f32 v21, v4;
	v26 =	vld [tilespmem:s24+$0xC650]  }
0x315: {  	v19 =	vadd.f32 v19, v20;
	v20 =	vmul.f32 v24, v5;
	v24 =	vld [tilespmem:s24+$0xA660]  }
0x316: {  	v22 =	vmul.f32 v22, v4;
	v27 =	vld [tilespmem:s24+$0xC660]  }
0x317: {  	v28 =	vld [tilespmem:s24+$0xE200];
	v20 =	vadd.f32 v20, v21;
	v21 =	vmul.f32 v25, v5  }
0x318: {  	v25 =	vld [tilespmem:s24+$0xE210];
	v23 =	vmul.f32 v23, v4  }
0x319: {  	v29 =	vld [tilespmem:s24+$0xE220];
	v21 =	vadd.f32 v21, v22;
	v22 =	vmul.f32 v26, v5  }
0x31a: {  	v26 =	vld [tilespmem:s24+$0xE230];
	v24 =	vmul.f32 v24, v4  }
0x31b: {  	v30 =	vld [tilespmem:s24+$0xE240];
	v22 =	vadd.f32 v22, v23;
	v23 =	vmul.f32 v27, v5  }
0x31c: {  	v27 =	vmul.f32 v28, v6;
	v28 =	vld [tilespmem:s24+$0xE250]  }
0x31d: {  	v25 =	vmul.f32 v25, v6;
	v31 =	vld [tilespmem:s24+$0xE260];
	v23 =	vadd.f32 v23, v24  }
0x31e: {  	v9 =	vadd.f32 v27, v9;
	v24 =	vmul.f32 v29, v6;
	v27 =	vld [tilespmem:s24+$0xE270]  }
0x31f: {  	v10 =	vadd.f32 v25, v10;
	v25 =	vmul.f32 v26, v6;
	v26 =	vld [tilespmem:s24+$0xE600]  }
0x320: {  	v11 =	vadd.f32 v24, v11;
	v24 =	vmul.f32 v30, v6;
	v29 =	vld [tilespmem:s24+$0xE610]  }
0x321: {  	v12 =	vadd.f32 v25, v12;
	v25 =	vmul.f32 v28, v6;
	v28 =	vld [tilespmem:s24+$0xE620]  }
0x322: {  	v13 =	vadd.f32 v24, v13;
	v24 =	vmul.f32 v31, v6;
	v30 =	vld [tilespmem:s24+$0xE630]  }
0x323: {  	v14 =	vadd.f32 v25, v14;
	v25 =	vmul.f32 v27, v6;
	v27 =	vld [tilespmem:s24+$0xE640]  }
0x324: {  	v15 =	vadd.f32 v24, v15;
	v24 =	vmul.f32 v26, v6;
	v26 =	vld [tilespmem:s24+$0xE650]  }
0x325: {  	v16 =	vadd.f32 v25, v16;
	v25 =	vmul.f32 v29, v6;
	v29 =	vld [tilespmem:s24+$0xE660]  }
0x326: {  	v31 =	vld [tilespmem:s24+$0x10200];
	v18 =	vadd.f32 v24, v18;
	v24 =	vmul.f32 v28, v6  }
0x327: {  	v28 =	vld [tilespmem:s24+$0x10210];
	v17 =	vadd.f32 v25, v17;
	v25 =	vmul.f32 v30, v6  }
0x328: {  	v30 =	vld [tilespmem:s24+$0x10220];
	v19 =	vadd.f32 v24, v19;
	v24 =	vmul.f32 v27, v6  }
0x329: {  	v27 =	vld [tilespmem:s24+$0x10230];
	v20 =	vadd.f32 v25, v20;
	v25 =	vmul.f32 v26, v6  }
0x32a: {  	v26 =	vld [tilespmem:s24+$0x10240];
	v21 =	vadd.f32 v24, v21;
	v24 =	vmul.f32 v29, v6  }
0x32b: {  	v29 =	vmul.f32 v31, v7;
	v31 =	vld [tilespmem:s24+$0x10250];
	v22 =	vadd.f32 v25, v22  }
0x32c: {  	v25 =	vmul.f32 v28, v7;
	v28 =	vld [tilespmem:s24+$0x10260];
	v23 =	vadd.f32 v24, v23  }
0x32d: {  	v24 =	vadd.f32 v29, v9;
	v9 =	vmul.f32 v30, v7;
	v29 =	vld [tilespmem:s24+$0x10270]  }
0x32e: {  	v25 =	vadd.f32 v25, v10;
	v10 =	vmul.f32 v27, v7;
	v27 =	vld [tilespmem:s24+$0x10600]  }
0x32f: {  	v30 =	vadd.f32 v9, v11;
	v9 =	vmul.f32 v26, v7;
	v11 =	vld [tilespmem:s24+$0x10610]  }
0x330: {  	v26 =	vadd.f32 v10, v12;
	v10 =	vmul.f32 v31, v7;
	v12 =	vld [tilespmem:s24+$0x10620]  }
0x331: {  	v31 =	vadd.f32 v9, v13;
	v9 =	vmul.f32 v28, v7;
	v28 =	vld [tilespmem:s24+$0x10630]  }
0x332: {  	v32 =	vadd.f32 v10, v14;
	v10 =	vmul.f32 v29, v7;
	v14 =	vld [tilespmem:s24+$0x10640]  }
0x333: {  	v29 =	vadd.f32 v9, v15;
	v9 =	vmul.f32 v27, v7;
	v27 =	vld [tilespmem:s24+$0x10650]  }
0x334: {  	v33 =	vadd.f32 v10, v16;
	v10 =	vmul.f32 v11, v7;
	v16 =	vld [tilespmem:s24+$0x10660]  }
0x335: {  	v34 =	vld [tilespmem:s24+$0x12200];
	v15 =	vadd.f32 v9, v18;
	v9 =	vmul.f32 v12, v7  }
0x336: {  	v18 =	vld [tilespmem:s24+$0x12210];
	v13 =	vadd.f32 v10, v17;
	v11 =	vmul.f32 v28, v7  }
0x337: {  	v17 =	vld [tilespmem:s24+$0x12220];
	v10 =	vadd.f32 v9, v19;
	v9 =	vmul.f32 v14, v7  }
0x338: {  	v19 =	vld [tilespmem:s24+$0x12230];
	v11 =	vadd.f32 v11, v20;
	v12 =	vmul.f32 v27, v7  }
0x339: {  	v20 =	vld [tilespmem:s24+$0x12240];
	v14 =	vadd.f32 v9, v21;
	v9 =	vmul.f32 v16, v7  }
0x33a: {  	v16 =	vmul.f32 v34, v8;
	v21 =	vld [tilespmem:s24+$0x12250];
	v12 =	vadd.f32 v12, v22  }
0x33b: {  	v18 =	vmul.f32 v18, v8;
	v22 =	vld [tilespmem:s24+$0x12260];
	v9 =	vadd.f32 v9, v23  }
0x33c: {  	v16 =	vadd.f32 v16, v24;
	v17 =	vmul.f32 v17, v8;
	v23 =	vld [tilespmem:s24+$0x12270]  }
0x33d: {  	v18 =	vadd.f32 v18, v25;
	v19 =	vmul.f32 v19, v8;
	v24 =	vld [tilespmem:s24+$0x12600]  }
0x33e: {  	[tilespmem:s24+$0x16200] =	vst v16;
	v17 =	vadd.f32 v17, v30;
	v20 =	vmul.f32 v20, v8;
	v25 =	vld [tilespmem:s24+$0x12610]  }
.Ltmp3:
0x33f: {  	[tilespmem:s24+$0x16210] =	vst v18;
	v18 =	vadd.f32 v19, v26;
	v19 =	vmul.f32 v21, v8;
	v16 =	vld [tilespmem:s24+$0x12620];
	(pc) =	sbr.rel @p0 .LBB2_8-.Ltmp3, $4  }
0x340: {  	[tilespmem:s24+$0x16220] =	vst v17;
	v20 =	vadd.f32 v20, v31;
	v21 =	vmul.f32 v22, v8;
	v17 =	vld [tilespmem:s24+$0x12630]  }
0x341: {  	s26 =	sadd.s32 $0x80, s26;
	[tilespmem:s24+$0x16230] =	vst v18;
	v26 =	vadd.f32 v19, v32;
	v23 =	vmul.f32 v23, v8;
	v18 =	vld [tilespmem:s24+$0x12640]  }
0x342: {  	s30 =	sand.u32 $0x380, s26;
	s29 =	sand.u32 $0x1800, s28;
	[tilespmem:s24+$0x16240] =	vst v20;
	v21 =	vadd.f32 v21, v29;
	v22 =	vmul.f32 v24, v8;
	v19 =	vld [tilespmem:s24+$0x12650]  }
0x343: {  	s28 =	sadd.s32 $0x100, s28;
	s29 =	sor.u32 s30, s29;
	[tilespmem:s24+$0x16250] =	vst v26;
	v24 =	vadd.f32 v23, v33;
	v23 =	vmul.f32 v25, v8;
	v20 =	vld [tilespmem:s24+$0x12660]  }
0x344: {  	v25 =	vld [tilespmem:s29+$0xA670];
	[tilespmem:s24+$0x16260] =	vst v21;
	v15 =	vadd.f32 v22, v15;
	v16 =	vmul.f32 v16, v8  }
0x345: {  	v21 =	vld [tilespmem:s29+$0xC670];
	[tilespmem:s24+$0x16270] =	vst v24;
	v13 =	vadd.f32 v23, v13;
	v17 =	vmul.f32 v17, v8  }
0x346: {  	v22 =	vld [tilespmem:s29+$0xA200];
	[tilespmem:s24+$0x16600] =	vst v15;
	v10 =	vadd.f32 v16, v10;
	v58 =	vmul.f32 v18, v8  }
0x347: {  	v15 =	vld [tilespmem:s29+$0xE670];
	[tilespmem:s24+$0x16610] =	vst v13;
	v11 =	vadd.f32 v17, v11;
	v59 =	vmul.f32 v19, v8  }
0x348: {  	v13 =	vld [tilespmem:s29+$0xC200];
	[tilespmem:s24+$0x16620] =	vst v10;
	v14 =	vadd.f32 v58, v14;
	v60 =	vmul.f32 v20, v8  }
0x349: {  	v10 =	vld [tilespmem:s29+$0x10670];
	[tilespmem:s24+$0x16630] =	vst v11;
	v12 =	vadd.f32 v59, v12  }
0x34a: {  	v11 =	vld [tilespmem:s29+$0xA210];
	[tilespmem:s24+$0x16640] =	vst v14;
	v9 =	vadd.f32 v60, v9  }
0x34b: {  	v14 =	vld [tilespmem:s29+$0x12670];
	[tilespmem:s24+$0x16650] =	vst v12  }
0x34c: {  	v63 =	vld [tilespmem:s29+$0xC210];
	[tilespmem:s24+$0x16660] =	vst v9  }
0x34d: {  	v53 =	vld [tilespmem:s29+$0xA220]  }
0x34e: {  	v54 =	vld [tilespmem:s29+$0xC220]  }
0x34f: {  	v55 =	vld [tilespmem:s29+$0xA230]  }
0x350: {  	v56 =	vld [tilespmem:s29+$0xC230]  }
0x351: {  	v57 =	vld [tilespmem:s29+$0xA240]  }
0x352: {  	v58 =	vld [tilespmem:s29+$0xC240]  }
0x353: {  	v61 =	vmul.f32 v25, v4;
	v62 =	vmul.f32 v21, v5;
	v59 =	vld [tilespmem:s29+$0xC250]  }
0x354: {  	v60 =	vld [tilespmem:s29+$0xC260]  }
0x355: {  	v9 =	vadd.f32 v62, v61;
	v61 =	vld [tilespmem:s29+$0xA270]  }
0x356: {  	v24 =	vld [tilespmem:s29+$0xC270]  }
0x357: {  	v62 =	vld [tilespmem:s29+$0xA600]  }
0x358: {  	v26 =	vld [tilespmem:s29+$0xC600]  }
0x359: {  	v27 =	vld [tilespmem:s29+$0xA610]  }
0x35a: {  	v28 =	vld [tilespmem:s29+$0xC610]  }
0x35b: {  	v29 =	vld [tilespmem:s29+$0xA620]  }
0x35c: {  	v30 =	vld [tilespmem:s29+$0xC620]  }
0x35d: {  	v31 =	vld [tilespmem:s29+$0xA630]  }
0x35e: {  	v32 =	vld [tilespmem:s29+$0xC630]  }
0x35f: {  	v33 =	vld [tilespmem:s29+$0xA640]  }
0x360: {  	v34 =	vld [tilespmem:s29+$0xC640]  }
0x361: {  	v35 =	vld [tilespmem:s29+$0xA650]  }
0x362: {  	v36 =	vld [tilespmem:s29+$0xC650]  }
0x363: {  	v37 =	vld [tilespmem:s29+$0xA660]  }
0x364: {  	v38 =	vld [tilespmem:s29+$0xC660]  }
0x365: {  	v39 =	vld [tilespmem:s29+$0xE200]  }
0x366: {  	v52 =	vmul.f32 v15, v6;
	v40 =	vld [tilespmem:s29+$0xE210]  }
0x367: {  	v41 =	vld [tilespmem:s29+$0xE220]  }
0x368: {  	v42 =	vld [tilespmem:s29+$0xE230];
	v9 =	vadd.f32 v52, v9;
	v10 =	vmul.f32 v10, v7  }
0x369: {  	v22 =	vmul.f32 v22, v4;
	v43 =	vld [tilespmem:s29+$0xE240];
	v13 =	vmul.f32 v13, v5  }
0x36a: {  	v44 =	vld [tilespmem:s29+$0xE250];
	v11 =	vmul.f32 v11, v4;
	v9 =	vadd.f32 v10, v9;
	v10 =	vmul.f32 v14, v8  }
0x36b: {  	v45 =	vld [tilespmem:s29+$0xE260];
	v17 =	vmul.f32 v63, v5;
	v15 =	vmul.f32 v53, v4  }
0x36c: {  	v46 =	vld [tilespmem:s29+$0xE270];
	v16 =	vmul.f32 v54, v5;
	v12 =	vmul.f32 v55, v4  }
0x36d: {  	v19 =	vld [tilespmem:s29+$0x10200];
	v18 =	vmul.f32 v56, v5;
	v14 =	vmul.f32 v57, v4  }
0x36e: {  	v20 =	vld [tilespmem:s29+$0x10210];
	v63 =	vmul.f32 v58, v5;
	v53 =	vmul.f32 v59, v5  }
0x36f: {  	v23 =	vld [tilespmem:s29+$0x10220];
	v54 =	vmul.f32 v60, v5;
	v55 =	vmul.f32 v61, v4  }
0x370: {  	v25 =	vld [tilespmem:s29+$0x10230];
	v56 =	vmul.f32 v24, v5;
	v57 =	vmul.f32 v62, v4  }
0x371: {  	v47 =	vld [tilespmem:s29+$0xE600];
	v58 =	vmul.f32 v26, v5;
	v59 =	vmul.f32 v27, v4  }
0x372: {  	v48 =	vld [tilespmem:s29+$0xE610];
	v13 =	vadd.f32 v13, v22;
	v60 =	vmul.f32 v28, v5;
	v61 =	vmul.f32 v29, v4  }
0x373: {  	v49 =	vld [tilespmem:s29+$0xE620];
	v9 =	vadd.f32 v10, v9;
	v62 =	vmul.f32 v30, v5;
	v19 =	vmul.f32 v19, v7  }
0x374: {  	v50 =	vld [tilespmem:s29+$0xE630];
	v20 =	vmul.f32 v20, v7;
	v23 =	vmul.f32 v23, v7;
	v11 =	vadd.f32 v17, v11  }
0x375: {  	v51 =	vld [tilespmem:s29+$0xE640];
	v25 =	vmul.f32 v25, v7;
	v15 =	vadd.f32 v16, v15;
	v12 =	vadd.f32 v18, v12  }
0x376: {  	v52 =	vld [tilespmem:s29+$0xE650];
	v14 =	vadd.f32 v63, v14;
	v17 =	vadd.f32 v56, v55;
	v63 =	vmul.f32 v31, v4  }
0x377: {  	v22 =	vld [tilespmem:s29+$0xE660];
	v16 =	vadd.f32 v58, v57;
	v55 =	vmul.f32 v34, v5;
	v56 =	vmul.f32 v35, v4  }
0x378: {  	v10 =	vld [tilespmem:s29+$0xA250];
	v18 =	vadd.f32 v60, v59;
	v57 =	vmul.f32 v36, v5;
	v58 =	vmul.f32 v37, v4  }
0x379: {  	v27 =	vld [tilespmem:s29+$0x10240];
	v21 =	vadd.f32 v62, v61;
	v59 =	vmul.f32 v38, v5;
	v60 =	vmul.f32 v39, v6  }
0x37a: {  	v29 =	vld [tilespmem:s29+$0x10250];
	v61 =	vmul.f32 v40, v6;
	v62 =	vmul.f32 v41, v6;
	v28 =	vadd.f32 v57, v56  }
0x37b: {  	[tilespmem:s29+$0x16670] =	vst v9;
	v9 =	vld [tilespmem:s29+$0xA260];
	v30 =	vadd.f32 v59, v58;
	v13 =	vadd.f32 v60, v13;
	v56 =	vmul.f32 v46, v6  }
0x37c: {  	v31 =	vld [tilespmem:s29+$0x10260];
	v11 =	vadd.f32 v61, v11;
	v58 =	vmul.f32 v47, v6;
	v60 =	vmul.f32 v48, v6  }
0x37d: {  	v34 =	vld [tilespmem:s29+$0x10630];
	v15 =	vadd.f32 v62, v15;
	v61 =	vmul.f32 v49, v6;
	v17 =	vadd.f32 v56, v17  }
0x37e: {  	v22 =	vmul.f32 v22, v6;
	v59 =	vld [tilespmem:s29+$0x12210];
	v16 =	vadd.f32 v58, v16;
	v18 =	vadd.f32 v60, v18  }
0x37f: {  	v62 =	vld [tilespmem:s29+$0x12220];
	v10 =	vmul.f32 v10, v4;
	v21 =	vadd.f32 v61, v21;
	v13 =	vadd.f32 v19, v13  }
0x380: {  	v48 =	vld [tilespmem:s29+$0x12230];
	v11 =	vadd.f32 v20, v11;
	v15 =	vadd.f32 v23, v15;
	v9 =	vmul.f32 v9, v4  }
0x381: {  	v39 =	vld [tilespmem:s29+$0x10620];
	v60 =	vmul.f32 v27, v7;
	v10 =	vadd.f32 v53, v10;
	v53 =	vmul.f32 v32, v5  }
0x382: {  	v57 =	vld [tilespmem:s29+$0x12200];
	v47 =	vmul.f32 v34, v7;
	v9 =	vadd.f32 v54, v9;
	v54 =	vmul.f32 v33, v4  }
0x383: {  	v56 =	vld [tilespmem:s29+$0x12260];
	v24 =	vadd.f32 v53, v63;
	v63 =	vmul.f32 v42, v6;
	v53 =	vmul.f32 v43, v6  }
0x384: {  	v22 =	vadd.f32 v22, v30;
	v30 =	vld [tilespmem:s29+$0x12620];
	v42 =	vmul.f32 v59, v8;
	v59 =	vmul.f32 v62, v8  }
0x385: {  	v35 =	vld [tilespmem:s29+$0x10600];
	v62 =	vmul.f32 v48, v8;
	v26 =	vadd.f32 v55, v54;
	v54 =	vmul.f32 v44, v6  }
0x386: {  	v38 =	vld [tilespmem:s29+$0x10640];
	v55 =	vmul.f32 v45, v6;
	v12 =	vadd.f32 v63, v12;
	v14 =	vadd.f32 v53, v14  }
0x387: {  	v49 =	vld [tilespmem:s29+$0x12240];
	v63 =	vmul.f32 v50, v6;
	v50 =	vmul.f32 v57, v8;
	v11 =	vadd.f32 v42, v11  }
0x388: {  	v58 =	vld [tilespmem:s29+$0x12600];
	v44 =	vmul.f32 v39, v7;
	v46 =	vmul.f32 v56, v8;
	v10 =	vadd.f32 v54, v10  }
0x389: {  	v33 =	vld [tilespmem:s29+$0x10270];
	v56 =	vmul.f32 v30, v8;
	v9 =	vadd.f32 v55, v9;
	v24 =	vadd.f32 v63, v24  }
0x38a: {  	v53 =	vld [tilespmem:s29+$0x12250];
	v54 =	vmul.f32 v51, v6;
	v55 =	vmul.f32 v52, v6;
	v13 =	vadd.f32 v50, v13  }
0x38b: {  	v57 =	vld [tilespmem:s29+$0x12270];
	v12 =	vadd.f32 v25, v12;
	[tilespmem:s29+$0x16210] =	vst v11;
	v11 =	vmul.f32 v29, v7;
	v63 =	vmul.f32 v31, v7  }
0x38c: {  	v37 =	vld [tilespmem:s29+$0x10610];
	v14 =	vadd.f32 v60, v14;
	v31 =	vmul.f32 v49, v8;
	v50 =	vmul.f32 v38, v7  }
0x38d: {  	v41 =	vld [tilespmem:s29+$0x10650];
	v51 =	vmul.f32 v58, v8;
	v26 =	vadd.f32 v54, v26;
	v28 =	vadd.f32 v55, v28  }
0x38e: {  	v61 =	vld [tilespmem:s29+$0x12610];
	v32 =	vmul.f32 v33, v7;
	[tilespmem:s29+$0x16200] =	vst v13;
	v13 =	vadd.f32 v59, v15;
	v10 =	vadd.f32 v11, v10  }
0x38f: {  	v43 =	vld [tilespmem:s29+$0x10660];
	v33 =	vmul.f32 v35, v7;
	v11 =	vadd.f32 v62, v12;
	v9 =	vadd.f32 v63, v9  }
0x390: {  	v35 =	vld [tilespmem:s29+$0x12630];
	v12 =	vadd.f32 v31, v14;
	v42 =	vmul.f32 v53, v8;
	v48 =	vmul.f32 v57, v8;
	[tilespmem:s29+$0x16220] =	vst v13  }
0x391: {  	v45 =	vld [tilespmem:s29+$0x12640];
	[tilespmem:s29+$0x16230] =	vst v11;
	v11 =	vmul.f32 v37, v7;
	v13 =	vadd.f32 v32, v17;
	v9 =	vadd.f32 v46, v9  }
0x392: {  	v49 =	vld [tilespmem:s29+$0x12650];
	v55 =	vmul.f32 v41, v7;
	v15 =	vadd.f32 v33, v16;
	[tilespmem:s29+$0x16240] =	vst v12;
	v10 =	vadd.f32 v42, v10  }
0x393: {  	v54 =	vld [tilespmem:s29+$0x12660];
	v53 =	vmul.f32 v61, v8;
	v11 =	vadd.f32 v11, v18;
	v52 =	vadd.f32 v48, v13;
	[tilespmem:s29+$0x16260] =	vst v9  }
0x394: {  	v59 =	vmul.f32 v43, v7;
	v16 =	vadd.f32 v44, v21;
	v9 =	vadd.f32 v51, v15;
	[tilespmem:s29+$0x16250] =	vst v10  }
0x395: {  	v58 =	vmul.f32 v35, v8;
	v10 =	vadd.f32 v47, v24;
	[tilespmem:s29+$0x16270] =	vst v52;
	v11 =	vadd.f32 v53, v11  }
0x396: {  	v60 =	vmul.f32 v45, v8;
	v57 =	vadd.f32 v50, v26;
	[tilespmem:s29+$0x16600] =	vst v9;
	v9 =	vadd.f32 v56, v16  }
0x397: {  	s23 =	sadd.s32 $0x1, s23;
	v61 =	vadd.f32 v55, v28;
	v10 =	vadd.f32 v58, v10;
	[tilespmem:s29+$0x16610] =	vst v11;
	v11 =	vmul.f32 v49, v8  }
0x398: {  	p0 =	sne.s32 s23, $0x93;
	v62 =	vadd.f32 v59, v22;
	v63 =	vmul.f32 v54, v8;
	[tilespmem:s29+$0x16620] =	vst v9;
	v9 =	vadd.f32 v60, v57  }
.Ltmp4:
0x399: {  	s31 =	sadd.s32 s25, s10;
	[tilespmem:s29+$0x16630] =	vst v10;
	v10 =	vadd.f32 v11, v61;
	(pc) =	sbr.rel @p0 .LBB2_2-.Ltmp4, $4  }
0x39a: {  	s24 =	sadd.s32 $0x2000, s31;
	[tilespmem:s29+$0x16640] =	vst v9;
	v9 =	vadd.f32 v63, v62  }
0x39b: {  	s24 =	sshrl.u32 s24, $0x3;
	[tilespmem:s29+$0x16650] =	vst v10  }
0x39c: {  	s24 =	sadd.s32 s7, s24;
	[tilespmem:s29+$0x16660] =	vst v9  }
0x39d: {  	[hbm4b:s24+s3] =	stream.linear.scatter [tilespmem:s20], [sflag:$0x6], $0x2000, $0x38;
	[tilespmem:$0x18280] =	vst v63  }
0x39e: {  	_ =	swait.ge [sflag:s21], $0x2000  }
0x39f: {  	[sflag:s21] =	ssyncset.done $0x0  }
0x3a0: {  	[sflag:s21] =	ssyncadd.s32 $0xFFFFE000  }
0x3a1: {  	_ =	swait.ge [sflag:s22], $0x2000  }
0x3a2: {  	s24 =	rddreg [dreg:$0x6]  }
0x3a3: {  	s23 =	rddreg [dreg:$0x5];
	s24 =	sadd.s32 $0x1, s24  }
0x3a4: {  	p0 =	sne.s32 s24, s23  }
.Ltmp5:
0x3a5: {  	_ = 	snop;
	(pc) =	sbr.rel @p0 .LBB2_1-.Ltmp5, $3  }
0x3a6: {  	_ =	sdelay $0x1  }
0x3a7: {  	[sflag:s22] =	ssyncset.done $0x0  }
0x3a8: {  	[sflag:s22] =	ssyncadd.s32 $0xFFFFE000  }
0x3a9: {  	_ =	sfence.sel $0x180000  }
0x3aa: {  	[bflag:$0x0] =	sbarrier.arrive $0xFFFF  }
0x3ab: {  	_ =	strace $0x90000047  }
0x3ac: {  	s0 =	stileid.u32;
	[bflag:$0x2] =	sbarrier.arrive $0xFFFF  }
0x3ad: {  	p0 =	sne.s32 s0, $0x0;
	s0 =	rddreg [dreg:$0x2]  }
0x3ae: {  	s0 =	sadd.s32 @!p0 $0x100000, s0  }
0x3af: {  	[sflag:s0] =	ssyncadd.tile.s32 @!p0 $0x1;
	_ =	shalt  }
.Lfunc_end2:
_tile_overlayer_lowered:
.L_overlay_start_2:
0x3b0: {  	(tag) =	ssettag $0x2  }
0x3b1: {  	s0 =	rddreg [dreg:$0x0];
	s2 =	stileid.u32  }
0x3b2: {  	s1 =	rddreg [dreg:$0x1];
	p0 =	sne.s32 s2, $0x0  }
0x3b3: {  	s3 =	rddreg [dreg:$0x2];
	[bflag:$0x3] =	sbarrier.arrive $0xFFFF;
	s2 =	simm.s32 @!p0 $0x1C07  }
0x3b4: {  	[timem:s3], [sflag:s2] =	dma.local @!p0 [hbm:s0], s1  }
0x3b5: {  	s0 =	simm.s32 @!p0 $0x7  }
0x3b6: {  	_ =	swait.ge @!p0 [sflag:s0], s1  }
0x3b7: {  	s1 =	ssub.s32 @!p0 $0x0, s1;
	[sflag:s0] =	ssyncset.done @!p0 $0x0  }
0x3b8: {  	[sflag:s0] =	ssyncadd.s32 @!p0 s1  }
0x3b9: {  	[bflag:$0x3] =	sbarrier.arrive $0xFFFF  }
0x3ba: {  	_ =	shalt  }

</sc_bundles>
